<compile_context>
chip_gen: v7x
topology: tpu7x:2x2x1
jax: 0.10.2.dev20260603
libtpu: 0.0.44.dev20260713+nightly
codegen_flags: <defaults>
</compile_context>

<pallas_src>
import functools

import jax
import jax.numpy as jnp
from jax import lax
from jax.experimental import pallas as pl
from jax.experimental.pallas import tpu as pltpu
from jax.experimental.pallas import tpu_sc as plsc

N = 10000
D = 256
DH = 128
E = 160000
E_PAD = 163840
ACC_ROWS = 10112
ROWS_PER_TILE = 632
NC, NS = 2, 16
CHUNK = 128
N_HALF = 2
HALF_CHUNKS = E_PAD // NS // N_HALF // CHUNK
DEG_CHUNKS = E_PAD // (NC * NS) // CHUNK
NBLK = 400
NSTEPS = N // NBLK

_mesh = plsc.VectorSubcoreMesh(core_axis_name="c", subcore_axis_name="s")

_acc_sd = jax.ShapeDtypeStruct((ACC_ROWS, DH), jnp.float32)


@functools.partial(
    pl.kernel, mesh=_mesh,
    out_type=(_acc_sd, _acc_sd),
    scratch_types=[
        pltpu.VMEM((DEG_CHUNKS, CHUNK), jnp.int32),
        pltpu.VMEM((CHUNK, DH), jnp.float32),
        pltpu.VMEM_SHARED((ACC_ROWS, DH), jnp.float32),
        pltpu.SemaphoreType.DMA,
    ],
)
def _deg_kernel(dst_hbm, ones_hbm, zeros_hbm, deg0_hbm, deg1_hbm,
                idx_v, ones_v, acc, dsem):
    c = lax.axis_index("c")
    s = lax.axis_index("s")
    wid = c * NS + s
    sl = pl.ds(s * ROWS_PER_TILE, ROWS_PER_TILE)
    pltpu.sync_copy(dst_hbm.at[wid], idx_v)
    pltpu.sync_copy(ones_hbm, ones_v)
    pltpu.sync_copy(zeros_hbm, acc.at[sl])
    plsc.subcore_barrier()

    @pl.loop(0, DEG_CHUNKS)
    def _(j):
        pltpu.async_copy(ones_v, acc.at[idx_v.at[j]], dsem, add=True)

    @pl.loop(0, DEG_CHUNKS)
    def _(j):
        pltpu.make_async_copy(ones_v, acc.at[idx_v.at[j]], dsem).wait()

    plsc.subcore_barrier()

    def out_copy(dref):
        pltpu.sync_copy(acc.at[sl], dref.at[sl])

    pl.when(c == 0)(lambda: out_copy(deg0_hbm))
    pl.when(c == 1)(lambda: out_copy(deg1_hbm))


@functools.partial(
    pl.kernel, mesh=_mesh,
    out_type=(_acc_sd, _acc_sd),
    scratch_types=[
        pltpu.VMEM((HALF_CHUNKS, CHUNK), jnp.int32),
        pltpu.VMEM((HALF_CHUNKS, CHUNK), jnp.int32),
        pltpu.VMEM((CHUNK, DH), jnp.float32),
        pltpu.VMEM((CHUNK, DH), jnp.float32),
        pltpu.VMEM_SHARED((ACC_ROWS, DH), jnp.float32),
        pltpu.SemaphoreType.DMA,
        pltpu.SemaphoreType.DMA,
    ],
)
def _agg_kernel(g0_hbm, g1_hbm, src_hbm, dst_hbm, zeros_hbm,
                out0_hbm, out1_hbm, idx_s, idx_d, buf0, buf1, acc,
                sem0, sem1):
    c = lax.axis_index("c")
    s = lax.axis_index("s")
    sl = pl.ds(s * ROWS_PER_TILE, ROWS_PER_TILE)
    pltpu.sync_copy(zeros_hbm, acc.at[sl])
    plsc.subcore_barrier()

    def run(g_hbm):
        @pl.loop(0, N_HALF)
        def _(h):
            pltpu.sync_copy(src_hbm.at[s * N_HALF + h], idx_s)
            pltpu.sync_copy(dst_hbm.at[s * N_HALF + h], idx_d)
            pltpu.async_copy(g_hbm.at[idx_s.at[0]], buf0, sem0)

            @pl.loop(0, HALF_CHUNKS, step=2)
            def _(j):
                pltpu.async_copy(g_hbm.at[idx_s.at[j + 1]], buf1, sem1)
                pltpu.make_async_copy(g_hbm.at[idx_s.at[j]], buf0, sem0).wait()
                pltpu.sync_copy(buf0, acc.at[idx_d.at[j]], add=True)

                @pl.when(j + 2 < HALF_CHUNKS)
                def _():
                    pltpu.async_copy(g_hbm.at[idx_s.at[j + 2]], buf0, sem0)

                pltpu.make_async_copy(g_hbm.at[idx_s.at[j + 1]], buf1,
                                      sem1).wait()
                pltpu.sync_copy(buf1, acc.at[idx_d.at[j + 1]], add=True)

    pl.when(c == 0)(lambda: run(g0_hbm))
    pl.when(c == 1)(lambda: run(g1_hbm))
    plsc.subcore_barrier()

    def out_copy(oref):
        pltpu.sync_copy(acc.at[sl], oref.at[sl])

    pl.when(c == 0)(lambda: out_copy(out0_hbm))
    pl.when(c == 1)(lambda: out_copy(out1_hbm))


def _dis_body(d0_ref, d1_ref, o_ref):
    deg = d0_ref[:, 0:1] + d1_ref[:, 0:1] + 1.0
    o_ref[...] = lax.rsqrt(deg)


def _mm1_body(x_ref, w_ref, h_ref):
    h_ref[...] = jnp.dot(x_ref[...], w_ref[...],
                         preferred_element_type=jnp.float32)


def _scale_body(h_ref, dis_ref, g0_ref, g1_ref):
    g = h_ref[...] * dis_ref[...]
    g0_ref[...] = g[:, :DH]
    g1_ref[...] = g[:, DH:]


def _mid_body(a0_ref, a1_ref, g0_ref, g1_ref, dis_ref, b1_ref, w2_ref,
              o0_ref, o1_ref):
    agg = jnp.concatenate([a0_ref[...], a1_ref[...]], axis=1)
    g = jnp.concatenate([g0_ref[...], g1_ref[...]], axis=1)
    z = jnp.maximum(dis_ref[...] * (agg + g) + b1_ref[...], 0.0)
    h2 = jnp.dot(z, w2_ref[...], preferred_element_type=jnp.float32)
    g2 = h2 * dis_ref[...]
    o0_ref[...] = g2[:, :DH]
    o1_ref[...] = g2[:, DH:]


def _fin_body(a0_ref, a1_ref, g0_ref, g1_ref, dis_ref, b2_ref, o_ref):
    i = pl.program_id(0)
    agg = jnp.concatenate([a0_ref[...], a1_ref[...]], axis=1)
    g = jnp.concatenate([g0_ref[...], g1_ref[...]], axis=1)
    y = dis_ref[...] * (agg + g)
    part = jnp.sum(y, axis=0, keepdims=True)

    @pl.when(i == 0)
    def _():
        o_ref[...] = part

    @pl.when(i > 0)
    def _():
        o_ref[...] += part

    @pl.when(i == NSTEPS - 1)
    def _():
        o_ref[...] = o_ref[...] * (1.0 / N) + b2_ref[...]


_dis_call = pl.pallas_call(
    _dis_body,
    grid=(8,),
    in_specs=[
        pl.BlockSpec((ACC_ROWS // 8, DH), lambda i: (i, 0)),
        pl.BlockSpec((ACC_ROWS // 8, DH), lambda i: (i, 0)),
    ],
    out_specs=pl.BlockSpec((ACC_ROWS // 8, 1), lambda i: (i, 0)),
    out_shape=jax.ShapeDtypeStruct((ACC_ROWS, 1), jnp.float32),
)

_mm1_call = pl.pallas_call(
    _mm1_body,
    grid=(NSTEPS,),
    in_specs=[
        pl.BlockSpec((NBLK, D), lambda i: (i, 0)),
        pl.BlockSpec((D, D), lambda i: (0, 0)),
    ],
    out_specs=pl.BlockSpec((NBLK, D), lambda i: (i, 0)),
    out_shape=jax.ShapeDtypeStruct((N, D), jnp.float32),
)

_scale_call = pl.pallas_call(
    _scale_body,
    grid=(NSTEPS,),
    in_specs=[
        pl.BlockSpec((NBLK, D), lambda i: (i, 0)),
        pl.BlockSpec((NBLK, 1), lambda i: (i, 0)),
    ],
    out_specs=(
        pl.BlockSpec((NBLK, DH), lambda i: (i, 0)),
        pl.BlockSpec((NBLK, DH), lambda i: (i, 0)),
    ),
    out_shape=(
        jax.ShapeDtypeStruct((N, DH), jnp.float32),
        jax.ShapeDtypeStruct((N, DH), jnp.float32),
    ),
)

_mid_call = pl.pallas_call(
    _mid_body,
    grid=(NSTEPS,),
    in_specs=[
        pl.BlockSpec((NBLK, DH), lambda i: (i, 0)),
        pl.BlockSpec((NBLK, DH), lambda i: (i, 0)),
        pl.BlockSpec((NBLK, DH), lambda i: (i, 0)),
        pl.BlockSpec((NBLK, DH), lambda i: (i, 0)),
        pl.BlockSpec((NBLK, 1), lambda i: (i, 0)),
        pl.BlockSpec((1, D), lambda i: (0, 0)),
        pl.BlockSpec((D, D), lambda i: (0, 0)),
    ],
    out_specs=(
        pl.BlockSpec((NBLK, DH), lambda i: (i, 0)),
        pl.BlockSpec((NBLK, DH), lambda i: (i, 0)),
    ),
    out_shape=(
        jax.ShapeDtypeStruct((N, DH), jnp.float32),
        jax.ShapeDtypeStruct((N, DH), jnp.float32),
    ),
)

_fin_call = pl.pallas_call(
    _fin_body,
    grid=(NSTEPS,),
    in_specs=[
        pl.BlockSpec((NBLK, DH), lambda i: (i, 0)),
        pl.BlockSpec((NBLK, DH), lambda i: (i, 0)),
        pl.BlockSpec((NBLK, DH), lambda i: (i, 0)),
        pl.BlockSpec((NBLK, DH), lambda i: (i, 0)),
        pl.BlockSpec((NBLK, 1), lambda i: (i, 0)),
        pl.BlockSpec((1, D), lambda i: (0, 0)),
    ],
    out_specs=pl.BlockSpec((1, D), lambda i: (0, 0)),
    out_shape=jax.ShapeDtypeStruct((1, D), jnp.float32),
)


@jax.jit
def kernel(x, edge_index, W1, b1, W2, b2):
    src = edge_index[0].astype(jnp.int32)
    dst = edge_index[1].astype(jnp.int32)
    pad = E_PAD - E
    src_p = jnp.concatenate([src, jnp.zeros((pad,), jnp.int32)])
    dst_p = jnp.concatenate([dst, jnp.full((pad,), N, jnp.int32)])
    src_agg = src_p.reshape(NS * N_HALF, HALF_CHUNKS, CHUNK)
    dst_agg = dst_p.reshape(NS * N_HALF, HALF_CHUNKS, CHUNK)
    dst_deg = dst_p.reshape(NC * NS, DEG_CHUNKS, CHUNK)
    zeros = jnp.zeros((ROWS_PER_TILE, DH), jnp.float32)
    ones = jnp.ones((CHUNK, DH), jnp.float32)

    deg0, deg1 = _deg_kernel(dst_deg, ones, zeros)
    h1 = _mm1_call(x, W1)
    dis = _dis_call(deg0, deg1)

    g0, g1 = _scale_call(h1, dis)
    a0, a1 = _agg_kernel(g0, g1, src_agg, dst_agg, zeros)
    h0, h1 = _mid_call(a0, a1, g0, g1, dis, b1.reshape(1, D), W2)
    c0, c1 = _agg_kernel(h0, h1, src_agg, dst_agg, zeros)
    out = _fin_call(c0, c1, h0, h1, dis, b2.reshape(1, D))
    return out

# --- scband reference (transcript-rebuilt; emitter-appended) ---
"""Pipeline reference for scband-gcn-29987461660871 (READ-ONLY COPY).

The authoritative reference and input builder live on the scoring server;
editing this copy changes nothing except your own understanding.
"""

import jax, jax.numpy as jnp
import numpy as np

N_NODES = 10000
D_IN = 256
D_HID = 256
D_OUT = 256
N_EDGES = 160000


def gcn_conv(x, edge_index, W, b):
    # PyG GCNConv: add self-loops, symmetric normalization D^{-1/2}(A+I)D^{-1/2} x W + b
    n = x.shape[0]
    loop = jnp.arange(n, dtype=edge_index.dtype)
    src = jnp.concatenate([edge_index[0], loop])
    dst = jnp.concatenate([edge_index[1], loop])
    deg = jnp.zeros((n,), dtype=x.dtype).at[dst].add(1.0)
    deg_inv_sqrt = jnp.where(deg > 0, jax.lax.rsqrt(jnp.maximum(deg, 1e-12)), 0.0)
    norm = deg_inv_sqrt[src] * deg_inv_sqrt[dst]
    h = x @ W
    msg = h[src] * norm[:, None]
    out = jnp.zeros_like(h).at[dst].add(msg)
    return out + b


def setup_inputs(seed: int = 0) -> dict:
    key = jax.random.key(seed)
    k1, k2, k3, k4 = jax.random.split(key, 4)
    x = jax.random.normal(k1, (N_NODES, D_IN), dtype=jnp.float32)
    edge_index = jax.random.randint(k2, (2, N_EDGES), 0, N_NODES, dtype=jnp.int32)
    # Glorot-style init for GCNConv weights
    W1 = jax.random.normal(k3, (D_IN, D_HID), dtype=jnp.float32) * (1.0 / np.sqrt(D_IN))
    b1 = jnp.zeros((D_HID,), dtype=jnp.float32)
    W2 = jax.random.normal(k4, (D_HID, D_OUT), dtype=jnp.float32) * (1.0 / np.sqrt(D_HID))
    b2 = jnp.zeros((D_OUT,), dtype=jnp.float32)
    return {"x": x, "edge_index": edge_index, "W1": W1, "b1": b1, "W2": W2, "b2": b2}


def reference(x, edge_index, W1, b1, W2, b2):
    h = jax.nn.relu(gcn_conv(x, edge_index, W1, b1))
    h = gcn_conv(h, edge_index, W2, b2)
    # global_mean_pool with batch = zeros -> mean over all nodes, one graph
    out = jnp.mean(h, axis=0, keepdims=True)
    return out

if __name__ == "__main__":
    import jax
    _d = setup_inputs()
    print(jax.jit(kernel)(*tuple(_d.values())))

</pallas_src>

<mosaic_0001>
#map = affine_map<(d0, d1) -> (0, 0)>
#map1 = affine_map<(d0, d1) -> (0, 0, 0)>
module attributes {stable_mosaic.version = 14 : i64} {
  func.func @_agg_kernel(%arg0: i32, %arg1: i32, %arg2: memref<10000x128xf32, #tpu.memory_space<hbm>>, %arg3: memref<10000x128xf32, #tpu.memory_space<hbm>>, %arg4: memref<32x40x128xi32, #tpu.memory_space<hbm>>, %arg5: memref<32x40x128xi32, #tpu.memory_space<hbm>>, %arg6: memref<632x128xf32, #tpu.memory_space<hbm>>, %arg7: memref<10112x128xf32, #tpu.memory_space<hbm>>, %arg8: memref<10112x128xf32, #tpu.memory_space<hbm>>, %arg9: memref<40x128xi32, #tpu.memory_space<vmem>>, %arg10: memref<40x128xi32, #tpu.memory_space<vmem>>, %arg11: memref<128x128xf32, #tpu.memory_space<vmem>>, %arg12: memref<128x128xf32, #tpu.memory_space<vmem>>, %arg13: memref<10112x128xf32, #tpu.memory_space<vmem_shared>>, %arg14: memref<!tpu.dma_semaphore, #tpu.memory_space<semaphore_mem>>, %arg15: memref<!tpu.dma_semaphore, #tpu.memory_space<semaphore_mem>>) attributes {dimension_semantics = [#tpu.dimension_semantics<core_parallel>, #tpu.dimension_semantics<subcore_parallel>], iteration_bounds = array<i64: 2, 16>, scalar_prefetch = 0 : i64, scratch_operands = 7 : i64, tpu.core_type = #tpu.core_type<sc_vector_subcore>, window_params = [{transform_indices = #map}, {transform_indices = #map}, {transform_indices = #map1}, {transform_indices = #map1}, {transform_indices = #map}, {transform_indices = #map}, {transform_indices = #map}]} {
    %mul3A = arith.constant 632 : i32
    %mul3A_0 = arith.muli %arg1, %mul3A : i32
    "tpu.region"() ({
      %run_scoped3A = tpu.sem_alloc : memref<!tpu.dma_semaphore, #tpu.memory_space<semaphore_mem>>
      %dma_start3A = arith.constant 0 : i32
      %dma_start3A_19 = tpu.memref_slice %arg13[%mul3A_0, %dma_start3A] : memref<10112x128xf32, #tpu.memory_space<vmem_shared>> -> memref<632x128xf32, #tpu.memory_space<vmem_shared>>
      tpu.enqueue_dma source(%arg6 : memref<632x128xf32, #tpu.memory_space<hbm>>) target(%dma_start3A_19 : memref<632x128xf32, #tpu.memory_space<vmem_shared>>) target_semaphore(%run_scoped3A : memref<!tpu.dma_semaphore, #tpu.memory_space<semaphore_mem>>)
      %dma_wait3A = arith.constant 0 : i32
      %dma_wait3A_20 = tpu.memref_slice %arg13[%mul3A_0, %dma_wait3A] : memref<10112x128xf32, #tpu.memory_space<vmem_shared>> -> memref<632x128xf32, #tpu.memory_space<vmem_shared>>
      tpu.wait_dma2 semaphore(%run_scoped3A : memref<!tpu.dma_semaphore, #tpu.memory_space<semaphore_mem>>) src(%arg6 : memref<632x128xf32, #tpu.memory_space<hbm>>) dst(%dma_wait3A_20 : memref<632x128xf32, #tpu.memory_space<vmem_shared>>)
      tpu.yield
    }) : () -> ()
    %barrier3A = arith.constant 0 : index
    tpu.barrier barrier_id(%barrier3A)
    %eq3A = arith.constant 0 : i32
    %eq3A_1 = arith.cmpi eq, %arg0, %eq3A : i32
    %convert_element_type3A = arith.extui %eq3A_1 : i1 to i32
    %cond3A = arith.constant 0 : i32
    %cond3A_2 = arith.cmpi ne, %convert_element_type3A, %cond3A : i32
    scf.if %cond3A_2 {
      %scan3A = arith.constant 0 : i32
      %scan3A_19 = arith.constant 2 : i32
      %scan3A_20 = arith.addi %scan3A, %scan3A_19 : i32
      %scan3A_21 = arith.constant 1 : i32
      scf.for %scan3A_23 = %scan3A to %scan3A_20 step %scan3A_21  : i32 {
        %mul3A_24 = arith.constant 1 : i32
        %mul3A_25 = arith.muli %scan3A_23, %mul3A_24 : i32
        %add3A = arith.constant 0 : i32
        %add3A_26 = arith.addi %add3A, %mul3A_25 : i32
        %mul3A_27 = arith.constant 2 : i32
        %mul3A_28 = arith.muli %arg1, %mul3A_27 : i32
        %add3A_29 = arith.addi %mul3A_28, %add3A_26 : i32
        "tpu.region"() ({
          %run_scoped3A = tpu.sem_alloc : memref<!tpu.dma_semaphore, #tpu.memory_space<semaphore_mem>>
          %dma_start3A_44 = arith.constant 0 : i32
          %dma_start3A_45 = arith.constant 0 : i32
          %dma_start3A_46 = tpu.memref_slice %arg4[%add3A_29, %dma_start3A_44, %dma_start3A_45] : memref<32x40x128xi32, #tpu.memory_space<hbm>> -> memref<1x40x128xi32, #tpu.memory_space<hbm>>
          %dma_start3A_47 = tpu.memref_squeeze %dma_start3A_46 : memref<1x40x128xi32, #tpu.memory_space<hbm>> -> memref<40x128xi32, #tpu.memory_space<hbm>>
          %dma_start3A_48 = arith.constant 0 : i32
          %dma_start3A_49 = arith.constant 0 : i32
          %dma_start3A_50 = tpu.memref_slice %arg4[%add3A_29, %dma_start3A_48, %dma_start3A_49] : memref<32x40x128xi32, #tpu.memory_space<hbm>> -> memref<1x40x128xi32, #tpu.memory_space<hbm>>
          %dma_start3A_51 = tpu.memref_squeeze %dma_start3A_50 : memref<1x40x128xi32, #tpu.memory_space<hbm>> -> memref<40x128xi32, #tpu.memory_space<hbm>>
          tpu.enqueue_dma source(%dma_start3A_51 : memref<40x128xi32, #tpu.memory_space<hbm>>) target(%arg9 : memref<40x128xi32, #tpu.memory_space<vmem>>) target_semaphore(%run_scoped3A : memref<!tpu.dma_semaphore, #tpu.memory_space<semaphore_mem>>)
          %dma_wait3A = arith.constant 0 : i32
          %dma_wait3A_52 = arith.constant 0 : i32
          %dma_wait3A_53 = tpu.memref_slice %arg4[%add3A_29, %dma_wait3A, %dma_wait3A_52] : memref<32x40x128xi32, #tpu.memory_space<hbm>> -> memref<1x40x128xi32, #tpu.memory_space<hbm>>
          %dma_wait3A_54 = tpu.memref_squeeze %dma_wait3A_53 : memref<1x40x128xi32, #tpu.memory_space<hbm>> -> memref<40x128xi32, #tpu.memory_space<hbm>>
          %dma_wait3A_55 = arith.constant 0 : i32
          %dma_wait3A_56 = arith.constant 0 : i32
          %dma_wait3A_57 = tpu.memref_slice %arg4[%add3A_29, %dma_wait3A_55, %dma_wait3A_56] : memref<32x40x128xi32, #tpu.memory_space<hbm>> -> memref<1x40x128xi32, #tpu.memory_space<hbm>>
          %dma_wait3A_58 = tpu.memref_squeeze %dma_wait3A_57 : memref<1x40x128xi32, #tpu.memory_space<hbm>> -> memref<40x128xi32, #tpu.memory_space<hbm>>
          tpu.wait_dma2 semaphore(%run_scoped3A : memref<!tpu.dma_semaphore, #tpu.memory_space<semaphore_mem>>) src(%dma_wait3A_58 : memref<40x128xi32, #tpu.memory_space<hbm>>) dst(%arg9 : memref<40x128xi32, #tpu.memory_space<vmem>>)
          tpu.yield
        }) : () -> ()
        %mul3A_30 = arith.constant 2 : i32
        %mul3A_31 = arith.muli %arg1, %mul3A_30 : i32
        %add3A_32 = arith.addi %mul3A_31, %add3A_26 : i32
        "tpu.region"() ({
          %run_scoped3A = tpu.sem_alloc : memref<!tpu.dma_semaphore, #tpu.memory_space<semaphore_mem>>
          %dma_start3A_44 = arith.constant 0 : i32
          %dma_start3A_45 = arith.constant 0 : i32
          %dma_start3A_46 = tpu.memref_slice %arg5[%add3A_32, %dma_start3A_44, %dma_start3A_45] : memref<32x40x128xi32, #tpu.memory_space<hbm>> -> memref<1x40x128xi32, #tpu.memory_space<hbm>>
          %dma_start3A_47 = tpu.memref_squeeze %dma_start3A_46 : memref<1x40x128xi32, #tpu.memory_space<hbm>> -> memref<40x128xi32, #tpu.memory_space<hbm>>
          %dma_start3A_48 = arith.constant 0 : i32
          %dma_start3A_49 = arith.constant 0 : i32
          %dma_start3A_50 = tpu.memref_slice %arg5[%add3A_32, %dma_start3A_48, %dma_start3A_49] : memref<32x40x128xi32, #tpu.memory_space<hbm>> -> memref<1x40x128xi32, #tpu.memory_space<hbm>>
          %dma_start3A_51 = tpu.memref_squeeze %dma_start3A_50 : memref<1x40x128xi32, #tpu.memory_space<hbm>> -> memref<40x128xi32, #tpu.memory_space<hbm>>
          tpu.enqueue_dma source(%dma_start3A_51 : memref<40x128xi32, #tpu.memory_space<hbm>>) target(%arg10 : memref<40x128xi32, #tpu.memory_space<vmem>>) target_semaphore(%run_scoped3A : memref<!tpu.dma_semaphore, #tpu.memory_space<semaphore_mem>>)
          %dma_wait3A = arith.constant 0 : i32
          %dma_wait3A_52 = arith.constant 0 : i32
          %dma_wait3A_53 = tpu.memref_slice %arg5[%add3A_32, %dma_wait3A, %dma_wait3A_52] : memref<32x40x128xi32, #tpu.memory_space<hbm>> -> memref<1x40x128xi32, #tpu.memory_space<hbm>>
          %dma_wait3A_54 = tpu.memref_squeeze %dma_wait3A_53 : memref<1x40x128xi32, #tpu.memory_space<hbm>> -> memref<40x128xi32, #tpu.memory_space<hbm>>
          %dma_wait3A_55 = arith.constant 0 : i32
          %dma_wait3A_56 = arith.constant 0 : i32
          %dma_wait3A_57 = tpu.memref_slice %arg5[%add3A_32, %dma_wait3A_55, %dma_wait3A_56] : memref<32x40x128xi32, #tpu.memory_space<hbm>> -> memref<1x40x128xi32, #tpu.memory_space<hbm>>
          %dma_wait3A_58 = tpu.memref_squeeze %dma_wait3A_57 : memref<1x40x128xi32, #tpu.memory_space<hbm>> -> memref<40x128xi32, #tpu.memory_space<hbm>>
          tpu.wait_dma2 semaphore(%run_scoped3A : memref<!tpu.dma_semaphore, #tpu.memory_space<semaphore_mem>>) src(%dma_wait3A_58 : memref<40x128xi32, #tpu.memory_space<hbm>>) dst(%arg10 : memref<40x128xi32, #tpu.memory_space<vmem>>)
          tpu.yield
        }) : () -> ()
        %dma_start3A = arith.constant 0 : i32
        %dma_start3A_33 = arith.constant 0 : i32
        %dma_start3A_34 = tpu.memref_slice %arg9[%dma_start3A, %dma_start3A_33] : memref<40x128xi32, #tpu.memory_space<vmem>> -> memref<1x128xi32, #tpu.memory_space<vmem>>
        %dma_start3A_35 = tpu.memref_squeeze %dma_start3A_34 : memref<1x128xi32, #tpu.memory_space<vmem>> -> memref<128xi32, #tpu.memory_space<vmem>>
        %dma_start3A_36 = arith.constant 0 : i32
        %dma_start3A_37 = arith.constant 0 : i32
        %dma_start3A_38 = tpu.memref_slice %arg2[%dma_start3A_36, %dma_start3A_37] : memref<10000x128xf32, #tpu.memory_space<hbm>> -> memref<10000x128xf32, #tpu.memory_space<hbm>>
        tpu.enqueue_indirect_dma source(%dma_start3A_38 : memref<10000x128xf32, #tpu.memory_space<hbm>>) target(%arg11 : memref<128x128xf32, #tpu.memory_space<vmem>>) offsets(%dma_start3A_35 : memref<128xi32, #tpu.memory_space<vmem>>) semaphore(%arg14 : memref<!tpu.dma_semaphore, #tpu.memory_space<semaphore_mem>>)
        %scan3A_39 = arith.constant 0 : i32
        %scan3A_40 = arith.constant 20 : i32
        %scan3A_41 = arith.addi %scan3A_39, %scan3A_40 : i32
        %scan3A_42 = arith.constant 1 : i32
        scf.for %scan3A_44 = %scan3A_39 to %scan3A_41 step %scan3A_42  : i32 {
          %mul3A_45 = arith.constant 2 : i32
          %mul3A_46 = arith.muli %scan3A_44, %mul3A_45 : i32
          %add3A_47 = arith.constant 0 : i32
          %add3A_48 = arith.addi %add3A_47, %mul3A_46 : i32
          %add3A_49 = arith.constant 1 : i32
          %add3A_50 = arith.addi %add3A_48, %add3A_49 : i32
          %dma_start3A_51 = arith.constant 0 : i32
          %dma_start3A_52 = tpu.memref_slice %arg9[%add3A_50, %dma_start3A_51] : memref<40x128xi32, #tpu.memory_space<vmem>> -> memref<1x128xi32, #tpu.memory_space<vmem>>
          %dma_start3A_53 = tpu.memref_squeeze %dma_start3A_52 : memref<1x128xi32, #tpu.memory_space<vmem>> -> memref<128xi32, #tpu.memory_space<vmem>>
          %dma_start3A_54 = arith.constant 0 : i32
          %dma_start3A_55 = arith.constant 0 : i32
          %dma_start3A_56 = tpu.memref_slice %arg2[%dma_start3A_54, %dma_start3A_55] : memref<10000x128xf32, #tpu.memory_space<hbm>> -> memref<10000x128xf32, #tpu.memory_space<hbm>>
          tpu.enqueue_indirect_dma source(%dma_start3A_56 : memref<10000x128xf32, #tpu.memory_space<hbm>>) target(%arg12 : memref<128x128xf32, #tpu.memory_space<vmem>>) offsets(%dma_start3A_53 : memref<128xi32, #tpu.memory_space<vmem>>) semaphore(%arg15 : memref<!tpu.dma_semaphore, #tpu.memory_space<semaphore_mem>>)
          %dma_wait3A = arith.constant 0 : i32
          %dma_wait3A_57 = tpu.memref_slice %arg9[%add3A_48, %dma_wait3A] : memref<40x128xi32, #tpu.memory_space<vmem>> -> memref<1x128xi32, #tpu.memory_space<vmem>>
          %dma_wait3A_58 = tpu.memref_squeeze %dma_wait3A_57 : memref<1x128xi32, #tpu.memory_space<vmem>> -> memref<128xi32, #tpu.memory_space<vmem>>
          %dma_wait3A_59 = arith.constant 0 : i32
          %dma_wait3A_60 = arith.constant 0 : i32
          %dma_wait3A_61 = tpu.memref_slice %arg2[%dma_wait3A_59, %dma_wait3A_60] : memref<10000x128xf32, #tpu.memory_space<hbm>> -> memref<10000x128xf32, #tpu.memory_space<hbm>>
          tpu.wait_indirect_dma semaphore(%arg14 : memref<!tpu.dma_semaphore, #tpu.memory_space<semaphore_mem>>) src(%dma_wait3A_61 : memref<10000x128xf32, #tpu.memory_space<hbm>>) dst(%arg11 : memref<128x128xf32, #tpu.memory_space<vmem>>)
          "tpu.region"() ({
            %run_scoped3A = tpu.sem_alloc : memref<!tpu.dma_semaphore, #tpu.memory_space<semaphore_mem>>
            %dma_start3A_78 = arith.constant 0 : i32
            %dma_start3A_79 = tpu.memref_slice %arg10[%add3A_48, %dma_start3A_78] : memref<40x128xi32, #tpu.memory_space<vmem>> -> memref<1x128xi32, #tpu.memory_space<vmem>>
            %dma_start3A_80 = tpu.memref_squeeze %dma_start3A_79 : memref<1x128xi32, #tpu.memory_space<vmem>> -> memref<128xi32, #tpu.memory_space<vmem>>
            %dma_start3A_81 = arith.constant 0 : i32
            %dma_start3A_82 = arith.constant 0 : i32
            %dma_start3A_83 = tpu.memref_slice %arg13[%dma_start3A_81, %dma_start3A_82] : memref<10112x128xf32, #tpu.memory_space<vmem_shared>> -> memref<10112x128xf32, #tpu.memory_space<vmem_shared>>
            tpu.enqueue_indirect_dma source(%arg11 : memref<128x128xf32, #tpu.memory_space<vmem>>) target(%dma_start3A_83 : memref<10112x128xf32, #tpu.memory_space<vmem_shared>>) offsets(%dma_start3A_80 : memref<128xi32, #tpu.memory_space<vmem>>) semaphore(%run_scoped3A : memref<!tpu.dma_semaphore, #tpu.memory_space<semaphore_mem>>) {add = true}
            %dma_wait3A_84 = arith.constant 0 : i32
            %dma_wait3A_85 = tpu.memref_slice %arg10[%add3A_48, %dma_wait3A_84] : memref<40x128xi32, #tpu.memory_space<vmem>> -> memref<1x128xi32, #tpu.memory_space<vmem>>
            %dma_wait3A_86 = tpu.memref_squeeze %dma_wait3A_85 : memref<1x128xi32, #tpu.memory_space<vmem>> -> memref<128xi32, #tpu.memory_space<vmem>>
            %dma_wait3A_87 = arith.constant 0 : i32
            %dma_wait3A_88 = arith.constant 0 : i32
            %dma_wait3A_89 = tpu.memref_slice %arg13[%dma_wait3A_87, %dma_wait3A_88] : memref<10112x128xf32, #tpu.memory_space<vmem_shared>> -> memref<10112x128xf32, #tpu.memory_space<vmem_shared>>
            tpu.wait_indirect_dma semaphore(%run_scoped3A : memref<!tpu.dma_semaphore, #tpu.memory_space<semaphore_mem>>) src(%arg11 : memref<128x128xf32, #tpu.memory_space<vmem>>) dst(%dma_wait3A_89 : memref<10112x128xf32, #tpu.memory_space<vmem_shared>>)
            tpu.yield
          }) : () -> ()
          %add3A_62 = arith.constant 2 : i32
          %add3A_63 = arith.addi %add3A_48, %add3A_62 : i32
          %lt3A = arith.constant 40 : i32
          %lt3A_64 = arith.cmpi slt, %add3A_63, %lt3A : i32
          %convert_element_type3A_65 = arith.extui %lt3A_64 : i1 to i32
          %cond3A_66 = arith.constant 0 : i32
          %cond3A_67 = arith.cmpi ne, %convert_element_type3A_65, %cond3A_66 : i32
          scf.if %cond3A_67 {
            %add3A_78 = arith.constant 2 : i32
            %add3A_79 = arith.addi %add3A_48, %add3A_78 : i32
            %dma_start3A_80 = arith.constant 0 : i32
            %dma_start3A_81 = tpu.memref_slice %arg9[%add3A_79, %dma_start3A_80] : memref<40x128xi32, #tpu.memory_space<vmem>> -> memref<1x128xi32, #tpu.memory_space<vmem>>
            %dma_start3A_82 = tpu.memref_squeeze %dma_start3A_81 : memref<1x128xi32, #tpu.memory_space<vmem>> -> memref<128xi32, #tpu.memory_space<vmem>>
            %dma_start3A_83 = arith.constant 0 : i32
            %dma_start3A_84 = arith.constant 0 : i32
            %dma_start3A_85 = tpu.memref_slice %arg2[%dma_start3A_83, %dma_start3A_84] : memref<10000x128xf32, #tpu.memory_space<hbm>> -> memref<10000x128xf32, #tpu.memory_space<hbm>>
            tpu.enqueue_indirect_dma source(%dma_start3A_85 : memref<10000x128xf32, #tpu.memory_space<hbm>>) target(%arg11 : memref<128x128xf32, #tpu.memory_space<vmem>>) offsets(%dma_start3A_82 : memref<128xi32, #tpu.memory_space<vmem>>) semaphore(%arg14 : memref<!tpu.dma_semaphore, #tpu.memory_space<semaphore_mem>>)
          } else {
          }
          %add3A_68 = arith.constant 1 : i32
          %add3A_69 = arith.addi %add3A_48, %add3A_68 : i32
          %dma_wait3A_70 = arith.constant 0 : i32
          %dma_wait3A_71 = tpu.memref_slice %arg9[%add3A_69, %dma_wait3A_70] : memref<40x128xi32, #tpu.memory_space<vmem>> -> memref<1x128xi32, #tpu.memory_space<vmem>>
          %dma_wait3A_72 = tpu.memref_squeeze %dma_wait3A_71 : memref<1x128xi32, #tpu.memory_space<vmem>> -> memref<128xi32, #tpu.memory_space<vmem>>
          %dma_wait3A_73 = arith.constant 0 : i32
          %dma_wait3A_74 = arith.constant 0 : i32
          %dma_wait3A_75 = tpu.memref_slice %arg2[%dma_wait3A_73, %dma_wait3A_74] : memref<10000x128xf32, #tpu.memory_space<hbm>> -> memref<10000x128xf32, #tpu.memory_space<hbm>>
          tpu.wait_indirect_dma semaphore(%arg15 : memref<!tpu.dma_semaphore, #tpu.memory_space<semaphore_mem>>) src(%dma_wait3A_75 : memref<10000x128xf32, #tpu.memory_space<hbm>>) dst(%arg12 : memref<128x128xf32, #tpu.memory_space<vmem>>)
          %add3A_76 = arith.constant 1 : i32
          %add3A_77 = arith.addi %add3A_48, %add3A_76 : i32
          "tpu.region"() ({
            %run_scoped3A = tpu.sem_alloc : memref<!tpu.dma_semaphore, #tpu.memory_space<semaphore_mem>>
            %dma_start3A_78 = arith.constant 0 : i32
            %dma_start3A_79 = tpu.memref_slice %arg10[%add3A_77, %dma_start3A_78] : memref<40x128xi32, #tpu.memory_space<vmem>> -> memref<1x128xi32, #tpu.memory_space<vmem>>
            %dma_start3A_80 = tpu.memref_squeeze %dma_start3A_79 : memref<1x128xi32, #tpu.memory_space<vmem>> -> memref<128xi32, #tpu.memory_space<vmem>>
            %dma_start3A_81 = arith.constant 0 : i32
            %dma_start3A_82 = arith.constant 0 : i32
            %dma_start3A_83 = tpu.memref_slice %arg13[%dma_start3A_81, %dma_start3A_82] : memref<10112x128xf32, #tpu.memory_space<vmem_shared>> -> memref<10112x128xf32, #tpu.memory_space<vmem_shared>>
            tpu.enqueue_indirect_dma source(%arg12 : memref<128x128xf32, #tpu.memory_space<vmem>>) target(%dma_start3A_83 : memref<10112x128xf32, #tpu.memory_space<vmem_shared>>) offsets(%dma_start3A_80 : memref<128xi32, #tpu.memory_space<vmem>>) semaphore(%run_scoped3A : memref<!tpu.dma_semaphore, #tpu.memory_space<semaphore_mem>>) {add = true}
            %dma_wait3A_84 = arith.constant 0 : i32
            %dma_wait3A_85 = tpu.memref_slice %arg10[%add3A_77, %dma_wait3A_84] : memref<40x128xi32, #tpu.memory_space<vmem>> -> memref<1x128xi32, #tpu.memory_space<vmem>>
            %dma_wait3A_86 = tpu.memref_squeeze %dma_wait3A_85 : memref<1x128xi32, #tpu.memory_space<vmem>> -> memref<128xi32, #tpu.memory_space<vmem>>
            %dma_wait3A_87 = arith.constant 0 : i32
            %dma_wait3A_88 = arith.constant 0 : i32
            %dma_wait3A_89 = tpu.memref_slice %arg13[%dma_wait3A_87, %dma_wait3A_88] : memref<10112x128xf32, #tpu.memory_space<vmem_shared>> -> memref<10112x128xf32, #tpu.memory_space<vmem_shared>>
            tpu.wait_indirect_dma semaphore(%run_scoped3A : memref<!tpu.dma_semaphore, #tpu.memory_space<semaphore_mem>>) src(%arg12 : memref<128x128xf32, #tpu.memory_space<vmem>>) dst(%dma_wait3A_89 : memref<10112x128xf32, #tpu.memory_space<vmem_shared>>)
            tpu.yield
          }) : () -> ()
        }
        %scan3A_43 = arith.constant 20 : i32
      }
      %scan3A_22 = arith.constant 2 : i32
    } else {
    }
    %eq3A_3 = arith.constant 1 : i32
    %eq3A_4 = arith.cmpi eq, %arg0, %eq3A_3 : i32
    %convert_element_type3A_5 = arith.extui %eq3A_4 : i1 to i32
    %cond3A_6 = arith.constant 0 : i32
    %cond3A_7 = arith.cmpi ne, %convert_element_type3A_5, %cond3A_6 : i32
    scf.if %cond3A_7 {
      %scan3A = arith.constant 0 : i32
      %scan3A_19 = arith.constant 2 : i32
      %scan3A_20 = arith.addi %scan3A, %scan3A_19 : i32
      %scan3A_21 = arith.constant 1 : i32
      scf.for %scan3A_23 = %scan3A to %scan3A_20 step %scan3A_21  : i32 {
        %mul3A_24 = arith.constant 1 : i32
        %mul3A_25 = arith.muli %scan3A_23, %mul3A_24 : i32
        %add3A = arith.constant 0 : i32
        %add3A_26 = arith.addi %add3A, %mul3A_25 : i32
        %mul3A_27 = arith.constant 2 : i32
        %mul3A_28 = arith.muli %arg1, %mul3A_27 : i32
        %add3A_29 = arith.addi %mul3A_28, %add3A_26 : i32
        "tpu.region"() ({
          %run_scoped3A = tpu.sem_alloc : memref<!tpu.dma_semaphore, #tpu.memory_space<semaphore_mem>>
          %dma_start3A_44 = arith.constant 0 : i32
          %dma_start3A_45 = arith.constant 0 : i32
          %dma_start3A_46 = tpu.memref_slice %arg4[%add3A_29, %dma_start3A_44, %dma_start3A_45] : memref<32x40x128xi32, #tpu.memory_space<hbm>> -> memref<1x40x128xi32, #tpu.memory_space<hbm>>
          %dma_start3A_47 = tpu.memref_squeeze %dma_start3A_46 : memref<1x40x128xi32, #tpu.memory_space<hbm>> -> memref<40x128xi32, #tpu.memory_space<hbm>>
          %dma_start3A_48 = arith.constant 0 : i32
          %dma_start3A_49 = arith.constant 0 : i32
          %dma_start3A_50 = tpu.memref_slice %arg4[%add3A_29, %dma_start3A_48, %dma_start3A_49] : memref<32x40x128xi32, #tpu.memory_space<hbm>> -> memref<1x40x128xi32, #tpu.memory_space<hbm>>
          %dma_start3A_51 = tpu.memref_squeeze %dma_start3A_50 : memref<1x40x128xi32, #tpu.memory_space<hbm>> -> memref<40x128xi32, #tpu.memory_space<hbm>>
          tpu.enqueue_dma source(%dma_start3A_51 : memref<40x128xi32, #tpu.memory_space<hbm>>) target(%arg9 : memref<40x128xi32, #tpu.memory_space<vmem>>) target_semaphore(%run_scoped3A : memref<!tpu.dma_semaphore, #tpu.memory_space<semaphore_mem>>)
          %dma_wait3A = arith.constant 0 : i32
          %dma_wait3A_52 = arith.constant 0 : i32
          %dma_wait3A_53 = tpu.memref_slice %arg4[%add3A_29, %dma_wait3A, %dma_wait3A_52] : memref<32x40x128xi32, #tpu.memory_space<hbm>> -> memref<1x40x128xi32, #tpu.memory_space<hbm>>
          %dma_wait3A_54 = tpu.memref_squeeze %dma_wait3A_53 : memref<1x40x128xi32, #tpu.memory_space<hbm>> -> memref<40x128xi32, #tpu.memory_space<hbm>>
          %dma_wait3A_55 = arith.constant 0 : i32
          %dma_wait3A_56 = arith.constant 0 : i32
          %dma_wait3A_57 = tpu.memref_slice %arg4[%add3A_29, %dma_wait3A_55, %dma_wait3A_56] : memref<32x40x128xi32, #tpu.memory_space<hbm>> -> memref<1x40x128xi32, #tpu.memory_space<hbm>>
          %dma_wait3A_58 = tpu.memref_squeeze %dma_wait3A_57 : memref<1x40x128xi32, #tpu.memory_space<hbm>> -> memref<40x128xi32, #tpu.memory_space<hbm>>
          tpu.wait_dma2 semaphore(%run_scoped3A : memref<!tpu.dma_semaphore, #tpu.memory_space<semaphore_mem>>) src(%dma_wait3A_58 : memref<40x128xi32, #tpu.memory_space<hbm>>) dst(%arg9 : memref<40x128xi32, #tpu.memory_space<vmem>>)
          tpu.yield
        }) : () -> ()
        %mul3A_30 = arith.constant 2 : i32
        %mul3A_31 = arith.muli %arg1, %mul3A_30 : i32
        %add3A_32 = arith.addi %mul3A_31, %add3A_26 : i32
        "tpu.region"() ({
          %run_scoped3A = tpu.sem_alloc : memref<!tpu.dma_semaphore, #tpu.memory_space<semaphore_mem>>
          %dma_start3A_44 = arith.constant 0 : i32
          %dma_start3A_45 = arith.constant 0 : i32
          %dma_start3A_46 = tpu.memref_slice %arg5[%add3A_32, %dma_start3A_44, %dma_start3A_45] : memref<32x40x128xi32, #tpu.memory_space<hbm>> -> memref<1x40x128xi32, #tpu.memory_space<hbm>>
          %dma_start3A_47 = tpu.memref_squeeze %dma_start3A_46 : memref<1x40x128xi32, #tpu.memory_space<hbm>> -> memref<40x128xi32, #tpu.memory_space<hbm>>
          %dma_start3A_48 = arith.constant 0 : i32
          %dma_start3A_49 = arith.constant 0 : i32
          %dma_start3A_50 = tpu.memref_slice %arg5[%add3A_32, %dma_start3A_48, %dma_start3A_49] : memref<32x40x128xi32, #tpu.memory_space<hbm>> -> memref<1x40x128xi32, #tpu.memory_space<hbm>>
          %dma_start3A_51 = tpu.memref_squeeze %dma_start3A_50 : memref<1x40x128xi32, #tpu.memory_space<hbm>> -> memref<40x128xi32, #tpu.memory_space<hbm>>
          tpu.enqueue_dma source(%dma_start3A_51 : memref<40x128xi32, #tpu.memory_space<hbm>>) target(%arg10 : memref<40x128xi32, #tpu.memory_space<vmem>>) target_semaphore(%run_scoped3A : memref<!tpu.dma_semaphore, #tpu.memory_space<semaphore_mem>>)
          %dma_wait3A = arith.constant 0 : i32
          %dma_wait3A_52 = arith.constant 0 : i32
          %dma_wait3A_53 = tpu.memref_slice %arg5[%add3A_32, %dma_wait3A, %dma_wait3A_52] : memref<32x40x128xi32, #tpu.memory_space<hbm>> -> memref<1x40x128xi32, #tpu.memory_space<hbm>>
          %dma_wait3A_54 = tpu.memref_squeeze %dma_wait3A_53 : memref<1x40x128xi32, #tpu.memory_space<hbm>> -> memref<40x128xi32, #tpu.memory_space<hbm>>
          %dma_wait3A_55 = arith.constant 0 : i32
          %dma_wait3A_56 = arith.constant 0 : i32
          %dma_wait3A_57 = tpu.memref_slice %arg5[%add3A_32, %dma_wait3A_55, %dma_wait3A_56] : memref<32x40x128xi32, #tpu.memory_space<hbm>> -> memref<1x40x128xi32, #tpu.memory_space<hbm>>
          %dma_wait3A_58 = tpu.memref_squeeze %dma_wait3A_57 : memref<1x40x128xi32, #tpu.memory_space<hbm>> -> memref<40x128xi32, #tpu.memory_space<hbm>>
          tpu.wait_dma2 semaphore(%run_scoped3A : memref<!tpu.dma_semaphore, #tpu.memory_space<semaphore_mem>>) src(%dma_wait3A_58 : memref<40x128xi32, #tpu.memory_space<hbm>>) dst(%arg10 : memref<40x128xi32, #tpu.memory_space<vmem>>)
          tpu.yield
        }) : () -> ()
        %dma_start3A = arith.constant 0 : i32
        %dma_start3A_33 = arith.constant 0 : i32
        %dma_start3A_34 = tpu.memref_slice %arg9[%dma_start3A, %dma_start3A_33] : memref<40x128xi32, #tpu.memory_space<vmem>> -> memref<1x128xi32, #tpu.memory_space<vmem>>
        %dma_start3A_35 = tpu.memref_squeeze %dma_start3A_34 : memref<1x128xi32, #tpu.memory_space<vmem>> -> memref<128xi32, #tpu.memory_space<vmem>>
        %dma_start3A_36 = arith.constant 0 : i32
        %dma_start3A_37 = arith.constant 0 : i32
        %dma_start3A_38 = tpu.memref_slice %arg3[%dma_start3A_36, %dma_start3A_37] : memref<10000x128xf32, #tpu.memory_space<hbm>> -> memref<10000x128xf32, #tpu.memory_space<hbm>>
        tpu.enqueue_indirect_dma source(%dma_start3A_38 : memref<10000x128xf32, #tpu.memory_space<hbm>>) target(%arg11 : memref<128x128xf32, #tpu.memory_space<vmem>>) offsets(%dma_start3A_35 : memref<128xi32, #tpu.memory_space<vmem>>) semaphore(%arg14 : memref<!tpu.dma_semaphore, #tpu.memory_space<semaphore_mem>>)
        %scan3A_39 = arith.constant 0 : i32
        %scan3A_40 = arith.constant 20 : i32
        %scan3A_41 = arith.addi %scan3A_39, %scan3A_40 : i32
        %scan3A_42 = arith.constant 1 : i32
        scf.for %scan3A_44 = %scan3A_39 to %scan3A_41 step %scan3A_42  : i32 {
          %mul3A_45 = arith.constant 2 : i32
          %mul3A_46 = arith.muli %scan3A_44, %mul3A_45 : i32
          %add3A_47 = arith.constant 0 : i32
          %add3A_48 = arith.addi %add3A_47, %mul3A_46 : i32
          %add3A_49 = arith.constant 1 : i32
          %add3A_50 = arith.addi %add3A_48, %add3A_49 : i32
          %dma_start3A_51 = arith.constant 0 : i32
          %dma_start3A_52 = tpu.memref_slice %arg9[%add3A_50, %dma_start3A_51] : memref<40x128xi32, #tpu.memory_space<vmem>> -> memref<1x128xi32, #tpu.memory_space<vmem>>
          %dma_start3A_53 = tpu.memref_squeeze %dma_start3A_52 : memref<1x128xi32, #tpu.memory_space<vmem>> -> memref<128xi32, #tpu.memory_space<vmem>>
          %dma_start3A_54 = arith.constant 0 : i32
          %dma_start3A_55 = arith.constant 0 : i32
          %dma_start3A_56 = tpu.memref_slice %arg3[%dma_start3A_54, %dma_start3A_55] : memref<10000x128xf32, #tpu.memory_space<hbm>> -> memref<10000x128xf32, #tpu.memory_space<hbm>>
          tpu.enqueue_indirect_dma source(%dma_start3A_56 : memref<10000x128xf32, #tpu.memory_space<hbm>>) target(%arg12 : memref<128x128xf32, #tpu.memory_space<vmem>>) offsets(%dma_start3A_53 : memref<128xi32, #tpu.memory_space<vmem>>) semaphore(%arg15 : memref<!tpu.dma_semaphore, #tpu.memory_space<semaphore_mem>>)
          %dma_wait3A = arith.constant 0 : i32
          %dma_wait3A_57 = tpu.memref_slice %arg9[%add3A_48, %dma_wait3A] : memref<40x128xi32, #tpu.memory_space<vmem>> -> memref<1x128xi32, #tpu.memory_space<vmem>>
          %dma_wait3A_58 = tpu.memref_squeeze %dma_wait3A_57 : memref<1x128xi32, #tpu.memory_space<vmem>> -> memref<128xi32, #tpu.memory_space<vmem>>
          %dma_wait3A_59 = arith.constant 0 : i32
          %dma_wait3A_60 = arith.constant 0 : i32
          %dma_wait3A_61 = tpu.memref_slice %arg3[%dma_wait3A_59, %dma_wait3A_60] : memref<10000x128xf32, #tpu.memory_space<hbm>> -> memref<10000x128xf32, #tpu.memory_space<hbm>>
          tpu.wait_indirect_dma semaphore(%arg14 : memref<!tpu.dma_semaphore, #tpu.memory_space<semaphore_mem>>) src(%dma_wait3A_61 : memref<10000x128xf32, #tpu.memory_space<hbm>>) dst(%arg11 : memref<128x128xf32, #tpu.memory_space<vmem>>)
          "tpu.region"() ({
            %run_scoped3A = tpu.sem_alloc : memref<!tpu.dma_semaphore, #tpu.memory_space<semaphore_mem>>
            %dma_start3A_78 = arith.constant 0 : i32
            %dma_start3A_79 = tpu.memref_slice %arg10[%add3A_48, %dma_start3A_78] : memref<40x128xi32, #tpu.memory_space<vmem>> -> memref<1x128xi32, #tpu.memory_space<vmem>>
            %dma_start3A_80 = tpu.memref_squeeze %dma_start3A_79 : memref<1x128xi32, #tpu.memory_space<vmem>> -> memref<128xi32, #tpu.memory_space<vmem>>
            %dma_start3A_81 = arith.constant 0 : i32
            %dma_start3A_82 = arith.constant 0 : i32
            %dma_start3A_83 = tpu.memref_slice %arg13[%dma_start3A_81, %dma_start3A_82] : memref<10112x128xf32, #tpu.memory_space<vmem_shared>> -> memref<10112x128xf32, #tpu.memory_space<vmem_shared>>
            tpu.enqueue_indirect_dma source(%arg11 : memref<128x128xf32, #tpu.memory_space<vmem>>) target(%dma_start3A_83 : memref<10112x128xf32, #tpu.memory_space<vmem_shared>>) offsets(%dma_start3A_80 : memref<128xi32, #tpu.memory_space<vmem>>) semaphore(%run_scoped3A : memref<!tpu.dma_semaphore, #tpu.memory_space<semaphore_mem>>) {add = true}
            %dma_wait3A_84 = arith.constant 0 : i32
            %dma_wait3A_85 = tpu.memref_slice %arg10[%add3A_48, %dma_wait3A_84] : memref<40x128xi32, #tpu.memory_space<vmem>> -> memref<1x128xi32, #tpu.memory_space<vmem>>
            %dma_wait3A_86 = tpu.memref_squeeze %dma_wait3A_85 : memref<1x128xi32, #tpu.memory_space<vmem>> -> memref<128xi32, #tpu.memory_space<vmem>>
            %dma_wait3A_87 = arith.constant 0 : i32
            %dma_wait3A_88 = arith.constant 0 : i32
            %dma_wait3A_89 = tpu.memref_slice %arg13[%dma_wait3A_87, %dma_wait3A_88] : memref<10112x128xf32, #tpu.memory_space<vmem_shared>> -> memref<10112x128xf32, #tpu.memory_space<vmem_shared>>
            tpu.wait_indirect_dma semaphore(%run_scoped3A : memref<!tpu.dma_semaphore, #tpu.memory_space<semaphore_mem>>) src(%arg11 : memref<128x128xf32, #tpu.memory_space<vmem>>) dst(%dma_wait3A_89 : memref<10112x128xf32, #tpu.memory_space<vmem_shared>>)
            tpu.yield
          }) : () -> ()
          %add3A_62 = arith.constant 2 : i32
          %add3A_63 = arith.addi %add3A_48, %add3A_62 : i32
          %lt3A = arith.constant 40 : i32
          %lt3A_64 = arith.cmpi slt, %add3A_63, %lt3A : i32
          %convert_element_type3A_65 = arith.extui %lt3A_64 : i1 to i32
          %cond3A_66 = arith.constant 0 : i32
          %cond3A_67 = arith.cmpi ne, %convert_element_type3A_65, %cond3A_66 : i32
          scf.if %cond3A_67 {
            %add3A_78 = arith.constant 2 : i32
            %add3A_79 = arith.addi %add3A_48, %add3A_78 : i32
            %dma_start3A_80 = arith.constant 0 : i32
            %dma_start3A_81 = tpu.memref_slice %arg9[%add3A_79, %dma_start3A_80] : memref<40x128xi32, #tpu.memory_space<vmem>> -> memref<1x128xi32, #tpu.memory_space<vmem>>
            %dma_start3A_82 = tpu.memref_squeeze %dma_start3A_81 : memref<1x128xi32, #tpu.memory_space<vmem>> -> memref<128xi32, #tpu.memory_space<vmem>>
            %dma_start3A_83 = arith.constant 0 : i32
            %dma_start3A_84 = arith.constant 0 : i32
            %dma_start3A_85 = tpu.memref_slice %arg3[%dma_start3A_83, %dma_start3A_84] : memref<10000x128xf32, #tpu.memory_space<hbm>> -> memref<10000x128xf32, #tpu.memory_space<hbm>>
            tpu.enqueue_indirect_dma source(%dma_start3A_85 : memref<10000x128xf32, #tpu.memory_space<hbm>>) target(%arg11 : memref<128x128xf32, #tpu.memory_space<vmem>>) offsets(%dma_start3A_82 : memref<128xi32, #tpu.memory_space<vmem>>) semaphore(%arg14 : memref<!tpu.dma_semaphore, #tpu.memory_space<semaphore_mem>>)
          } else {
          }
          %add3A_68 = arith.constant 1 : i32
          %add3A_69 = arith.addi %add3A_48, %add3A_68 : i32
          %dma_wait3A_70 = arith.constant 0 : i32
          %dma_wait3A_71 = tpu.memref_slice %arg9[%add3A_69, %dma_wait3A_70] : memref<40x128xi32, #tpu.memory_space<vmem>> -> memref<1x128xi32, #tpu.memory_space<vmem>>
          %dma_wait3A_72 = tpu.memref_squeeze %dma_wait3A_71 : memref<1x128xi32, #tpu.memory_space<vmem>> -> memref<128xi32, #tpu.memory_space<vmem>>
          %dma_wait3A_73 = arith.constant 0 : i32
          %dma_wait3A_74 = arith.constant 0 : i32
          %dma_wait3A_75 = tpu.memref_slice %arg3[%dma_wait3A_73, %dma_wait3A_74] : memref<10000x128xf32, #tpu.memory_space<hbm>> -> memref<10000x128xf32, #tpu.memory_space<hbm>>
          tpu.wait_indirect_dma semaphore(%arg15 : memref<!tpu.dma_semaphore, #tpu.memory_space<semaphore_mem>>) src(%dma_wait3A_75 : memref<10000x128xf32, #tpu.memory_space<hbm>>) dst(%arg12 : memref<128x128xf32, #tpu.memory_space<vmem>>)
          %add3A_76 = arith.constant 1 : i32
          %add3A_77 = arith.addi %add3A_48, %add3A_76 : i32
          "tpu.region"() ({
            %run_scoped3A = tpu.sem_alloc : memref<!tpu.dma_semaphore, #tpu.memory_space<semaphore_mem>>
            %dma_start3A_78 = arith.constant 0 : i32
            %dma_start3A_79 = tpu.memref_slice %arg10[%add3A_77, %dma_start3A_78] : memref<40x128xi32, #tpu.memory_space<vmem>> -> memref<1x128xi32, #tpu.memory_space<vmem>>
            %dma_start3A_80 = tpu.memref_squeeze %dma_start3A_79 : memref<1x128xi32, #tpu.memory_space<vmem>> -> memref<128xi32, #tpu.memory_space<vmem>>
            %dma_start3A_81 = arith.constant 0 : i32
            %dma_start3A_82 = arith.constant 0 : i32
            %dma_start3A_83 = tpu.memref_slice %arg13[%dma_start3A_81, %dma_start3A_82] : memref<10112x128xf32, #tpu.memory_space<vmem_shared>> -> memref<10112x128xf32, #tpu.memory_space<vmem_shared>>
            tpu.enqueue_indirect_dma source(%arg12 : memref<128x128xf32, #tpu.memory_space<vmem>>) target(%dma_start3A_83 : memref<10112x128xf32, #tpu.memory_space<vmem_shared>>) offsets(%dma_start3A_80 : memref<128xi32, #tpu.memory_space<vmem>>) semaphore(%run_scoped3A : memref<!tpu.dma_semaphore, #tpu.memory_space<semaphore_mem>>) {add = true}
            %dma_wait3A_84 = arith.constant 0 : i32
            %dma_wait3A_85 = tpu.memref_slice %arg10[%add3A_77, %dma_wait3A_84] : memref<40x128xi32, #tpu.memory_space<vmem>> -> memref<1x128xi32, #tpu.memory_space<vmem>>
            %dma_wait3A_86 = tpu.memref_squeeze %dma_wait3A_85 : memref<1x128xi32, #tpu.memory_space<vmem>> -> memref<128xi32, #tpu.memory_space<vmem>>
            %dma_wait3A_87 = arith.constant 0 : i32
            %dma_wait3A_88 = arith.constant 0 : i32
            %dma_wait3A_89 = tpu.memref_slice %arg13[%dma_wait3A_87, %dma_wait3A_88] : memref<10112x128xf32, #tpu.memory_space<vmem_shared>> -> memref<10112x128xf32, #tpu.memory_space<vmem_shared>>
            tpu.wait_indirect_dma semaphore(%run_scoped3A : memref<!tpu.dma_semaphore, #tpu.memory_space<semaphore_mem>>) src(%arg12 : memref<128x128xf32, #tpu.memory_space<vmem>>) dst(%dma_wait3A_89 : memref<10112x128xf32, #tpu.memory_space<vmem_shared>>)
            tpu.yield
          }) : () -> ()
        }
        %scan3A_43 = arith.constant 20 : i32
      }
      %scan3A_22 = arith.constant 2 : i32
    } else {
    }
    %barrier3A_8 = arith.constant 0 : index
    tpu.barrier barrier_id(%barrier3A_8)
    %eq3A_9 = arith.constant 0 : i32
    %eq3A_10 = arith.cmpi eq, %arg0, %eq3A_9 : i32
    %convert_element_type3A_11 = arith.extui %eq3A_10 : i1 to i32
    %cond3A_12 = arith.constant 0 : i32
    %cond3A_13 = arith.cmpi ne, %convert_element_type3A_11, %cond3A_12 : i32
    scf.if %cond3A_13 {
      "tpu.region"() ({
        %run_scoped3A = tpu.sem_alloc : memref<!tpu.dma_semaphore, #tpu.memory_space<semaphore_mem>>
        %dma_start3A = arith.constant 0 : i32
        %dma_start3A_19 = tpu.memref_slice %arg7[%mul3A_0, %dma_start3A] : memref<10112x128xf32, #tpu.memory_space<hbm>> -> memref<632x128xf32, #tpu.memory_space<hbm>>
        %dma_start3A_20 = arith.constant 0 : i32
        %dma_start3A_21 = tpu.memref_slice %arg13[%mul3A_0, %dma_start3A_20] : memref<10112x128xf32, #tpu.memory_space<vmem_shared>> -> memref<632x128xf32, #tpu.memory_space<vmem_shared>>
        tpu.enqueue_dma source(%dma_start3A_21 : memref<632x128xf32, #tpu.memory_space<vmem_shared>>) target(%dma_start3A_19 : memref<632x128xf32, #tpu.memory_space<hbm>>) target_semaphore(%run_scoped3A : memref<!tpu.dma_semaphore, #tpu.memory_space<semaphore_mem>>)
        %dma_wait3A = arith.constant 0 : i32
        %dma_wait3A_22 = tpu.memref_slice %arg7[%mul3A_0, %dma_wait3A] : memref<10112x128xf32, #tpu.memory_space<hbm>> -> memref<632x128xf32, #tpu.memory_space<hbm>>
        %dma_wait3A_23 = arith.constant 0 : i32
        %dma_wait3A_24 = tpu.memref_slice %arg13[%mul3A_0, %dma_wait3A_23] : memref<10112x128xf32, #tpu.memory_space<vmem_shared>> -> memref<632x128xf32, #tpu.memory_space<vmem_shared>>
        tpu.wait_dma2 semaphore(%run_scoped3A : memref<!tpu.dma_semaphore, #tpu.memory_space<semaphore_mem>>) src(%dma_wait3A_24 : memref<632x128xf32, #tpu.memory_space<vmem_shared>>) dst(%dma_wait3A_22 : memref<632x128xf32, #tpu.memory_space<hbm>>)
        tpu.yield
      }) : () -> ()
    } else {
    }
    %eq3A_14 = arith.constant 1 : i32
    %eq3A_15 = arith.cmpi eq, %arg0, %eq3A_14 : i32
    %convert_element_type3A_16 = arith.extui %eq3A_15 : i1 to i32
    %cond3A_17 = arith.constant 0 : i32
    %cond3A_18 = arith.cmpi ne, %convert_element_type3A_16, %cond3A_17 : i32
    scf.if %cond3A_18 {
      "tpu.region"() ({
        %run_scoped3A = tpu.sem_alloc : memref<!tpu.dma_semaphore, #tpu.memory_space<semaphore_mem>>
        %dma_start3A = arith.constant 0 : i32
        %dma_start3A_19 = tpu.memref_slice %arg8[%mul3A_0, %dma_start3A] : memref<10112x128xf32, #tpu.memory_space<hbm>> -> memref<632x128xf32, #tpu.memory_space<hbm>>
        %dma_start3A_20 = arith.constant 0 : i32
        %dma_start3A_21 = tpu.memref_slice %arg13[%mul3A_0, %dma_start3A_20] : memref<10112x128xf32, #tpu.memory_space<vmem_shared>> -> memref<632x128xf32, #tpu.memory_space<vmem_shared>>
        tpu.enqueue_dma source(%dma_start3A_21 : memref<632x128xf32, #tpu.memory_space<vmem_shared>>) target(%dma_start3A_19 : memref<632x128xf32, #tpu.memory_space<hbm>>) target_semaphore(%run_scoped3A : memref<!tpu.dma_semaphore, #tpu.memory_space<semaphore_mem>>)
        %dma_wait3A = arith.constant 0 : i32
        %dma_wait3A_22 = tpu.memref_slice %arg8[%mul3A_0, %dma_wait3A] : memref<10112x128xf32, #tpu.memory_space<hbm>> -> memref<632x128xf32, #tpu.memory_space<hbm>>
        %dma_wait3A_23 = arith.constant 0 : i32
        %dma_wait3A_24 = tpu.memref_slice %arg13[%mul3A_0, %dma_wait3A_23] : memref<10112x128xf32, #tpu.memory_space<vmem_shared>> -> memref<632x128xf32, #tpu.memory_space<vmem_shared>>
        tpu.wait_dma2 semaphore(%run_scoped3A : memref<!tpu.dma_semaphore, #tpu.memory_space<semaphore_mem>>) src(%dma_wait3A_24 : memref<632x128xf32, #tpu.memory_space<vmem_shared>>) dst(%dma_wait3A_22 : memref<632x128xf32, #tpu.memory_space<hbm>>)
        tpu.yield
      }) : () -> ()
    } else {
    }
    return
  }
}

#map = affine_map<(d0, d1) -> (0, 0, 0)>
#map1 = affine_map<(d0, d1) -> (0, 0)>
module attributes {stable_mosaic.version = 14 : i64} {
  func.func @_deg_kernel(%arg0: i32, %arg1: i32, %arg2: memref<32x40x128xi32, #tpu.memory_space<hbm>>, %arg3: memref<128x128xf32, #tpu.memory_space<hbm>>, %arg4: memref<632x128xf32, #tpu.memory_space<hbm>>, %arg5: memref<10112x128xf32, #tpu.memory_space<hbm>>, %arg6: memref<10112x128xf32, #tpu.memory_space<hbm>>, %arg7: memref<40x128xi32, #tpu.memory_space<vmem>>, %arg8: memref<128x128xf32, #tpu.memory_space<vmem>>, %arg9: memref<10112x128xf32, #tpu.memory_space<vmem_shared>>, %arg10: memref<!tpu.dma_semaphore, #tpu.memory_space<semaphore_mem>>) attributes {dimension_semantics = [#tpu.dimension_semantics<core_parallel>, #tpu.dimension_semantics<subcore_parallel>], iteration_bounds = array<i64: 2, 16>, scalar_prefetch = 0 : i64, scratch_operands = 4 : i64, tpu.core_type = #tpu.core_type<sc_vector_subcore>, window_params = [{transform_indices = #map}, {transform_indices = #map1}, {transform_indices = #map1}, {transform_indices = #map1}, {transform_indices = #map1}]} {
    %mul3A = arith.constant 16 : i32
    %mul3A_0 = arith.muli %arg0, %mul3A : i32
    %add3A = arith.addi %mul3A_0, %arg1 : i32
    %mul3A_1 = arith.constant 632 : i32
    %mul3A_2 = arith.muli %arg1, %mul3A_1 : i32
    "tpu.region"() ({
      %run_scoped3A = tpu.sem_alloc : memref<!tpu.dma_semaphore, #tpu.memory_space<semaphore_mem>>
      %dma_start3A = arith.constant 0 : i32
      %dma_start3A_20 = arith.constant 0 : i32
      %dma_start3A_21 = tpu.memref_slice %arg2[%add3A, %dma_start3A, %dma_start3A_20] : memref<32x40x128xi32, #tpu.memory_space<hbm>> -> memref<1x40x128xi32, #tpu.memory_space<hbm>>
      %dma_start3A_22 = tpu.memref_squeeze %dma_start3A_21 : memref<1x40x128xi32, #tpu.memory_space<hbm>> -> memref<40x128xi32, #tpu.memory_space<hbm>>
      %dma_start3A_23 = arith.constant 0 : i32
      %dma_start3A_24 = arith.constant 0 : i32
      %dma_start3A_25 = tpu.memref_slice %arg2[%add3A, %dma_start3A_23, %dma_start3A_24] : memref<32x40x128xi32, #tpu.memory_space<hbm>> -> memref<1x40x128xi32, #tpu.memory_space<hbm>>
      %dma_start3A_26 = tpu.memref_squeeze %dma_start3A_25 : memref<1x40x128xi32, #tpu.memory_space<hbm>> -> memref<40x128xi32, #tpu.memory_space<hbm>>
      tpu.enqueue_dma source(%dma_start3A_26 : memref<40x128xi32, #tpu.memory_space<hbm>>) target(%arg7 : memref<40x128xi32, #tpu.memory_space<vmem>>) target_semaphore(%run_scoped3A : memref<!tpu.dma_semaphore, #tpu.memory_space<semaphore_mem>>)
      %dma_wait3A = arith.constant 0 : i32
      %dma_wait3A_27 = arith.constant 0 : i32
      %dma_wait3A_28 = tpu.memref_slice %arg2[%add3A, %dma_wait3A, %dma_wait3A_27] : memref<32x40x128xi32, #tpu.memory_space<hbm>> -> memref<1x40x128xi32, #tpu.memory_space<hbm>>
      %dma_wait3A_29 = tpu.memref_squeeze %dma_wait3A_28 : memref<1x40x128xi32, #tpu.memory_space<hbm>> -> memref<40x128xi32, #tpu.memory_space<hbm>>
      %dma_wait3A_30 = arith.constant 0 : i32
      %dma_wait3A_31 = arith.constant 0 : i32
      %dma_wait3A_32 = tpu.memref_slice %arg2[%add3A, %dma_wait3A_30, %dma_wait3A_31] : memref<32x40x128xi32, #tpu.memory_space<hbm>> -> memref<1x40x128xi32, #tpu.memory_space<hbm>>
      %dma_wait3A_33 = tpu.memref_squeeze %dma_wait3A_32 : memref<1x40x128xi32, #tpu.memory_space<hbm>> -> memref<40x128xi32, #tpu.memory_space<hbm>>
      tpu.wait_dma2 semaphore(%run_scoped3A : memref<!tpu.dma_semaphore, #tpu.memory_space<semaphore_mem>>) src(%dma_wait3A_33 : memref<40x128xi32, #tpu.memory_space<hbm>>) dst(%arg7 : memref<40x128xi32, #tpu.memory_space<vmem>>)
      tpu.yield
    }) : () -> ()
    "tpu.region"() ({
      %run_scoped3A = tpu.sem_alloc : memref<!tpu.dma_semaphore, #tpu.memory_space<semaphore_mem>>
      tpu.enqueue_dma source(%arg3 : memref<128x128xf32, #tpu.memory_space<hbm>>) target(%arg8 : memref<128x128xf32, #tpu.memory_space<vmem>>) target_semaphore(%run_scoped3A : memref<!tpu.dma_semaphore, #tpu.memory_space<semaphore_mem>>)
      tpu.wait_dma2 semaphore(%run_scoped3A : memref<!tpu.dma_semaphore, #tpu.memory_space<semaphore_mem>>) src(%arg3 : memref<128x128xf32, #tpu.memory_space<hbm>>) dst(%arg8 : memref<128x128xf32, #tpu.memory_space<vmem>>)
      tpu.yield
    }) : () -> ()
    "tpu.region"() ({
      %run_scoped3A = tpu.sem_alloc : memref<!tpu.dma_semaphore, #tpu.memory_space<semaphore_mem>>
      %dma_start3A = arith.constant 0 : i32
      %dma_start3A_20 = tpu.memref_slice %arg9[%mul3A_2, %dma_start3A] : memref<10112x128xf32, #tpu.memory_space<vmem_shared>> -> memref<632x128xf32, #tpu.memory_space<vmem_shared>>
      tpu.enqueue_dma source(%arg4 : memref<632x128xf32, #tpu.memory_space<hbm>>) target(%dma_start3A_20 : memref<632x128xf32, #tpu.memory_space<vmem_shared>>) target_semaphore(%run_scoped3A : memref<!tpu.dma_semaphore, #tpu.memory_space<semaphore_mem>>)
      %dma_wait3A = arith.constant 0 : i32
      %dma_wait3A_21 = tpu.memref_slice %arg9[%mul3A_2, %dma_wait3A] : memref<10112x128xf32, #tpu.memory_space<vmem_shared>> -> memref<632x128xf32, #tpu.memory_space<vmem_shared>>
      tpu.wait_dma2 semaphore(%run_scoped3A : memref<!tpu.dma_semaphore, #tpu.memory_space<semaphore_mem>>) src(%arg4 : memref<632x128xf32, #tpu.memory_space<hbm>>) dst(%dma_wait3A_21 : memref<632x128xf32, #tpu.memory_space<vmem_shared>>)
      tpu.yield
    }) : () -> ()
    %barrier3A = arith.constant 0 : index
    tpu.barrier barrier_id(%barrier3A)
    %scan3A = arith.constant 0 : i32
    %scan3A_3 = arith.constant 40 : i32
    %scan3A_4 = arith.addi %scan3A, %scan3A_3 : i32
    %scan3A_5 = arith.constant 1 : i32
    scf.for %scan3A_20 = %scan3A to %scan3A_4 step %scan3A_5  : i32 {
      %mul3A_21 = arith.constant 1 : i32
      %mul3A_22 = arith.muli %scan3A_20, %mul3A_21 : i32
      %add3A_23 = arith.constant 0 : i32
      %add3A_24 = arith.addi %add3A_23, %mul3A_22 : i32
      %dma_start3A = arith.constant 0 : i32
      %dma_start3A_25 = tpu.memref_slice %arg7[%add3A_24, %dma_start3A] : memref<40x128xi32, #tpu.memory_space<vmem>> -> memref<1x128xi32, #tpu.memory_space<vmem>>
      %dma_start3A_26 = tpu.memref_squeeze %dma_start3A_25 : memref<1x128xi32, #tpu.memory_space<vmem>> -> memref<128xi32, #tpu.memory_space<vmem>>
      %dma_start3A_27 = arith.constant 0 : i32
      %dma_start3A_28 = arith.constant 0 : i32
      %dma_start3A_29 = tpu.memref_slice %arg9[%dma_start3A_27, %dma_start3A_28] : memref<10112x128xf32, #tpu.memory_space<vmem_shared>> -> memref<10112x128xf32, #tpu.memory_space<vmem_shared>>
      tpu.enqueue_indirect_dma source(%arg8 : memref<128x128xf32, #tpu.memory_space<vmem>>) target(%dma_start3A_29 : memref<10112x128xf32, #tpu.memory_space<vmem_shared>>) offsets(%dma_start3A_26 : memref<128xi32, #tpu.memory_space<vmem>>) semaphore(%arg10 : memref<!tpu.dma_semaphore, #tpu.memory_space<semaphore_mem>>) {add = true}
    }
    %scan3A_6 = arith.constant 40 : i32
    %scan3A_7 = arith.constant 0 : i32
    %scan3A_8 = arith.constant 40 : i32
    %scan3A_9 = arith.addi %scan3A_7, %scan3A_8 : i32
    %scan3A_10 = arith.constant 1 : i32
    scf.for %scan3A_20 = %scan3A_7 to %scan3A_9 step %scan3A_10  : i32 {
      %mul3A_21 = arith.constant 1 : i32
      %mul3A_22 = arith.muli %scan3A_20, %mul3A_21 : i32
      %add3A_23 = arith.constant 0 : i32
      %add3A_24 = arith.addi %add3A_23, %mul3A_22 : i32
      %dma_wait3A = arith.constant 0 : i32
      %dma_wait3A_25 = tpu.memref_slice %arg7[%add3A_24, %dma_wait3A] : memref<40x128xi32, #tpu.memory_space<vmem>> -> memref<1x128xi32, #tpu.memory_space<vmem>>
      %dma_wait3A_26 = tpu.memref_squeeze %dma_wait3A_25 : memref<1x128xi32, #tpu.memory_space<vmem>> -> memref<128xi32, #tpu.memory_space<vmem>>
      %dma_wait3A_27 = arith.constant 0 : i32
      %dma_wait3A_28 = arith.constant 0 : i32
      %dma_wait3A_29 = tpu.memref_slice %arg9[%dma_wait3A_27, %dma_wait3A_28] : memref<10112x128xf32, #tpu.memory_space<vmem_shared>> -> memref<10112x128xf32, #tpu.memory_space<vmem_shared>>
      tpu.wait_indirect_dma semaphore(%arg10 : memref<!tpu.dma_semaphore, #tpu.memory_space<semaphore_mem>>) src(%arg8 : memref<128x128xf32, #tpu.memory_space<vmem>>) dst(%dma_wait3A_29 : memref<10112x128xf32, #tpu.memory_space<vmem_shared>>)
    }
    %scan3A_11 = arith.constant 40 : i32
    %barrier3A_12 = arith.constant 0 : index
    tpu.barrier barrier_id(%barrier3A_12)
    %eq3A = arith.constant 0 : i32
    %eq3A_13 = arith.cmpi eq, %arg0, %eq3A : i32
    %convert_element_type3A = arith.extui %eq3A_13 : i1 to i32
    %cond3A = arith.constant 0 : i32
    %cond3A_14 = arith.cmpi ne, %convert_element_type3A, %cond3A : i32
    scf.if %cond3A_14 {
      "tpu.region"() ({
        %run_scoped3A = tpu.sem_alloc : memref<!tpu.dma_semaphore, #tpu.memory_space<semaphore_mem>>
        %dma_start3A = arith.constant 0 : i32
        %dma_start3A_20 = tpu.memref_slice %arg5[%mul3A_2, %dma_start3A] : memref<10112x128xf32, #tpu.memory_space<hbm>> -> memref<632x128xf32, #tpu.memory_space<hbm>>
        %dma_start3A_21 = arith.constant 0 : i32
        %dma_start3A_22 = tpu.memref_slice %arg9[%mul3A_2, %dma_start3A_21] : memref<10112x128xf32, #tpu.memory_space<vmem_shared>> -> memref<632x128xf32, #tpu.memory_space<vmem_shared>>
        tpu.enqueue_dma source(%dma_start3A_22 : memref<632x128xf32, #tpu.memory_space<vmem_shared>>) target(%dma_start3A_20 : memref<632x128xf32, #tpu.memory_space<hbm>>) target_semaphore(%run_scoped3A : memref<!tpu.dma_semaphore, #tpu.memory_space<semaphore_mem>>)
        %dma_wait3A = arith.constant 0 : i32
        %dma_wait3A_23 = tpu.memref_slice %arg5[%mul3A_2, %dma_wait3A] : memref<10112x128xf32, #tpu.memory_space<hbm>> -> memref<632x128xf32, #tpu.memory_space<hbm>>
        %dma_wait3A_24 = arith.constant 0 : i32
        %dma_wait3A_25 = tpu.memref_slice %arg9[%mul3A_2, %dma_wait3A_24] : memref<10112x128xf32, #tpu.memory_space<vmem_shared>> -> memref<632x128xf32, #tpu.memory_space<vmem_shared>>
        tpu.wait_dma2 semaphore(%run_scoped3A : memref<!tpu.dma_semaphore, #tpu.memory_space<semaphore_mem>>) src(%dma_wait3A_25 : memref<632x128xf32, #tpu.memory_space<vmem_shared>>) dst(%dma_wait3A_23 : memref<632x128xf32, #tpu.memory_space<hbm>>)
        tpu.yield
      }) : () -> ()
    } else {
    }
    %eq3A_15 = arith.constant 1 : i32
    %eq3A_16 = arith.cmpi eq, %arg0, %eq3A_15 : i32
    %convert_element_type3A_17 = arith.extui %eq3A_16 : i1 to i32
    %cond3A_18 = arith.constant 0 : i32
    %cond3A_19 = arith.cmpi ne, %convert_element_type3A_17, %cond3A_18 : i32
    scf.if %cond3A_19 {
      "tpu.region"() ({
        %run_scoped3A = tpu.sem_alloc : memref<!tpu.dma_semaphore, #tpu.memory_space<semaphore_mem>>
        %dma_start3A = arith.constant 0 : i32
        %dma_start3A_20 = tpu.memref_slice %arg6[%mul3A_2, %dma_start3A] : memref<10112x128xf32, #tpu.memory_space<hbm>> -> memref<632x128xf32, #tpu.memory_space<hbm>>
        %dma_start3A_21 = arith.constant 0 : i32
        %dma_start3A_22 = tpu.memref_slice %arg9[%mul3A_2, %dma_start3A_21] : memref<10112x128xf32, #tpu.memory_space<vmem_shared>> -> memref<632x128xf32, #tpu.memory_space<vmem_shared>>
        tpu.enqueue_dma source(%dma_start3A_22 : memref<632x128xf32, #tpu.memory_space<vmem_shared>>) target(%dma_start3A_20 : memref<632x128xf32, #tpu.memory_space<hbm>>) target_semaphore(%run_scoped3A : memref<!tpu.dma_semaphore, #tpu.memory_space<semaphore_mem>>)
        %dma_wait3A = arith.constant 0 : i32
        %dma_wait3A_23 = tpu.memref_slice %arg6[%mul3A_2, %dma_wait3A] : memref<10112x128xf32, #tpu.memory_space<hbm>> -> memref<632x128xf32, #tpu.memory_space<hbm>>
        %dma_wait3A_24 = arith.constant 0 : i32
        %dma_wait3A_25 = tpu.memref_slice %arg9[%mul3A_2, %dma_wait3A_24] : memref<10112x128xf32, #tpu.memory_space<vmem_shared>> -> memref<632x128xf32, #tpu.memory_space<vmem_shared>>
        tpu.wait_dma2 semaphore(%run_scoped3A : memref<!tpu.dma_semaphore, #tpu.memory_space<semaphore_mem>>) src(%dma_wait3A_25 : memref<632x128xf32, #tpu.memory_space<vmem_shared>>) dst(%dma_wait3A_23 : memref<632x128xf32, #tpu.memory_space<hbm>>)
        tpu.yield
      }) : () -> ()
    } else {
    }
    return
  }
}

#map = affine_map<(d0, d1) -> (0, 0)>
#map1 = affine_map<(d0, d1) -> (0, 0, 0)>
module attributes {stable_mosaic.version = 14 : i64} {
  func.func @_agg_kernel(%arg0: i32, %arg1: i32, %arg2: memref<10000x128xf32, #tpu.memory_space<hbm>>, %arg3: memref<10000x128xf32, #tpu.memory_space<hbm>>, %arg4: memref<32x40x128xi32, #tpu.memory_space<hbm>>, %arg5: memref<32x40x128xi32, #tpu.memory_space<hbm>>, %arg6: memref<632x128xf32, #tpu.memory_space<hbm>>, %arg7: memref<10112x128xf32, #tpu.memory_space<hbm>>, %arg8: memref<10112x128xf32, #tpu.memory_space<hbm>>, %arg9: memref<40x128xi32, #tpu.memory_space<vmem>>, %arg10: memref<40x128xi32, #tpu.memory_space<vmem>>, %arg11: memref<128x128xf32, #tpu.memory_space<vmem>>, %arg12: memref<128x128xf32, #tpu.memory_space<vmem>>, %arg13: memref<10112x128xf32, #tpu.memory_space<vmem_shared>>, %arg14: memref<!tpu.dma_semaphore, #tpu.memory_space<semaphore_mem>>, %arg15: memref<!tpu.dma_semaphore, #tpu.memory_space<semaphore_mem>>) attributes {dimension_semantics = [#tpu.dimension_semantics<core_parallel>, #tpu.dimension_semantics<subcore_parallel>], iteration_bounds = array<i64: 2, 16>, scalar_prefetch = 0 : i64, scratch_operands = 7 : i64, tpu.core_type = #tpu.core_type<sc_vector_subcore>, window_params = [{transform_indices = #map}, {transform_indices = #map}, {transform_indices = #map1}, {transform_indices = #map1}, {transform_indices = #map}, {transform_indices = #map}, {transform_indices = #map}]} {
    %mul3A = arith.constant 632 : i32
    %mul3A_0 = arith.muli %arg1, %mul3A : i32
    "tpu.region"() ({
      %run_scoped3A = tpu.sem_alloc : memref<!tpu.dma_semaphore, #tpu.memory_space<semaphore_mem>>
      %dma_start3A = arith.constant 0 : i32
      %dma_start3A_19 = tpu.memref_slice %arg13[%mul3A_0, %dma_start3A] : memref<10112x128xf32, #tpu.memory_space<vmem_shared>> -> memref<632x128xf32, #tpu.memory_space<vmem_shared>>
      tpu.enqueue_dma source(%arg6 : memref<632x128xf32, #tpu.memory_space<hbm>>) target(%dma_start3A_19 : memref<632x128xf32, #tpu.memory_space<vmem_shared>>) target_semaphore(%run_scoped3A : memref<!tpu.dma_semaphore, #tpu.memory_space<semaphore_mem>>)
      %dma_wait3A = arith.constant 0 : i32
      %dma_wait3A_20 = tpu.memref_slice %arg13[%mul3A_0, %dma_wait3A] : memref<10112x128xf32, #tpu.memory_space<vmem_shared>> -> memref<632x128xf32, #tpu.memory_space<vmem_shared>>
      tpu.wait_dma2 semaphore(%run_scoped3A : memref<!tpu.dma_semaphore, #tpu.memory_space<semaphore_mem>>) src(%arg6 : memref<632x128xf32, #tpu.memory_space<hbm>>) dst(%dma_wait3A_20 : memref<632x128xf32, #tpu.memory_space<vmem_shared>>)
      tpu.yield
    }) : () -> ()
    %barrier3A = arith.constant 0 : index
    tpu.barrier barrier_id(%barrier3A)
    %eq3A = arith.constant 0 : i32
    %eq3A_1 = arith.cmpi eq, %arg0, %eq3A : i32
    %convert_element_type3A = arith.extui %eq3A_1 : i1 to i32
    %cond3A = arith.constant 0 : i32
    %cond3A_2 = arith.cmpi ne, %convert_element_type3A, %cond3A : i32
    scf.if %cond3A_2 {
      %scan3A = arith.constant 0 : i32
      %scan3A_19 = arith.constant 2 : i32
      %scan3A_20 = arith.addi %scan3A, %scan3A_19 : i32
      %scan3A_21 = arith.constant 1 : i32
      scf.for %scan3A_23 = %scan3A to %scan3A_20 step %scan3A_21  : i32 {
        %mul3A_24 = arith.constant 1 : i32
        %mul3A_25 = arith.muli %scan3A_23, %mul3A_24 : i32
        %add3A = arith.constant 0 : i32
        %add3A_26 = arith.addi %add3A, %mul3A_25 : i32
        %mul3A_27 = arith.constant 2 : i32
        %mul3A_28 = arith.muli %arg1, %mul3A_27 : i32
        %add3A_29 = arith.addi %mul3A_28, %add3A_26 : i32
        "tpu.region"() ({
          %run_scoped3A = tpu.sem_alloc : memref<!tpu.dma_semaphore, #tpu.memory_space<semaphore_mem>>
          %dma_start3A_44 = arith.constant 0 : i32
          %dma_start3A_45 = arith.constant 0 : i32
          %dma_start3A_46 = tpu.memref_slice %arg4[%add3A_29, %dma_start3A_44, %dma_start3A_45] : memref<32x40x128xi32, #tpu.memory_space<hbm>> -> memref<1x40x128xi32, #tpu.memory_space<hbm>>
          %dma_start3A_47 = tpu.memref_squeeze %dma_start3A_46 : memref<1x40x128xi32, #tpu.memory_space<hbm>> -> memref<40x128xi32, #tpu.memory_space<hbm>>
          %dma_start3A_48 = arith.constant 0 : i32
          %dma_start3A_49 = arith.constant 0 : i32
          %dma_start3A_50 = tpu.memref_slice %arg4[%add3A_29, %dma_start3A_48, %dma_start3A_49] : memref<32x40x128xi32, #tpu.memory_space<hbm>> -> memref<1x40x128xi32, #tpu.memory_space<hbm>>
          %dma_start3A_51 = tpu.memref_squeeze %dma_start3A_50 : memref<1x40x128xi32, #tpu.memory_space<hbm>> -> memref<40x128xi32, #tpu.memory_space<hbm>>
          tpu.enqueue_dma source(%dma_start3A_51 : memref<40x128xi32, #tpu.memory_space<hbm>>) target(%arg9 : memref<40x128xi32, #tpu.memory_space<vmem>>) target_semaphore(%run_scoped3A : memref<!tpu.dma_semaphore, #tpu.memory_space<semaphore_mem>>)
          %dma_wait3A = arith.constant 0 : i32
          %dma_wait3A_52 = arith.constant 0 : i32
          %dma_wait3A_53 = tpu.memref_slice %arg4[%add3A_29, %dma_wait3A, %dma_wait3A_52] : memref<32x40x128xi32, #tpu.memory_space<hbm>> -> memref<1x40x128xi32, #tpu.memory_space<hbm>>
          %dma_wait3A_54 = tpu.memref_squeeze %dma_wait3A_53 : memref<1x40x128xi32, #tpu.memory_space<hbm>> -> memref<40x128xi32, #tpu.memory_space<hbm>>
          %dma_wait3A_55 = arith.constant 0 : i32
          %dma_wait3A_56 = arith.constant 0 : i32
          %dma_wait3A_57 = tpu.memref_slice %arg4[%add3A_29, %dma_wait3A_55, %dma_wait3A_56] : memref<32x40x128xi32, #tpu.memory_space<hbm>> -> memref<1x40x128xi32, #tpu.memory_space<hbm>>
          %dma_wait3A_58 = tpu.memref_squeeze %dma_wait3A_57 : memref<1x40x128xi32, #tpu.memory_space<hbm>> -> memref<40x128xi32, #tpu.memory_space<hbm>>
          tpu.wait_dma2 semaphore(%run_scoped3A : memref<!tpu.dma_semaphore, #tpu.memory_space<semaphore_mem>>) src(%dma_wait3A_58 : memref<40x128xi32, #tpu.memory_space<hbm>>) dst(%arg9 : memref<40x128xi32, #tpu.memory_space<vmem>>)
          tpu.yield
        }) : () -> ()
        %mul3A_30 = arith.constant 2 : i32
        %mul3A_31 = arith.muli %arg1, %mul3A_30 : i32
        %add3A_32 = arith.addi %mul3A_31, %add3A_26 : i32
        "tpu.region"() ({
          %run_scoped3A = tpu.sem_alloc : memref<!tpu.dma_semaphore, #tpu.memory_space<semaphore_mem>>
          %dma_start3A_44 = arith.constant 0 : i32
          %dma_start3A_45 = arith.constant 0 : i32
          %dma_start3A_46 = tpu.memref_slice %arg5[%add3A_32, %dma_start3A_44, %dma_start3A_45] : memref<32x40x128xi32, #tpu.memory_space<hbm>> -> memref<1x40x128xi32, #tpu.memory_space<hbm>>
          %dma_start3A_47 = tpu.memref_squeeze %dma_start3A_46 : memref<1x40x128xi32, #tpu.memory_space<hbm>> -> memref<40x128xi32, #tpu.memory_space<hbm>>
          %dma_start3A_48 = arith.constant 0 : i32
          %dma_start3A_49 = arith.constant 0 : i32
          %dma_start3A_50 = tpu.memref_slice %arg5[%add3A_32, %dma_start3A_48, %dma_start3A_49] : memref<32x40x128xi32, #tpu.memory_space<hbm>> -> memref<1x40x128xi32, #tpu.memory_space<hbm>>
          %dma_start3A_51 = tpu.memref_squeeze %dma_start3A_50 : memref<1x40x128xi32, #tpu.memory_space<hbm>> -> memref<40x128xi32, #tpu.memory_space<hbm>>
          tpu.enqueue_dma source(%dma_start3A_51 : memref<40x128xi32, #tpu.memory_space<hbm>>) target(%arg10 : memref<40x128xi32, #tpu.memory_space<vmem>>) target_semaphore(%run_scoped3A : memref<!tpu.dma_semaphore, #tpu.memory_space<semaphore_mem>>)
          %dma_wait3A = arith.constant 0 : i32
          %dma_wait3A_52 = arith.constant 0 : i32
          %dma_wait3A_53 = tpu.memref_slice %arg5[%add3A_32, %dma_wait3A, %dma_wait3A_52] : memref<32x40x128xi32, #tpu.memory_space<hbm>> -> memref<1x40x128xi32, #tpu.memory_space<hbm>>
          %dma_wait3A_54 = tpu.memref_squeeze %dma_wait3A_53 : memref<1x40x128xi32, #tpu.memory_space<hbm>> -> memref<40x128xi32, #tpu.memory_space<hbm>>
          %dma_wait3A_55 = arith.constant 0 : i32
          %dma_wait3A_56 = arith.constant 0 : i32
          %dma_wait3A_57 = tpu.memref_slice %arg5[%add3A_32, %dma_wait3A_55, %dma_wait3A_56] : memref<32x40x128xi32, #tpu.memory_space<hbm>> -> memref<1x40x128xi32, #tpu.memory_space<hbm>>
          %dma_wait3A_58 = tpu.memref_squeeze %dma_wait3A_57 : memref<1x40x128xi32, #tpu.memory_space<hbm>> -> memref<40x128xi32, #tpu.memory_space<hbm>>
          tpu.wait_dma2 semaphore(%run_scoped3A : memref<!tpu.dma_semaphore, #tpu.memory_space<semaphore_mem>>) src(%dma_wait3A_58 : memref<40x128xi32, #tpu.memory_space<hbm>>) dst(%arg10 : memref<40x128xi32, #tpu.memory_space<vmem>>)
          tpu.yield
        }) : () -> ()
        %dma_start3A = arith.constant 0 : i32
        %dma_start3A_33 = arith.constant 0 : i32
        %dma_start3A_34 = tpu.memref_slice %arg9[%dma_start3A, %dma_start3A_33] : memref<40x128xi32, #tpu.memory_space<vmem>> -> memref<1x128xi32, #tpu.memory_space<vmem>>
        %dma_start3A_35 = tpu.memref_squeeze %dma_start3A_34 : memref<1x128xi32, #tpu.memory_space<vmem>> -> memref<128xi32, #tpu.memory_space<vmem>>
        %dma_start3A_36 = arith.constant 0 : i32
        %dma_start3A_37 = arith.constant 0 : i32
        %dma_start3A_38 = tpu.memref_slice %arg2[%dma_start3A_36, %dma_start3A_37] : memref<10000x128xf32, #tpu.memory_space<hbm>> -> memref<10000x128xf32, #tpu.memory_space<hbm>>
        tpu.enqueue_indirect_dma source(%dma_start3A_38 : memref<10000x128xf32, #tpu.memory_space<hbm>>) target(%arg11 : memref<128x128xf32, #tpu.memory_space<vmem>>) offsets(%dma_start3A_35 : memref<128xi32, #tpu.memory_space<vmem>>) semaphore(%arg14 : memref<!tpu.dma_semaphore, #tpu.memory_space<semaphore_mem>>)
        %scan3A_39 = arith.constant 0 : i32
        %scan3A_40 = arith.constant 20 : i32
        %scan3A_41 = arith.addi %scan3A_39, %scan3A_40 : i32
        %scan3A_42 = arith.constant 1 : i32
        scf.for %scan3A_44 = %scan3A_39 to %scan3A_41 step %scan3A_42  : i32 {
          %mul3A_45 = arith.constant 2 : i32
          %mul3A_46 = arith.muli %scan3A_44, %mul3A_45 : i32
          %add3A_47 = arith.constant 0 : i32
          %add3A_48 = arith.addi %add3A_47, %mul3A_46 : i32
          %add3A_49 = arith.constant 1 : i32
          %add3A_50 = arith.addi %add3A_48, %add3A_49 : i32
          %dma_start3A_51 = arith.constant 0 : i32
          %dma_start3A_52 = tpu.memref_slice %arg9[%add3A_50, %dma_start3A_51] : memref<40x128xi32, #tpu.memory_space<vmem>> -> memref<1x128xi32, #tpu.memory_space<vmem>>
          %dma_start3A_53 = tpu.memref_squeeze %dma_start3A_52 : memref<1x128xi32, #tpu.memory_space<vmem>> -> memref<128xi32, #tpu.memory_space<vmem>>
          %dma_start3A_54 = arith.constant 0 : i32
          %dma_start3A_55 = arith.constant 0 : i32
          %dma_start3A_56 = tpu.memref_slice %arg2[%dma_start3A_54, %dma_start3A_55] : memref<10000x128xf32, #tpu.memory_space<hbm>> -> memref<10000x128xf32, #tpu.memory_space<hbm>>
          tpu.enqueue_indirect_dma source(%dma_start3A_56 : memref<10000x128xf32, #tpu.memory_space<hbm>>) target(%arg12 : memref<128x128xf32, #tpu.memory_space<vmem>>) offsets(%dma_start3A_53 : memref<128xi32, #tpu.memory_space<vmem>>) semaphore(%arg15 : memref<!tpu.dma_semaphore, #tpu.memory_space<semaphore_mem>>)
          %dma_wait3A = arith.constant 0 : i32
          %dma_wait3A_57 = tpu.memref_slice %arg9[%add3A_48, %dma_wait3A] : memref<40x128xi32, #tpu.memory_space<vmem>> -> memref<1x128xi32, #tpu.memory_space<vmem>>
          %dma_wait3A_58 = tpu.memref_squeeze %dma_wait3A_57 : memref<1x128xi32, #tpu.memory_space<vmem>> -> memref<128xi32, #tpu.memory_space<vmem>>
          %dma_wait3A_59 = arith.constant 0 : i32
          %dma_wait3A_60 = arith.constant 0 : i32
          %dma_wait3A_61 = tpu.memref_slice %arg2[%dma_wait3A_59, %dma_wait3A_60] : memref<10000x128xf32, #tpu.memory_space<hbm>> -> memref<10000x128xf32, #tpu.memory_space<hbm>>
          tpu.wait_indirect_dma semaphore(%arg14 : memref<!tpu.dma_semaphore, #tpu.memory_space<semaphore_mem>>) src(%dma_wait3A_61 : memref<10000x128xf32, #tpu.memory_space<hbm>>) dst(%arg11 : memref<128x128xf32, #tpu.memory_space<vmem>>)
          "tpu.region"() ({
            %run_scoped3A = tpu.sem_alloc : memref<!tpu.dma_semaphore, #tpu.memory_space<semaphore_mem>>
            %dma_start3A_78 = arith.constant 0 : i32
            %dma_start3A_79 = tpu.memref_slice %arg10[%add3A_48, %dma_start3A_78] : memref<40x128xi32, #tpu.memory_space<vmem>> -> memref<1x128xi32, #tpu.memory_space<vmem>>
            %dma_start3A_80 = tpu.memref_squeeze %dma_start3A_79 : memref<1x128xi32, #tpu.memory_space<vmem>> -> memref<128xi32, #tpu.memory_space<vmem>>
            %dma_start3A_81 = arith.constant 0 : i32
            %dma_start3A_82 = arith.constant 0 : i32
            %dma_start3A_83 = tpu.memref_slice %arg13[%dma_start3A_81, %dma_start3A_82] : memref<10112x128xf32, #tpu.memory_space<vmem_shared>> -> memref<10112x128xf32, #tpu.memory_space<vmem_shared>>
            tpu.enqueue_indirect_dma source(%arg11 : memref<128x128xf32, #tpu.memory_space<vmem>>) target(%dma_start3A_83 : memref<10112x128xf32, #tpu.memory_space<vmem_shared>>) offsets(%dma_start3A_80 : memref<128xi32, #tpu.memory_space<vmem>>) semaphore(%run_scoped3A : memref<!tpu.dma_semaphore, #tpu.memory_space<semaphore_mem>>) {add = true}
            %dma_wait3A_84 = arith.constant 0 : i32
            %dma_wait3A_85 = tpu.memref_slice %arg10[%add3A_48, %dma_wait3A_84] : memref<40x128xi32, #tpu.memory_space<vmem>> -> memref<1x128xi32, #tpu.memory_space<vmem>>
            %dma_wait3A_86 = tpu.memref_squeeze %dma_wait3A_85 : memref<1x128xi32, #tpu.memory_space<vmem>> -> memref<128xi32, #tpu.memory_space<vmem>>
            %dma_wait3A_87 = arith.constant 0 : i32
            %dma_wait3A_88 = arith.constant 0 : i32
            %dma_wait3A_89 = tpu.memref_slice %arg13[%dma_wait3A_87, %dma_wait3A_88] : memref<10112x128xf32, #tpu.memory_space<vmem_shared>> -> memref<10112x128xf32, #tpu.memory_space<vmem_shared>>
            tpu.wait_indirect_dma semaphore(%run_scoped3A : memref<!tpu.dma_semaphore, #tpu.memory_space<semaphore_mem>>) src(%arg11 : memref<128x128xf32, #tpu.memory_space<vmem>>) dst(%dma_wait3A_89 : memref<10112x128xf32, #tpu.memory_space<vmem_shared>>)
            tpu.yield
          }) : () -> ()
          %add3A_62 = arith.constant 2 : i32
          %add3A_63 = arith.addi %add3A_48, %add3A_62 : i32
          %lt3A = arith.constant 40 : i32
          %lt3A_64 = arith.cmpi slt, %add3A_63, %lt3A : i32
          %convert_element_type3A_65 = arith.extui %lt3A_64 : i1 to i32
          %cond3A_66 = arith.constant 0 : i32
          %cond3A_67 = arith.cmpi ne, %convert_element_type3A_65, %cond3A_66 : i32
          scf.if %cond3A_67 {
            %add3A_78 = arith.constant 2 : i32
            %add3A_79 = arith.addi %add3A_48, %add3A_78 : i32
            %dma_start3A_80 = arith.constant 0 : i32
            %dma_start3A_81 = tpu.memref_slice %arg9[%add3A_79, %dma_start3A_80] : memref<40x128xi32, #tpu.memory_space<vmem>> -> memref<1x128xi32, #tpu.memory_space<vmem>>
            %dma_start3A_82 = tpu.memref_squeeze %dma_start3A_81 : memref<1x128xi32, #tpu.memory_space<vmem>> -> memref<128xi32, #tpu.memory_space<vmem>>
            %dma_start3A_83 = arith.constant 0 : i32
            %dma_start3A_84 = arith.constant 0 : i32
            %dma_start3A_85 = tpu.memref_slice %arg2[%dma_start3A_83, %dma_start3A_84] : memref<10000x128xf32, #tpu.memory_space<hbm>> -> memref<10000x128xf32, #tpu.memory_space<hbm>>
            tpu.enqueue_indirect_dma source(%dma_start3A_85 : memref<10000x128xf32, #tpu.memory_space<hbm>>) target(%arg11 : memref<128x128xf32, #tpu.memory_space<vmem>>) offsets(%dma_start3A_82 : memref<128xi32, #tpu.memory_space<vmem>>) semaphore(%arg14 : memref<!tpu.dma_semaphore, #tpu.memory_space<semaphore_mem>>)
          } else {
          }
          %add3A_68 = arith.constant 1 : i32
          %add3A_69 = arith.addi %add3A_48, %add3A_68 : i32
          %dma_wait3A_70 = arith.constant 0 : i32
          %dma_wait3A_71 = tpu.memref_slice %arg9[%add3A_69, %dma_wait3A_70] : memref<40x128xi32, #tpu.memory_space<vmem>> -> memref<1x128xi32, #tpu.memory_space<vmem>>
          %dma_wait3A_72 = tpu.memref_squeeze %dma_wait3A_71 : memref<1x128xi32, #tpu.memory_space<vmem>> -> memref<128xi32, #tpu.memory_space<vmem>>
          %dma_wait3A_73 = arith.constant 0 : i32
          %dma_wait3A_74 = arith.constant 0 : i32
          %dma_wait3A_75 = tpu.memref_slice %arg2[%dma_wait3A_73, %dma_wait3A_74] : memref<10000x128xf32, #tpu.memory_space<hbm>> -> memref<10000x128xf32, #tpu.memory_space<hbm>>
          tpu.wait_indirect_dma semaphore(%arg15 : memref<!tpu.dma_semaphore, #tpu.memory_space<semaphore_mem>>) src(%dma_wait3A_75 : memref<10000x128xf32, #tpu.memory_space<hbm>>) dst(%arg12 : memref<128x128xf32, #tpu.memory_space<vmem>>)
          %add3A_76 = arith.constant 1 : i32
          %add3A_77 = arith.addi %add3A_48, %add3A_76 : i32
          "tpu.region"() ({
            %run_scoped3A = tpu.sem_alloc : memref<!tpu.dma_semaphore, #tpu.memory_space<semaphore_mem>>
            %dma_start3A_78 = arith.constant 0 : i32
            %dma_start3A_79 = tpu.memref_slice %arg10[%add3A_77, %dma_start3A_78] : memref<40x128xi32, #tpu.memory_space<vmem>> -> memref<1x128xi32, #tpu.memory_space<vmem>>
            %dma_start3A_80 = tpu.memref_squeeze %dma_start3A_79 : memref<1x128xi32, #tpu.memory_space<vmem>> -> memref<128xi32, #tpu.memory_space<vmem>>
            %dma_start3A_81 = arith.constant 0 : i32
            %dma_start3A_82 = arith.constant 0 : i32
            %dma_start3A_83 = tpu.memref_slice %arg13[%dma_start3A_81, %dma_start3A_82] : memref<10112x128xf32, #tpu.memory_space<vmem_shared>> -> memref<10112x128xf32, #tpu.memory_space<vmem_shared>>
            tpu.enqueue_indirect_dma source(%arg12 : memref<128x128xf32, #tpu.memory_space<vmem>>) target(%dma_start3A_83 : memref<10112x128xf32, #tpu.memory_space<vmem_shared>>) offsets(%dma_start3A_80 : memref<128xi32, #tpu.memory_space<vmem>>) semaphore(%run_scoped3A : memref<!tpu.dma_semaphore, #tpu.memory_space<semaphore_mem>>) {add = true}
            %dma_wait3A_84 = arith.constant 0 : i32
            %dma_wait3A_85 = tpu.memref_slice %arg10[%add3A_77, %dma_wait3A_84] : memref<40x128xi32, #tpu.memory_space<vmem>> -> memref<1x128xi32, #tpu.memory_space<vmem>>
            %dma_wait3A_86 = tpu.memref_squeeze %dma_wait3A_85 : memref<1x128xi32, #tpu.memory_space<vmem>> -> memref<128xi32, #tpu.memory_space<vmem>>
            %dma_wait3A_87 = arith.constant 0 : i32
            %dma_wait3A_88 = arith.constant 0 : i32
            %dma_wait3A_89 = tpu.memref_slice %arg13[%dma_wait3A_87, %dma_wait3A_88] : memref<10112x128xf32, #tpu.memory_space<vmem_shared>> -> memref<10112x128xf32, #tpu.memory_space<vmem_shared>>
            tpu.wait_indirect_dma semaphore(%run_scoped3A : memref<!tpu.dma_semaphore, #tpu.memory_space<semaphore_mem>>) src(%arg12 : memref<128x128xf32, #tpu.memory_space<vmem>>) dst(%dma_wait3A_89 : memref<10112x128xf32, #tpu.memory_space<vmem_shared>>)
            tpu.yield
          }) : () -> ()
        }
        %scan3A_43 = arith.constant 20 : i32
      }
      %scan3A_22 = arith.constant 2 : i32
    } else {
    }
    %eq3A_3 = arith.constant 1 : i32
    %eq3A_4 = arith.cmpi eq, %arg0, %eq3A_3 : i32
    %convert_element_type3A_5 = arith.extui %eq3A_4 : i1 to i32
    %cond3A_6 = arith.constant 0 : i32
    %cond3A_7 = arith.cmpi ne, %convert_element_type3A_5, %cond3A_6 : i32
    scf.if %cond3A_7 {
      %scan3A = arith.constant 0 : i32
      %scan3A_19 = arith.constant 2 : i32
      %scan3A_20 = arith.addi %scan3A, %scan3A_19 : i32
      %scan3A_21 = arith.constant 1 : i32
      scf.for %scan3A_23 = %scan3A to %scan3A_20 step %scan3A_21  : i32 {
        %mul3A_24 = arith.constant 1 : i32
        %mul3A_25 = arith.muli %scan3A_23, %mul3A_24 : i32
        %add3A = arith.constant 0 : i32
        %add3A_26 = arith.addi %add3A, %mul3A_25 : i32
        %mul3A_27 = arith.constant 2 : i32
        %mul3A_28 = arith.muli %arg1, %mul3A_27 : i32
        %add3A_29 = arith.addi %mul3A_28, %add3A_26 : i32
        "tpu.region"() ({
          %run_scoped3A = tpu.sem_alloc : memref<!tpu.dma_semaphore, #tpu.memory_space<semaphore_mem>>
          %dma_start3A_44 = arith.constant 0 : i32
          %dma_start3A_45 = arith.constant 0 : i32
          %dma_start3A_46 = tpu.memref_slice %arg4[%add3A_29, %dma_start3A_44, %dma_start3A_45] : memref<32x40x128xi32, #tpu.memory_space<hbm>> -> memref<1x40x128xi32, #tpu.memory_space<hbm>>
          %dma_start3A_47 = tpu.memref_squeeze %dma_start3A_46 : memref<1x40x128xi32, #tpu.memory_space<hbm>> -> memref<40x128xi32, #tpu.memory_space<hbm>>
          %dma_start3A_48 = arith.constant 0 : i32
          %dma_start3A_49 = arith.constant 0 : i32
          %dma_start3A_50 = tpu.memref_slice %arg4[%add3A_29, %dma_start3A_48, %dma_start3A_49] : memref<32x40x128xi32, #tpu.memory_space<hbm>> -> memref<1x40x128xi32, #tpu.memory_space<hbm>>
          %dma_start3A_51 = tpu.memref_squeeze %dma_start3A_50 : memref<1x40x128xi32, #tpu.memory_space<hbm>> -> memref<40x128xi32, #tpu.memory_space<hbm>>
          tpu.enqueue_dma source(%dma_start3A_51 : memref<40x128xi32, #tpu.memory_space<hbm>>) target(%arg9 : memref<40x128xi32, #tpu.memory_space<vmem>>) target_semaphore(%run_scoped3A : memref<!tpu.dma_semaphore, #tpu.memory_space<semaphore_mem>>)
          %dma_wait3A = arith.constant 0 : i32
          %dma_wait3A_52 = arith.constant 0 : i32
          %dma_wait3A_53 = tpu.memref_slice %arg4[%add3A_29, %dma_wait3A, %dma_wait3A_52] : memref<32x40x128xi32, #tpu.memory_space<hbm>> -> memref<1x40x128xi32, #tpu.memory_space<hbm>>
          %dma_wait3A_54 = tpu.memref_squeeze %dma_wait3A_53 : memref<1x40x128xi32, #tpu.memory_space<hbm>> -> memref<40x128xi32, #tpu.memory_space<hbm>>
          %dma_wait3A_55 = arith.constant 0 : i32
          %dma_wait3A_56 = arith.constant 0 : i32
          %dma_wait3A_57 = tpu.memref_slice %arg4[%add3A_29, %dma_wait3A_55, %dma_wait3A_56] : memref<32x40x128xi32, #tpu.memory_space<hbm>> -> memref<1x40x128xi32, #tpu.memory_space<hbm>>
          %dma_wait3A_58 = tpu.memref_squeeze %dma_wait3A_57 : memref<1x40x128xi32, #tpu.memory_space<hbm>> -> memref<40x128xi32, #tpu.memory_space<hbm>>
          tpu.wait_dma2 semaphore(%run_scoped3A : memref<!tpu.dma_semaphore, #tpu.memory_space<semaphore_mem>>) src(%dma_wait3A_58 : memref<40x128xi32, #tpu.memory_space<hbm>>) dst(%arg9 : memref<40x128xi32, #tpu.memory_space<vmem>>)
          tpu.yield
        }) : () -> ()
        %mul3A_30 = arith.constant 2 : i32
        %mul3A_31 = arith.muli %arg1, %mul3A_30 : i32
        %add3A_32 = arith.addi %mul3A_31, %add3A_26 : i32
        "tpu.region"() ({
          %run_scoped3A = tpu.sem_alloc : memref<!tpu.dma_semaphore, #tpu.memory_space<semaphore_mem>>
          %dma_start3A_44 = arith.constant 0 : i32
          %dma_start3A_45 = arith.constant 0 : i32
          %dma_start3A_46 = tpu.memref_slice %arg5[%add3A_32, %dma_start3A_44, %dma_start3A_45] : memref<32x40x128xi32, #tpu.memory_space<hbm>> -> memref<1x40x128xi32, #tpu.memory_space<hbm>>
          %dma_start3A_47 = tpu.memref_squeeze %dma_start3A_46 : memref<1x40x128xi32, #tpu.memory_space<hbm>> -> memref<40x128xi32, #tpu.memory_space<hbm>>
          %dma_start3A_48 = arith.constant 0 : i32
          %dma_start3A_49 = arith.constant 0 : i32
          %dma_start3A_50 = tpu.memref_slice %arg5[%add3A_32, %dma_start3A_48, %dma_start3A_49] : memref<32x40x128xi32, #tpu.memory_space<hbm>> -> memref<1x40x128xi32, #tpu.memory_space<hbm>>
          %dma_start3A_51 = tpu.memref_squeeze %dma_start3A_50 : memref<1x40x128xi32, #tpu.memory_space<hbm>> -> memref<40x128xi32, #tpu.memory_space<hbm>>
          tpu.enqueue_dma source(%dma_start3A_51 : memref<40x128xi32, #tpu.memory_space<hbm>>) target(%arg10 : memref<40x128xi32, #tpu.memory_space<vmem>>) target_semaphore(%run_scoped3A : memref<!tpu.dma_semaphore, #tpu.memory_space<semaphore_mem>>)
          %dma_wait3A = arith.constant 0 : i32
          %dma_wait3A_52 = arith.constant 0 : i32
          %dma_wait3A_53 = tpu.memref_slice %arg5[%add3A_32, %dma_wait3A, %dma_wait3A_52] : memref<32x40x128xi32, #tpu.memory_space<hbm>> -> memref<1x40x128xi32, #tpu.memory_space<hbm>>
          %dma_wait3A_54 = tpu.memref_squeeze %dma_wait3A_53 : memref<1x40x128xi32, #tpu.memory_space<hbm>> -> memref<40x128xi32, #tpu.memory_space<hbm>>
          %dma_wait3A_55 = arith.constant 0 : i32
          %dma_wait3A_56 = arith.constant 0 : i32
          %dma_wait3A_57 = tpu.memref_slice %arg5[%add3A_32, %dma_wait3A_55, %dma_wait3A_56] : memref<32x40x128xi32, #tpu.memory_space<hbm>> -> memref<1x40x128xi32, #tpu.memory_space<hbm>>
          %dma_wait3A_58 = tpu.memref_squeeze %dma_wait3A_57 : memref<1x40x128xi32, #tpu.memory_space<hbm>> -> memref<40x128xi32, #tpu.memory_space<hbm>>
          tpu.wait_dma2 semaphore(%run_scoped3A : memref<!tpu.dma_semaphore, #tpu.memory_space<semaphore_mem>>) src(%dma_wait3A_58 : memref<40x128xi32, #tpu.memory_space<hbm>>) dst(%arg10 : memref<40x128xi32, #tpu.memory_space<vmem>>)
          tpu.yield
        }) : () -> ()
        %dma_start3A = arith.constant 0 : i32
        %dma_start3A_33 = arith.constant 0 : i32
        %dma_start3A_34 = tpu.memref_slice %arg9[%dma_start3A, %dma_start3A_33] : memref<40x128xi32, #tpu.memory_space<vmem>> -> memref<1x128xi32, #tpu.memory_space<vmem>>
        %dma_start3A_35 = tpu.memref_squeeze %dma_start3A_34 : memref<1x128xi32, #tpu.memory_space<vmem>> -> memref<128xi32, #tpu.memory_space<vmem>>
        %dma_start3A_36 = arith.constant 0 : i32
        %dma_start3A_37 = arith.constant 0 : i32
        %dma_start3A_38 = tpu.memref_slice %arg3[%dma_start3A_36, %dma_start3A_37] : memref<10000x128xf32, #tpu.memory_space<hbm>> -> memref<10000x128xf32, #tpu.memory_space<hbm>>
        tpu.enqueue_indirect_dma source(%dma_start3A_38 : memref<10000x128xf32, #tpu.memory_space<hbm>>) target(%arg11 : memref<128x128xf32, #tpu.memory_space<vmem>>) offsets(%dma_start3A_35 : memref<128xi32, #tpu.memory_space<vmem>>) semaphore(%arg14 : memref<!tpu.dma_semaphore, #tpu.memory_space<semaphore_mem>>)
        %scan3A_39 = arith.constant 0 : i32
        %scan3A_40 = arith.constant 20 : i32
        %scan3A_41 = arith.addi %scan3A_39, %scan3A_40 : i32
        %scan3A_42 = arith.constant 1 : i32
        scf.for %scan3A_44 = %scan3A_39 to %scan3A_41 step %scan3A_42  : i32 {
          %mul3A_45 = arith.constant 2 : i32
          %mul3A_46 = arith.muli %scan3A_44, %mul3A_45 : i32
          %add3A_47 = arith.constant 0 : i32
          %add3A_48 = arith.addi %add3A_47, %mul3A_46 : i32
          %add3A_49 = arith.constant 1 : i32
          %add3A_50 = arith.addi %add3A_48, %add3A_49 : i32
          %dma_start3A_51 = arith.constant 0 : i32
          %dma_start3A_52 = tpu.memref_slice %arg9[%add3A_50, %dma_start3A_51] : memref<40x128xi32, #tpu.memory_space<vmem>> -> memref<1x128xi32, #tpu.memory_space<vmem>>
          %dma_start3A_53 = tpu.memref_squeeze %dma_start3A_52 : memref<1x128xi32, #tpu.memory_space<vmem>> -> memref<128xi32, #tpu.memory_space<vmem>>
          %dma_start3A_54 = arith.constant 0 : i32
          %dma_start3A_55 = arith.constant 0 : i32
          %dma_start3A_56 = tpu.memref_slice %arg3[%dma_start3A_54, %dma_start3A_55] : memref<10000x128xf32, #tpu.memory_space<hbm>> -> memref<10000x128xf32, #tpu.memory_space<hbm>>
          tpu.enqueue_indirect_dma source(%dma_start3A_56 : memref<10000x128xf32, #tpu.memory_space<hbm>>) target(%arg12 : memref<128x128xf32, #tpu.memory_space<vmem>>) offsets(%dma_start3A_53 : memref<128xi32, #tpu.memory_space<vmem>>) semaphore(%arg15 : memref<!tpu.dma_semaphore, #tpu.memory_space<semaphore_mem>>)
          %dma_wait3A = arith.constant 0 : i32
          %dma_wait3A_57 = tpu.memref_slice %arg9[%add3A_48, %dma_wait3A] : memref<40x128xi32, #tpu.memory_space<vmem>> -> memref<1x128xi32, #tpu.memory_space<vmem>>
          %dma_wait3A_58 = tpu.memref_squeeze %dma_wait3A_57 : memref<1x128xi32, #tpu.memory_space<vmem>> -> memref<128xi32, #tpu.memory_space<vmem>>
          %dma_wait3A_59 = arith.constant 0 : i32
          %dma_wait3A_60 = arith.constant 0 : i32
          %dma_wait3A_61 = tpu.memref_slice %arg3[%dma_wait3A_59, %dma_wait3A_60] : memref<10000x128xf32, #tpu.memory_space<hbm>> -> memref<10000x128xf32, #tpu.memory_space<hbm>>
          tpu.wait_indirect_dma semaphore(%arg14 : memref<!tpu.dma_semaphore, #tpu.memory_space<semaphore_mem>>) src(%dma_wait3A_61 : memref<10000x128xf32, #tpu.memory_space<hbm>>) dst(%arg11 : memref<128x128xf32, #tpu.memory_space<vmem>>)
          "tpu.region"() ({
            %run_scoped3A = tpu.sem_alloc : memref<!tpu.dma_semaphore, #tpu.memory_space<semaphore_mem>>
            %dma_start3A_78 = arith.constant 0 : i32
            %dma_start3A_79 = tpu.memref_slice %arg10[%add3A_48, %dma_start3A_78] : memref<40x128xi32, #tpu.memory_space<vmem>> -> memref<1x128xi32, #tpu.memory_space<vmem>>
            %dma_start3A_80 = tpu.memref_squeeze %dma_start3A_79 : memref<1x128xi32, #tpu.memory_space<vmem>> -> memref<128xi32, #tpu.memory_space<vmem>>
            %dma_start3A_81 = arith.constant 0 : i32
            %dma_start3A_82 = arith.constant 0 : i32
            %dma_start3A_83 = tpu.memref_slice %arg13[%dma_start3A_81, %dma_start3A_82] : memref<10112x128xf32, #tpu.memory_space<vmem_shared>> -> memref<10112x128xf32, #tpu.memory_space<vmem_shared>>
            tpu.enqueue_indirect_dma source(%arg11 : memref<128x128xf32, #tpu.memory_space<vmem>>) target(%dma_start3A_83 : memref<10112x128xf32, #tpu.memory_space<vmem_shared>>) offsets(%dma_start3A_80 : memref<128xi32, #tpu.memory_space<vmem>>) semaphore(%run_scoped3A : memref<!tpu.dma_semaphore, #tpu.memory_space<semaphore_mem>>) {add = true}
            %dma_wait3A_84 = arith.constant 0 : i32
            %dma_wait3A_85 = tpu.memref_slice %arg10[%add3A_48, %dma_wait3A_84] : memref<40x128xi32, #tpu.memory_space<vmem>> -> memref<1x128xi32, #tpu.memory_space<vmem>>
            %dma_wait3A_86 = tpu.memref_squeeze %dma_wait3A_85 : memref<1x128xi32, #tpu.memory_space<vmem>> -> memref<128xi32, #tpu.memory_space<vmem>>
            %dma_wait3A_87 = arith.constant 0 : i32
            %dma_wait3A_88 = arith.constant 0 : i32
            %dma_wait3A_89 = tpu.memref_slice %arg13[%dma_wait3A_87, %dma_wait3A_88] : memref<10112x128xf32, #tpu.memory_space<vmem_shared>> -> memref<10112x128xf32, #tpu.memory_space<vmem_shared>>
            tpu.wait_indirect_dma semaphore(%run_scoped3A : memref<!tpu.dma_semaphore, #tpu.memory_space<semaphore_mem>>) src(%arg11 : memref<128x128xf32, #tpu.memory_space<vmem>>) dst(%dma_wait3A_89 : memref<10112x128xf32, #tpu.memory_space<vmem_shared>>)
            tpu.yield
          }) : () -> ()
          %add3A_62 = arith.constant 2 : i32
          %add3A_63 = arith.addi %add3A_48, %add3A_62 : i32
          %lt3A = arith.constant 40 : i32
          %lt3A_64 = arith.cmpi slt, %add3A_63, %lt3A : i32
          %convert_element_type3A_65 = arith.extui %lt3A_64 : i1 to i32
          %cond3A_66 = arith.constant 0 : i32
          %cond3A_67 = arith.cmpi ne, %convert_element_type3A_65, %cond3A_66 : i32
          scf.if %cond3A_67 {
            %add3A_78 = arith.constant 2 : i32
            %add3A_79 = arith.addi %add3A_48, %add3A_78 : i32
            %dma_start3A_80 = arith.constant 0 : i32
            %dma_start3A_81 = tpu.memref_slice %arg9[%add3A_79, %dma_start3A_80] : memref<40x128xi32, #tpu.memory_space<vmem>> -> memref<1x128xi32, #tpu.memory_space<vmem>>
            %dma_start3A_82 = tpu.memref_squeeze %dma_start3A_81 : memref<1x128xi32, #tpu.memory_space<vmem>> -> memref<128xi32, #tpu.memory_space<vmem>>
            %dma_start3A_83 = arith.constant 0 : i32
            %dma_start3A_84 = arith.constant 0 : i32
            %dma_start3A_85 = tpu.memref_slice %arg3[%dma_start3A_83, %dma_start3A_84] : memref<10000x128xf32, #tpu.memory_space<hbm>> -> memref<10000x128xf32, #tpu.memory_space<hbm>>
            tpu.enqueue_indirect_dma source(%dma_start3A_85 : memref<10000x128xf32, #tpu.memory_space<hbm>>) target(%arg11 : memref<128x128xf32, #tpu.memory_space<vmem>>) offsets(%dma_start3A_82 : memref<128xi32, #tpu.memory_space<vmem>>) semaphore(%arg14 : memref<!tpu.dma_semaphore, #tpu.memory_space<semaphore_mem>>)
          } else {
          }
          %add3A_68 = arith.constant 1 : i32
          %add3A_69 = arith.addi %add3A_48, %add3A_68 : i32
          %dma_wait3A_70 = arith.constant 0 : i32
          %dma_wait3A_71 = tpu.memref_slice %arg9[%add3A_69, %dma_wait3A_70] : memref<40x128xi32, #tpu.memory_space<vmem>> -> memref<1x128xi32, #tpu.memory_space<vmem>>
          %dma_wait3A_72 = tpu.memref_squeeze %dma_wait3A_71 : memref<1x128xi32, #tpu.memory_space<vmem>> -> memref<128xi32, #tpu.memory_space<vmem>>
          %dma_wait3A_73 = arith.constant 0 : i32
          %dma_wait3A_74 = arith.constant 0 : i32
          %dma_wait3A_75 = tpu.memref_slice %arg3[%dma_wait3A_73, %dma_wait3A_74] : memref<10000x128xf32, #tpu.memory_space<hbm>> -> memref<10000x128xf32, #tpu.memory_space<hbm>>
          tpu.wait_indirect_dma semaphore(%arg15 : memref<!tpu.dma_semaphore, #tpu.memory_space<semaphore_mem>>) src(%dma_wait3A_75 : memref<10000x128xf32, #tpu.memory_space<hbm>>) dst(%arg12 : memref<128x128xf32, #tpu.memory_space<vmem>>)
          %add3A_76 = arith.constant 1 : i32
          %add3A_77 = arith.addi %add3A_48, %add3A_76 : i32
          "tpu.region"() ({
            %run_scoped3A = tpu.sem_alloc : memref<!tpu.dma_semaphore, #tpu.memory_space<semaphore_mem>>
            %dma_start3A_78 = arith.constant 0 : i32
            %dma_start3A_79 = tpu.memref_slice %arg10[%add3A_77, %dma_start3A_78] : memref<40x128xi32, #tpu.memory_space<vmem>> -> memref<1x128xi32, #tpu.memory_space<vmem>>
            %dma_start3A_80 = tpu.memref_squeeze %dma_start3A_79 : memref<1x128xi32, #tpu.memory_space<vmem>> -> memref<128xi32, #tpu.memory_space<vmem>>
            %dma_start3A_81 = arith.constant 0 : i32
            %dma_start3A_82 = arith.constant 0 : i32
            %dma_start3A_83 = tpu.memref_slice %arg13[%dma_start3A_81, %dma_start3A_82] : memref<10112x128xf32, #tpu.memory_space<vmem_shared>> -> memref<10112x128xf32, #tpu.memory_space<vmem_shared>>
            tpu.enqueue_indirect_dma source(%arg12 : memref<128x128xf32, #tpu.memory_space<vmem>>) target(%dma_start3A_83 : memref<10112x128xf32, #tpu.memory_space<vmem_shared>>) offsets(%dma_start3A_80 : memref<128xi32, #tpu.memory_space<vmem>>) semaphore(%run_scoped3A : memref<!tpu.dma_semaphore, #tpu.memory_space<semaphore_mem>>) {add = true}
            %dma_wait3A_84 = arith.constant 0 : i32
            %dma_wait3A_85 = tpu.memref_slice %arg10[%add3A_77, %dma_wait3A_84] : memref<40x128xi32, #tpu.memory_space<vmem>> -> memref<1x128xi32, #tpu.memory_space<vmem>>
            %dma_wait3A_86 = tpu.memref_squeeze %dma_wait3A_85 : memref<1x128xi32, #tpu.memory_space<vmem>> -> memref<128xi32, #tpu.memory_space<vmem>>
            %dma_wait3A_87 = arith.constant 0 : i32
            %dma_wait3A_88 = arith.constant 0 : i32
            %dma_wait3A_89 = tpu.memref_slice %arg13[%dma_wait3A_87, %dma_wait3A_88] : memref<10112x128xf32, #tpu.memory_space<vmem_shared>> -> memref<10112x128xf32, #tpu.memory_space<vmem_shared>>
            tpu.wait_indirect_dma semaphore(%run_scoped3A : memref<!tpu.dma_semaphore, #tpu.memory_space<semaphore_mem>>) src(%arg12 : memref<128x128xf32, #tpu.memory_space<vmem>>) dst(%dma_wait3A_89 : memref<10112x128xf32, #tpu.memory_space<vmem_shared>>)
            tpu.yield
          }) : () -> ()
        }
        %scan3A_43 = arith.constant 20 : i32
      }
      %scan3A_22 = arith.constant 2 : i32
    } else {
    }
    %barrier3A_8 = arith.constant 0 : index
    tpu.barrier barrier_id(%barrier3A_8)
    %eq3A_9 = arith.constant 0 : i32
    %eq3A_10 = arith.cmpi eq, %arg0, %eq3A_9 : i32
    %convert_element_type3A_11 = arith.extui %eq3A_10 : i1 to i32
    %cond3A_12 = arith.constant 0 : i32
    %cond3A_13 = arith.cmpi ne, %convert_element_type3A_11, %cond3A_12 : i32
    scf.if %cond3A_13 {
      "tpu.region"() ({
        %run_scoped3A = tpu.sem_alloc : memref<!tpu.dma_semaphore, #tpu.memory_space<semaphore_mem>>
        %dma_start3A = arith.constant 0 : i32
        %dma_start3A_19 = tpu.memref_slice %arg7[%mul3A_0, %dma_start3A] : memref<10112x128xf32, #tpu.memory_space<hbm>> -> memref<632x128xf32, #tpu.memory_space<hbm>>
        %dma_start3A_20 = arith.constant 0 : i32
        %dma_start3A_21 = tpu.memref_slice %arg13[%mul3A_0, %dma_start3A_20] : memref<10112x128xf32, #tpu.memory_space<vmem_shared>> -> memref<632x128xf32, #tpu.memory_space<vmem_shared>>
        tpu.enqueue_dma source(%dma_start3A_21 : memref<632x128xf32, #tpu.memory_space<vmem_shared>>) target(%dma_start3A_19 : memref<632x128xf32, #tpu.memory_space<hbm>>) target_semaphore(%run_scoped3A : memref<!tpu.dma_semaphore, #tpu.memory_space<semaphore_mem>>)
        %dma_wait3A = arith.constant 0 : i32
        %dma_wait3A_22 = tpu.memref_slice %arg7[%mul3A_0, %dma_wait3A] : memref<10112x128xf32, #tpu.memory_space<hbm>> -> memref<632x128xf32, #tpu.memory_space<hbm>>
        %dma_wait3A_23 = arith.constant 0 : i32
        %dma_wait3A_24 = tpu.memref_slice %arg13[%mul3A_0, %dma_wait3A_23] : memref<10112x128xf32, #tpu.memory_space<vmem_shared>> -> memref<632x128xf32, #tpu.memory_space<vmem_shared>>
        tpu.wait_dma2 semaphore(%run_scoped3A : memref<!tpu.dma_semaphore, #tpu.memory_space<semaphore_mem>>) src(%dma_wait3A_24 : memref<632x128xf32, #tpu.memory_space<vmem_shared>>) dst(%dma_wait3A_22 : memref<632x128xf32, #tpu.memory_space<hbm>>)
        tpu.yield
      }) : () -> ()
    } else {
    }
    %eq3A_14 = arith.constant 1 : i32
    %eq3A_15 = arith.cmpi eq, %arg0, %eq3A_14 : i32
    %convert_element_type3A_16 = arith.extui %eq3A_15 : i1 to i32
    %cond3A_17 = arith.constant 0 : i32
    %cond3A_18 = arith.cmpi ne, %convert_element_type3A_16, %cond3A_17 : i32
    scf.if %cond3A_18 {
      "tpu.region"() ({
        %run_scoped3A = tpu.sem_alloc : memref<!tpu.dma_semaphore, #tpu.memory_space<semaphore_mem>>
        %dma_start3A = arith.constant 0 : i32
        %dma_start3A_19 = tpu.memref_slice %arg8[%mul3A_0, %dma_start3A] : memref<10112x128xf32, #tpu.memory_space<hbm>> -> memref<632x128xf32, #tpu.memory_space<hbm>>
        %dma_start3A_20 = arith.constant 0 : i32
        %dma_start3A_21 = tpu.memref_slice %arg13[%mul3A_0, %dma_start3A_20] : memref<10112x128xf32, #tpu.memory_space<vmem_shared>> -> memref<632x128xf32, #tpu.memory_space<vmem_shared>>
        tpu.enqueue_dma source(%dma_start3A_21 : memref<632x128xf32, #tpu.memory_space<vmem_shared>>) target(%dma_start3A_19 : memref<632x128xf32, #tpu.memory_space<hbm>>) target_semaphore(%run_scoped3A : memref<!tpu.dma_semaphore, #tpu.memory_space<semaphore_mem>>)
        %dma_wait3A = arith.constant 0 : i32
        %dma_wait3A_22 = tpu.memref_slice %arg8[%mul3A_0, %dma_wait3A] : memref<10112x128xf32, #tpu.memory_space<hbm>> -> memref<632x128xf32, #tpu.memory_space<hbm>>
        %dma_wait3A_23 = arith.constant 0 : i32
        %dma_wait3A_24 = tpu.memref_slice %arg13[%mul3A_0, %dma_wait3A_23] : memref<10112x128xf32, #tpu.memory_space<vmem_shared>> -> memref<632x128xf32, #tpu.memory_space<vmem_shared>>
        tpu.wait_dma2 semaphore(%run_scoped3A : memref<!tpu.dma_semaphore, #tpu.memory_space<semaphore_mem>>) src(%dma_wait3A_24 : memref<632x128xf32, #tpu.memory_space<vmem_shared>>) dst(%dma_wait3A_22 : memref<632x128xf32, #tpu.memory_space<hbm>>)
        tpu.yield
      }) : () -> ()
    } else {
    }
    return
  }
}

module attributes {stable_mosaic.version = 14 : i64} {
  func.func @_mm1_body(%arg0: i32, %arg1: memref<400x256xf32, #tpu.memory_space<vmem>>, %arg2: memref<256x256xf32, #tpu.memory_space<vmem>>, %arg3: memref<400x256xf32, #tpu.memory_space<vmem>>) attributes {dimension_semantics = [#tpu.dimension_semantics<arbitrary>], iteration_bounds = array<i64: 25>, scalar_prefetch = 0 : i64, scratch_operands = 0 : i64, tpu.core_type = #tpu.core_type<tc>, window_params = [{transform_indices = @transform_0, window_bounds = array<i64: 400, 256>}, {pipeline_mode = #tpu.pipeline_mode<synchronous>, transform_indices = @transform_1, window_bounds = array<i64: 256, 256>}, {transform_indices = @transform_2, window_bounds = array<i64: 400, 256>}]} {
    %get3A = arith.constant 0 : index
    %get3A_0 = arith.constant 0 : index
    %get3A_1 = vector.load %arg1[%get3A, %get3A_0] : memref<400x256xf32, #tpu.memory_space<vmem>>, vector<400x256xf32>
    %get3A_2 = arith.constant 0 : index
    %get3A_3 = arith.constant 0 : index
    %get3A_4 = vector.load %arg2[%get3A_2, %get3A_3] : memref<256x256xf32, #tpu.memory_space<vmem>>, vector<256x256xf32>
    %dot_general3A = arith.constant dense<0.000000e+00> : vector<400x256xf32>
    %dot_general3A_5 = tpu.matmul %get3A_1, %get3A_4, %dot_general3A {dimension_numbers = #tpu.dot_dimension_numbers<[1], [0], [0], [1], [0, 0, 1, 1], [], []>, transpose_lhs_hint = false} : vector<400x256xf32>, vector<256x256xf32>, vector<400x256xf32> -> vector<400x256xf32>
    %swap3A = arith.constant 0 : index
    %swap3A_6 = arith.constant 0 : index
    %swap3A_7 = vector.load %arg3[%swap3A, %swap3A_6] : memref<400x256xf32, #tpu.memory_space<vmem>>, vector<400x256xf32>
    tpu.vector_store %arg3[%swap3A, %swap3A_6], %dot_general3A_5 {strides = array<i32>} : memref<400x256xf32, #tpu.memory_space<vmem>>, vector<400x256xf32>,
    return
  }
  func.func @transform_0(%arg0: i32) -> (i32, i32) {
    %c0_i32 = arith.constant 0 : i32
    %c0_i32_0 = arith.constant 0 : i32
    return %arg0, %c0_i32 : i32, i32
  }
  func.func @transform_1(%arg0: i32) -> (i32, i32) {
    %c0_i32 = arith.constant 0 : i32
    %c0_i32_0 = arith.constant 0 : i32
    %c0_i32_1 = arith.constant 0 : i32
    return %c0_i32, %c0_i32_0 : i32, i32
  }
  func.func @transform_2(%arg0: i32) -> (i32, i32) {
    %c0_i32 = arith.constant 0 : i32
    %c0_i32_0 = arith.constant 0 : i32
    return %arg0, %c0_i32 : i32, i32
  }
}

module attributes {stable_mosaic.version = 14 : i64} {
  func.func @_dis_body(%arg0: i32, %arg1: memref<1264x128xf32, #tpu.memory_space<vmem>>, %arg2: memref<1264x128xf32, #tpu.memory_space<vmem>>, %arg3: memref<1264x1xf32, #tpu.memory_space<vmem>>) attributes {dimension_semantics = [#tpu.dimension_semantics<arbitrary>], iteration_bounds = array<i64: 8>, scalar_prefetch = 0 : i64, scratch_operands = 0 : i64, tpu.core_type = #tpu.core_type<tc>, window_params = [{transform_indices = @transform_0, window_bounds = array<i64: 1264, 128>}, {transform_indices = @transform_1, window_bounds = array<i64: 1264, 128>}, {transform_indices = @transform_2, window_bounds = array<i64: 1264, 1>}]} {
    %get3A = arith.constant 0 : index
    %get3A_0 = arith.constant 0 : index
    %get3A_1 = vector.load %arg1[%get3A, %get3A_0] : memref<1264x128xf32, #tpu.memory_space<vmem>>, vector<1264x1xf32>
    %get3A_2 = arith.constant 0 : index
    %get3A_3 = arith.constant 0 : index
    %get3A_4 = vector.load %arg2[%get3A_2, %get3A_3] : memref<1264x128xf32, #tpu.memory_space<vmem>>, vector<1264x1xf32>
    %add3A = arith.addf %get3A_1, %get3A_4 : vector<1264x1xf32>
    %add3A_5 = arith.constant 1.000000e+00 : f32
    %add3A_6 = vector.broadcast %add3A_5 : f32 to vector<1264x1xf32>
    %add3A_7 = arith.addf %add3A, %add3A_6 : vector<1264x1xf32>
    %rsqrt3A = math.rsqrt %add3A_7 : vector<1264x1xf32>
    %swap3A = arith.constant 0 : index
    %swap3A_8 = arith.constant 0 : index
    %swap3A_9 = vector.load %arg3[%swap3A, %swap3A_8] : memref<1264x1xf32, #tpu.memory_space<vmem>>, vector<1264x1xf32>
    tpu.vector_store %arg3[%swap3A, %swap3A_8], %rsqrt3A {strides = array<i32>} : memref<1264x1xf32, #tpu.memory_space<vmem>>, vector<1264x1xf32>,
    return
  }
  func.func @transform_0(%arg0: i32) -> (i32, i32) {
    %c0_i32 = arith.constant 0 : i32
    %c0_i32_0 = arith.constant 0 : i32
    return %arg0, %c0_i32 : i32, i32
  }
  func.func @transform_1(%arg0: i32) -> (i32, i32) {
    %c0_i32 = arith.constant 0 : i32
    %c0_i32_0 = arith.constant 0 : i32
    return %arg0, %c0_i32 : i32, i32
  }
  func.func @transform_2(%arg0: i32) -> (i32, i32) {
    %c0_i32 = arith.constant 0 : i32
    %c0_i32_0 = arith.constant 0 : i32
    return %arg0, %c0_i32 : i32, i32
  }
}

module attributes {stable_mosaic.version = 14 : i64} {
  func.func @_scale_body(%arg0: i32, %arg1: memref<400x256xf32, #tpu.memory_space<vmem>>, %arg2: memref<400x1xf32, #tpu.memory_space<vmem>>, %arg3: memref<400x128xf32, #tpu.memory_space<vmem>>, %arg4: memref<400x128xf32, #tpu.memory_space<vmem>>) attributes {dimension_semantics = [#tpu.dimension_semantics<arbitrary>], iteration_bounds = array<i64: 25>, scalar_prefetch = 0 : i64, scratch_operands = 0 : i64, tpu.core_type = #tpu.core_type<tc>, window_params = [{transform_indices = @transform_0, window_bounds = array<i64: 400, 256>}, {transform_indices = @transform_1, window_bounds = array<i64: 400, 1>}, {transform_indices = @transform_2, window_bounds = array<i64: 400, 128>}, {transform_indices = @transform_3, window_bounds = array<i64: 400, 128>}]} {
    %get3A = arith.constant 0 : index
    %get3A_0 = arith.constant 0 : index
    %get3A_1 = vector.load %arg1[%get3A, %get3A_0] : memref<400x256xf32, #tpu.memory_space<vmem>>, vector<400x256xf32>
    %get3A_2 = arith.constant 0 : index
    %get3A_3 = arith.constant 0 : index
    %get3A_4 = vector.load %arg2[%get3A_2, %get3A_3] : memref<400x1xf32, #tpu.memory_space<vmem>>, vector<400x1xf32>
    %mul3A = vector.broadcast %get3A_4 : vector<400x1xf32> to vector<400x256xf32>
    %mul3A_5 = arith.mulf %get3A_1, %mul3A : vector<400x256xf32>
    %slice3A = vector.extract_strided_slice %mul3A_5 {offsets = [0, 0], sizes = [400, 128], strides = [1, 1]} : vector<400x256xf32> to vector<400x128xf32>
    %swap3A = arith.constant 0 : index
    %swap3A_6 = arith.constant 0 : index
    %swap3A_7 = vector.load %arg3[%swap3A, %swap3A_6] : memref<400x128xf32, #tpu.memory_space<vmem>>, vector<400x128xf32>
    tpu.vector_store %arg3[%swap3A, %swap3A_6], %slice3A {strides = array<i32>} : memref<400x128xf32, #tpu.memory_space<vmem>>, vector<400x128xf32>,
    %slice3A_8 = vector.extract_strided_slice %mul3A_5 {offsets = [0, 128], sizes = [400, 128], strides = [1, 1]} : vector<400x256xf32> to vector<400x128xf32>
    %swap3A_9 = arith.constant 0 : index
    %swap3A_10 = arith.constant 0 : index
    %swap3A_11 = vector.load %arg4[%swap3A_9, %swap3A_10] : memref<400x128xf32, #tpu.memory_space<vmem>>, vector<400x128xf32>
    tpu.vector_store %arg4[%swap3A_9, %swap3A_10], %slice3A_8 {strides = array<i32>} : memref<400x128xf32, #tpu.memory_space<vmem>>, vector<400x128xf32>,
    return
  }
  func.func @transform_0(%arg0: i32) -> (i32, i32) {
    %c0_i32 = arith.constant 0 : i32
    %c0_i32_0 = arith.constant 0 : i32
    return %arg0, %c0_i32 : i32, i32
  }
  func.func @transform_1(%arg0: i32) -> (i32, i32) {
    %c0_i32 = arith.constant 0 : i32
    %c0_i32_0 = arith.constant 0 : i32
    return %arg0, %c0_i32 : i32, i32
  }
  func.func @transform_2(%arg0: i32) -> (i32, i32) {
    %c0_i32 = arith.constant 0 : i32
    %c0_i32_0 = arith.constant 0 : i32
    return %arg0, %c0_i32 : i32, i32
  }
  func.func @transform_3(%arg0: i32) -> (i32, i32) {
    %c0_i32 = arith.constant 0 : i32
    %c0_i32_0 = arith.constant 0 : i32
    return %arg0, %c0_i32 : i32, i32
  }
}

module attributes {stable_mosaic.version = 14 : i64} {
  func.func @_mid_body(%arg0: i32, %arg1: memref<400x128xf32, #tpu.memory_space<vmem>>, %arg2: memref<400x128xf32, #tpu.memory_space<vmem>>, %arg3: memref<400x128xf32, #tpu.memory_space<vmem>>, %arg4: memref<400x128xf32, #tpu.memory_space<vmem>>, %arg5: memref<400x1xf32, #tpu.memory_space<vmem>>, %arg6: memref<1x256xf32, #tpu.memory_space<vmem>>, %arg7: memref<256x256xf32, #tpu.memory_space<vmem>>, %arg8: memref<400x128xf32, #tpu.memory_space<vmem>>, %arg9: memref<400x128xf32, #tpu.memory_space<vmem>>) attributes {dimension_semantics = [#tpu.dimension_semantics<arbitrary>], iteration_bounds = array<i64: 25>, scalar_prefetch = 0 : i64, scratch_operands = 0 : i64, tpu.core_type = #tpu.core_type<tc>, window_params = [{transform_indices = @transform_0, window_bounds = array<i64: 400, 128>}, {transform_indices = @transform_1, window_bounds = array<i64: 400, 128>}, {transform_indices = @transform_2, window_bounds = array<i64: 400, 128>}, {transform_indices = @transform_3, window_bounds = array<i64: 400, 128>}, {transform_indices = @transform_4, window_bounds = array<i64: 400, 1>}, {pipeline_mode = #tpu.pipeline_mode<synchronous>, transform_indices = @transform_5, window_bounds = array<i64: 1, 256>}, {pipeline_mode = #tpu.pipeline_mode<synchronous>, transform_indices = @transform_6, window_bounds = array<i64: 256, 256>}, {transform_indices = @transform_7, window_bounds = array<i64: 400, 128>}, {transform_indices = @transform_8, window_bounds = array<i64: 400, 128>}]} {
    %get3A = arith.constant 0 : index
    %get3A_0 = arith.constant 0 : index
    %get3A_1 = vector.load %arg1[%get3A, %get3A_0] : memref<400x128xf32, #tpu.memory_space<vmem>>, vector<400x128xf32>
    %get3A_2 = arith.constant 0 : index
    %get3A_3 = arith.constant 0 : index
    %get3A_4 = vector.load %arg2[%get3A_2, %get3A_3] : memref<400x128xf32, #tpu.memory_space<vmem>>, vector<400x128xf32>
    %concatenate3A = tpu.concatenate %get3A_1, %get3A_4 in 1 : vector<400x128xf32>, vector<400x128xf32> -> vector<400x256xf32>
    %get3A_5 = arith.constant 0 : index
    %get3A_6 = arith.constant 0 : index
    %get3A_7 = vector.load %arg3[%get3A_5, %get3A_6] : memref<400x128xf32, #tpu.memory_space<vmem>>, vector<400x128xf32>
    %get3A_8 = arith.constant 0 : index
    %get3A_9 = arith.constant 0 : index
    %get3A_10 = vector.load %arg4[%get3A_8, %get3A_9] : memref<400x128xf32, #tpu.memory_space<vmem>>, vector<400x128xf32>
    %concatenate3A_11 = tpu.concatenate %get3A_7, %get3A_10 in 1 : vector<400x128xf32>, vector<400x128xf32> -> vector<400x256xf32>
    %get3A_12 = arith.constant 0 : index
    %get3A_13 = arith.constant 0 : index
    %get3A_14 = vector.load %arg5[%get3A_12, %get3A_13] : memref<400x1xf32, #tpu.memory_space<vmem>>, vector<400x1xf32>
    %add3A = arith.addf %concatenate3A, %concatenate3A_11 : vector<400x256xf32>
    %mul3A = vector.broadcast %get3A_14 : vector<400x1xf32> to vector<400x256xf32>
    %mul3A_15 = arith.mulf %mul3A, %add3A : vector<400x256xf32>
    %get3A_16 = arith.constant 0 : index
    %get3A_17 = arith.constant 0 : index
    %get3A_18 = vector.load %arg6[%get3A_16, %get3A_17] : memref<1x256xf32, #tpu.memory_space<vmem>>, vector<1x256xf32>
    %add3A_19 = vector.broadcast %get3A_18 : vector<1x256xf32> to vector<400x256xf32>
    %add3A_20 = arith.addf %mul3A_15, %add3A_19 : vector<400x256xf32>
    %max3A = arith.constant 0.000000e+00 : f32
    %max3A_21 = vector.broadcast %max3A : f32 to vector<400x256xf32>
    %max3A_22 = arith.maximumf %add3A_20, %max3A_21 : vector<400x256xf32>
    %get3A_23 = arith.constant 0 : index
    %get3A_24 = arith.constant 0 : index
    %get3A_25 = vector.load %arg7[%get3A_23, %get3A_24] : memref<256x256xf32, #tpu.memory_space<vmem>>, vector<256x256xf32>
    %dot_general3A = arith.constant dense<0.000000e+00> : vector<400x256xf32>
    %dot_general3A_26 = tpu.matmul %max3A_22, %get3A_25, %dot_general3A {dimension_numbers = #tpu.dot_dimension_numbers<[1], [0], [0], [1], [0, 0, 1, 1], [], []>, transpose_lhs_hint = false} : vector<400x256xf32>, vector<256x256xf32>, vector<400x256xf32> -> vector<400x256xf32>
    %get3A_27 = arith.constant 0 : index
    %get3A_28 = arith.constant 0 : index
    %get3A_29 = vector.load %arg5[%get3A_27, %get3A_28] : memref<400x1xf32, #tpu.memory_space<vmem>>, vector<400x1xf32>
    %mul3A_30 = vector.broadcast %get3A_29 : vector<400x1xf32> to vector<400x256xf32>
    %mul3A_31 = arith.mulf %dot_general3A_26, %mul3A_30 : vector<400x256xf32>
    %slice3A = vector.extract_strided_slice %mul3A_31 {offsets = [0, 0], sizes = [400, 128], strides = [1, 1]} : vector<400x256xf32> to vector<400x128xf32>
    %swap3A = arith.constant 0 : index
    %swap3A_32 = arith.constant 0 : index
    %swap3A_33 = vector.load %arg8[%swap3A, %swap3A_32] : memref<400x128xf32, #tpu.memory_space<vmem>>, vector<400x128xf32>
    tpu.vector_store %arg8[%swap3A, %swap3A_32], %slice3A {strides = array<i32>} : memref<400x128xf32, #tpu.memory_space<vmem>>, vector<400x128xf32>,
    %slice3A_34 = vector.extract_strided_slice %mul3A_31 {offsets = [0, 128], sizes = [400, 128], strides = [1, 1]} : vector<400x256xf32> to vector<400x128xf32>
    %swap3A_35 = arith.constant 0 : index
    %swap3A_36 = arith.constant 0 : index
    %swap3A_37 = vector.load %arg9[%swap3A_35, %swap3A_36] : memref<400x128xf32, #tpu.memory_space<vmem>>, vector<400x128xf32>
    tpu.vector_store %arg9[%swap3A_35, %swap3A_36], %slice3A_34 {strides = array<i32>} : memref<400x128xf32, #tpu.memory_space<vmem>>, vector<400x128xf32>,
    return
  }
  func.func @transform_0(%arg0: i32) -> (i32, i32) {
    %c0_i32 = arith.constant 0 : i32
    %c0_i32_0 = arith.constant 0 : i32
    return %arg0, %c0_i32 : i32, i32
  }
  func.func @transform_1(%arg0: i32) -> (i32, i32) {
    %c0_i32 = arith.constant 0 : i32
    %c0_i32_0 = arith.constant 0 : i32
    return %arg0, %c0_i32 : i32, i32
  }
  func.func @transform_2(%arg0: i32) -> (i32, i32) {
    %c0_i32 = arith.constant 0 : i32
    %c0_i32_0 = arith.constant 0 : i32
    return %arg0, %c0_i32 : i32, i32
  }
  func.func @transform_3(%arg0: i32) -> (i32, i32) {
    %c0_i32 = arith.constant 0 : i32
    %c0_i32_0 = arith.constant 0 : i32
    return %arg0, %c0_i32 : i32, i32
  }
  func.func @transform_4(%arg0: i32) -> (i32, i32) {
    %c0_i32 = arith.constant 0 : i32
    %c0_i32_0 = arith.constant 0 : i32
    return %arg0, %c0_i32 : i32, i32
  }
  func.func @transform_5(%arg0: i32) -> (i32, i32) {
    %c0_i32 = arith.constant 0 : i32
    %c0_i32_0 = arith.constant 0 : i32
    %c0_i32_1 = arith.constant 0 : i32
    return %c0_i32, %c0_i32_0 : i32, i32
  }
  func.func @transform_6(%arg0: i32) -> (i32, i32) {
    %c0_i32 = arith.constant 0 : i32
    %c0_i32_0 = arith.constant 0 : i32
    %c0_i32_1 = arith.constant 0 : i32
    return %c0_i32, %c0_i32_0 : i32, i32
  }
  func.func @transform_7(%arg0: i32) -> (i32, i32) {
    %c0_i32 = arith.constant 0 : i32
    %c0_i32_0 = arith.constant 0 : i32
    return %arg0, %c0_i32 : i32, i32
  }
  func.func @transform_8(%arg0: i32) -> (i32, i32) {
    %c0_i32 = arith.constant 0 : i32
    %c0_i32_0 = arith.constant 0 : i32
    return %arg0, %c0_i32 : i32, i32
  }
}

module attributes {stable_mosaic.version = 14 : i64} {
  func.func @_fin_body(%arg0: i32, %arg1: memref<400x128xf32, #tpu.memory_space<vmem>>, %arg2: memref<400x128xf32, #tpu.memory_space<vmem>>, %arg3: memref<400x128xf32, #tpu.memory_space<vmem>>, %arg4: memref<400x128xf32, #tpu.memory_space<vmem>>, %arg5: memref<400x1xf32, #tpu.memory_space<vmem>>, %arg6: memref<1x256xf32, #tpu.memory_space<vmem>>, %arg7: memref<1x256xf32, #tpu.memory_space<vmem>>) attributes {dimension_semantics = [#tpu.dimension_semantics<arbitrary>], iteration_bounds = array<i64: 25>, scalar_prefetch = 0 : i64, scratch_operands = 0 : i64, tpu.core_type = #tpu.core_type<tc>, window_params = [{transform_indices = @transform_0, window_bounds = array<i64: 400, 128>}, {transform_indices = @transform_1, window_bounds = array<i64: 400, 128>}, {transform_indices = @transform_2, window_bounds = array<i64: 400, 128>}, {transform_indices = @transform_3, window_bounds = array<i64: 400, 128>}, {transform_indices = @transform_4, window_bounds = array<i64: 400, 1>}, {pipeline_mode = #tpu.pipeline_mode<synchronous>, transform_indices = @transform_5, window_bounds = array<i64: 1, 256>}, {pipeline_mode = #tpu.pipeline_mode<synchronous>, transform_indices = @transform_6, window_bounds = array<i64: 1, 256>}]} {
    %get3A = arith.constant 0 : index
    %get3A_0 = arith.constant 0 : index
    %get3A_1 = vector.load %arg1[%get3A, %get3A_0] : memref<400x128xf32, #tpu.memory_space<vmem>>, vector<400x128xf32>
    %get3A_2 = arith.constant 0 : index
    %get3A_3 = arith.constant 0 : index
    %get3A_4 = vector.load %arg2[%get3A_2, %get3A_3] : memref<400x128xf32, #tpu.memory_space<vmem>>, vector<400x128xf32>
    %concatenate3A = tpu.concatenate %get3A_1, %get3A_4 in 1 : vector<400x128xf32>, vector<400x128xf32> -> vector<400x256xf32>
    %get3A_5 = arith.constant 0 : index
    %get3A_6 = arith.constant 0 : index
    %get3A_7 = vector.load %arg3[%get3A_5, %get3A_6] : memref<400x128xf32, #tpu.memory_space<vmem>>, vector<400x128xf32>
    %get3A_8 = arith.constant 0 : index
    %get3A_9 = arith.constant 0 : index
    %get3A_10 = vector.load %arg4[%get3A_8, %get3A_9] : memref<400x128xf32, #tpu.memory_space<vmem>>, vector<400x128xf32>
    %concatenate3A_11 = tpu.concatenate %get3A_7, %get3A_10 in 1 : vector<400x128xf32>, vector<400x128xf32> -> vector<400x256xf32>
    %get3A_12 = arith.constant 0 : index
    %get3A_13 = arith.constant 0 : index
    %get3A_14 = vector.load %arg5[%get3A_12, %get3A_13] : memref<400x1xf32, #tpu.memory_space<vmem>>, vector<400x1xf32>
    %add3A = arith.addf %concatenate3A, %concatenate3A_11 : vector<400x256xf32>
    %mul3A = vector.broadcast %get3A_14 : vector<400x1xf32> to vector<400x256xf32>
    %mul3A_15 = arith.mulf %mul3A, %add3A : vector<400x256xf32>
    %reduce_sum3A = arith.constant dense<0.000000e+00> : vector<256xf32>
    %reduce_sum3A_16 = vector.multi_reduction <add>, %mul3A_15, %reduce_sum3A [0] : vector<400x256xf32> to vector<256xf32>
    %broadcast_in_dim3A = vector.shape_cast %reduce_sum3A_16 : vector<256xf32> to vector<1x256xf32>
    %eq3A = arith.constant 0 : i32
    %eq3A_17 = arith.cmpi eq, %arg0, %eq3A : i32
    %convert_element_type3A = arith.extui %eq3A_17 : i1 to i32
    %cond3A = arith.constant 0 : i32
    %cond3A_18 = arith.cmpi ne, %convert_element_type3A, %cond3A : i32
    scf.if %cond3A_18 {
      %swap3A = arith.constant 0 : index
      %swap3A_28 = arith.constant 0 : index
      %swap3A_29 = vector.load %arg7[%swap3A, %swap3A_28] : memref<1x256xf32, #tpu.memory_space<vmem>>, vector<1x256xf32>
      tpu.vector_store %arg7[%swap3A, %swap3A_28], %broadcast_in_dim3A {strides = array<i32>} : memref<1x256xf32, #tpu.memory_space<vmem>>, vector<1x256xf32>,
    } else {
    }
    %gt3A = arith.constant 0 : i32
    %gt3A_19 = arith.cmpi sgt, %arg0, %gt3A : i32
    %convert_element_type3A_20 = arith.extui %gt3A_19 : i1 to i32
    %cond3A_21 = arith.constant 0 : i32
    %cond3A_22 = arith.cmpi ne, %convert_element_type3A_20, %cond3A_21 : i32
    scf.if %cond3A_22 {
      %get3A_28 = arith.constant 0 : index
      %get3A_29 = arith.constant 0 : index
      %get3A_30 = vector.load %arg7[%get3A_28, %get3A_29] : memref<1x256xf32, #tpu.memory_space<vmem>>, vector<1x256xf32>
      %add3A_31 = arith.addf %get3A_30, %broadcast_in_dim3A : vector<1x256xf32>
      %swap3A = arith.constant 0 : index
      %swap3A_32 = arith.constant 0 : index
      %swap3A_33 = vector.load %arg7[%swap3A, %swap3A_32] : memref<1x256xf32, #tpu.memory_space<vmem>>, vector<1x256xf32>
      tpu.vector_store %arg7[%swap3A, %swap3A_32], %add3A_31 {strides = array<i32>} : memref<1x256xf32, #tpu.memory_space<vmem>>, vector<1x256xf32>,
    } else {
    }
    %eq3A_23 = arith.constant 24 : i32
    %eq3A_24 = arith.cmpi eq, %arg0, %eq3A_23 : i32
    %convert_element_type3A_25 = arith.extui %eq3A_24 : i1 to i32
    %cond3A_26 = arith.constant 0 : i32
    %cond3A_27 = arith.cmpi ne, %convert_element_type3A_25, %cond3A_26 : i32
    scf.if %cond3A_27 {
      %get3A_28 = arith.constant 0 : index
      %get3A_29 = arith.constant 0 : index
      %get3A_30 = vector.load %arg7[%get3A_28, %get3A_29] : memref<1x256xf32, #tpu.memory_space<vmem>>, vector<1x256xf32>
      %mul3A_31 = arith.constant 9.99999974E-5 : f32
      %mul3A_32 = vector.broadcast %mul3A_31 : f32 to vector<1x256xf32>
      %mul3A_33 = arith.mulf %get3A_30, %mul3A_32 : vector<1x256xf32>
      %get3A_34 = arith.constant 0 : index
      %get3A_35 = arith.constant 0 : index
      %get3A_36 = vector.load %arg6[%get3A_34, %get3A_35] : memref<1x256xf32, #tpu.memory_space<vmem>>, vector<1x256xf32>
      %add3A_37 = arith.addf %mul3A_33, %get3A_36 : vector<1x256xf32>
      %swap3A = arith.constant 0 : index
      %swap3A_38 = arith.constant 0 : index
      %swap3A_39 = vector.load %arg7[%swap3A, %swap3A_38] : memref<1x256xf32, #tpu.memory_space<vmem>>, vector<1x256xf32>
      tpu.vector_store %arg7[%swap3A, %swap3A_38], %add3A_37 {strides = array<i32>} : memref<1x256xf32, #tpu.memory_space<vmem>>, vector<1x256xf32>,
    } else {
    }
    return
  }
  func.func @transform_0(%arg0: i32) -> (i32, i32) {
    %c0_i32 = arith.constant 0 : i32
    %c0_i32_0 = arith.constant 0 : i32
    return %arg0, %c0_i32 : i32, i32
  }
  func.func @transform_1(%arg0: i32) -> (i32, i32) {
    %c0_i32 = arith.constant 0 : i32
    %c0_i32_0 = arith.constant 0 : i32
    return %arg0, %c0_i32 : i32, i32
  }
  func.func @transform_2(%arg0: i32) -> (i32, i32) {
    %c0_i32 = arith.constant 0 : i32
    %c0_i32_0 = arith.constant 0 : i32
    return %arg0, %c0_i32 : i32, i32
  }
  func.func @transform_3(%arg0: i32) -> (i32, i32) {
    %c0_i32 = arith.constant 0 : i32
    %c0_i32_0 = arith.constant 0 : i32
    return %arg0, %c0_i32 : i32, i32
  }
  func.func @transform_4(%arg0: i32) -> (i32, i32) {
    %c0_i32 = arith.constant 0 : i32
    %c0_i32_0 = arith.constant 0 : i32
    return %arg0, %c0_i32 : i32, i32
  }
  func.func @transform_5(%arg0: i32) -> (i32, i32) {
    %c0_i32 = arith.constant 0 : i32
    %c0_i32_0 = arith.constant 0 : i32
    %c0_i32_1 = arith.constant 0 : i32
    return %c0_i32, %c0_i32_0 : i32, i32
  }
  func.func @transform_6(%arg0: i32) -> (i32, i32) {
    %c0_i32 = arith.constant 0 : i32
    %c0_i32_0 = arith.constant 0 : i32
    %c0_i32_1 = arith.constant 0 : i32
    return %c0_i32, %c0_i32_0 : i32, i32
  }
}

</mosaic_0001>

<sc_bundles>
// kernel: kernel.10.cloned.1.call-start
scs
__scs_entry_jumppad:
0x0: {  	(pc) =	sbr.rel $0x88, $3  }
0x1: {  	(tag) =	ssettag $0x0;
	lr =	simm.s32 $0x1  }
0x2: {  	[smem:$0x3F9B] =	sst lr;
	_ =	strace $0xD0000000  }
0x3: {  	_ = 	snop  }
0x4: {  	_ = 	snop  }
0x5: {  	_ = 	snop  }
0x6: {  	_ = 	snop  }
0x7: {  	_ = 	snop  }
__scs_overlays_trampoline_lowered:
0x8: {  	[smem:$0x3FAA] =	sst s0  }
0x9: {  	[smem:$0x3FAB] =	sst s1  }
0xa: {  	[smem:$0x3FAC] =	sst s2  }
0xb: {  	[smem:$0x3FAD] =	sst s3  }
0xc: {  	[smem:$0x3FAE] =	sst s4  }
0xd: {  	[smem:$0x3FAF] =	sst s5  }
0xe: {  	[smem:$0x3FB0] =	sst s6  }
0xf: {  	[smem:$0x3FB1] =	sst s7  }
0x10: {  	[smem:$0x3FB2] =	sst s8  }
0x11: {  	[smem:$0x3FB3] =	sst s9;
	s0 =	simm.s32 @!p0 $0x0  }
0x12: {  	s1 =	sld [smem:$0x3F99];
	s0 =	simm.s32 @p0 $0x1  }
0x13: {  	[smem:$0x3FB4] =	sst s0;
	s0 =	simm.s32 @!p1 $0x0  }
0x14: {  	s2 =	sld [smem:$0x3F98];
	s0 =	simm.s32 @p1 $0x1  }
0x15: {  	[smem:$0x3FB5] =	sst s0;
	s0 =	simm.s32 @!p2 $0x0  }
0x16: {  	s3 =	sld [smem:$0x3FDB];
	s0 =	simm.s32 @p2 $0x1  }
0x17: {  	s4 =	simm.s32 $0x1BF5;
	[smem:$0x3FB7] =	sst s0  }
0x18: {  	s0 =	sld [smem:$0x3F9A];
	_ =	swait.ge [sflag:s4], $0x0  }
0x19: {  	s7 =	sld [smem:$0x3F9B]  }
0x1a: {  	s8 =	sadd.s32 $0xFFFFE003, lr  }
0x1b: {  	s9 =	sadd.s32 $0xFFFFFEF7, lr;
	s5 =	simm.s32 $0xFFFFFFFF;
	p2 =	slt.u32 s8, $0xFFFFF086  }
0x1c: {  	p1 =	slt.u32 s9, $0xF7A;
	s5 =	simm.s32 @!p2 $0x0  }
0x1d: {  	s5 =	simm.s32 @p1 $0x1;
	p0 =	seq.s32 s7, s2  }
0x1e: {  	s7 =	smul.u32 @!p0 $0xF7A, s2;
	p2 =	seq.s32 @!p0 s5, $0x0  }
0x1f: {  	s9 =	smul.u32 $0xF7A, s1;
	s8 =	simm.s32 @!p0 $0x1BF5;
	p2 =	por !p2, p0  }
0x20: {  	[sflag:s8] =	ssyncset.s32 @!p0 $0xFFFFF086;
	s6 =	sadd.s32 @!p0 s3, s7;
	s7 =	simm.s32 @!p0 $0x108  }
0x21: {  	s3 =	sadd.s32 s3, s9;
	s6 =	sadd.s32 @!p0 $0x88, s6;
	s7 =	simm.s32 @p2 $0x1082  }
0x22: {  	[simem:s7], [sflag:s8] =	dma.local @!p0 [hbm:s6], $0xF7A  }
0x23: {  	s9 =	sor.u32 $0xD0000000, s2;
	s6 =	simm.s32 $0x108;
	_ =	swait.ge @!p0 [sflag:s8], $0x0  }
0x24: {  	s3 =	sadd.s32 $0x88, s3;
	s6 =	simm.s32 @!p1 $0x1082;
	[sflag:s4] =	ssyncset.s32 $0xFFFFF086  }
0x25: {  	[simem:s6], [sflag:s4] =	dma.local [hbm:s3], $0xF7A  }
0x26: {  	[smem:$0x3F9B] =	sst s1;
	(tag) =	ssettag s2;
	_ =	strace s9  }
0x27: {  	s1 =	sld [smem:$0x3FAB]  }
0x28: {  	s2 =	sld [smem:$0x3FAC]  }
0x29: {  	s4 =	sld [smem:$0x3FAE]  }
0x2a: {  	p0 =	seq.s32 s5, $0x0;
	s5 =	sld [smem:$0x3FAF]  }
0x2b: {  	s6 =	sld [smem:$0x3FB0]  }
0x2c: {  	s7 =	sld [smem:$0x3FB1]  }
0x2d: {  	s3 =	simm.s32 $0x108;
	s8 =	sld [smem:$0x3FB2]  }
0x2e: {  	s3 =	simm.s32 @!p0 $0x1082;
	s9 =	sld [smem:$0x3FB3]  }
0x2f: {  	lr =	sadd.s32 s0, s3;
	s0 =	sld [smem:$0x3FAA]  }
0x30: {  	s3 =	sld [smem:$0x3FAD]  }
0x31: {  	[smem:$0x3FB6] =	sst s10  }
0x32: {  	s10 =	sld [smem:$0x3FB4];
	_ =	sdelay $0x3  }
0x33: {  	p0 =	seq.s32 s10, $0x1;
	s10 =	sld [smem:$0x3FB6];
	_ =	sdelay $0x3  }
0x34: {  	[smem:$0x3FB6] =	sst s10  }
0x35: {  	s10 =	sld [smem:$0x3FB5];
	_ =	sdelay $0x3  }
0x36: {  	p1 =	seq.s32 s10, $0x1;
	s10 =	sld [smem:$0x3FB6];
	_ =	sdelay $0x3  }
0x37: {  	[smem:$0x3FB6] =	sst s10  }
0x38: {  	s10 =	sld [smem:$0x3FB7]  }
0x39: {  	_ = 	snop;
	(pc) =	sbr.ind lr, $3  }
0x3a: {  	_ = 	snop  }
0x3b: {  	_ = 	snop  }
0x3c: {  	p2 =	seq.s32 s10, $0x1;
	s10 =	sld [smem:$0x3FB6]  }
0x3d: {  	_ =	shalt  }
0x3e: {  	_ =	shalt  }
0x3f: {  	_ =	shalt  }
0x40: {  	_ =	shalt  }
0x41: {  	_ =	shalt  }
0x42: {  	_ =	shalt  }
0x43: {  	_ =	shalt  }
0x44: {  	_ =	shalt  }
0x45: {  	_ =	shalt  }
0x46: {  	_ =	shalt  }
0x47: {  	_ =	shalt  }
0x48: {  	_ =	shalt  }
0x49: {  	_ =	shalt  }
0x4a: {  	_ =	shalt  }
0x4b: {  	_ =	shalt  }
0x4c: {  	_ =	shalt  }
0x4d: {  	_ =	shalt  }
0x4e: {  	_ =	shalt  }
0x4f: {  	_ =	shalt  }
0x50: {  	_ =	shalt  }
0x51: {  	_ =	shalt  }
0x52: {  	_ =	shalt  }
0x53: {  	_ =	shalt  }
0x54: {  	_ =	shalt  }
0x55: {  	_ =	shalt  }
0x56: {  	_ =	shalt  }
0x57: {  	_ =	shalt  }
0x58: {  	_ =	shalt  }
0x59: {  	_ =	shalt  }
0x5a: {  	_ =	shalt  }
0x5b: {  	_ =	shalt  }
0x5c: {  	_ =	shalt  }
0x5d: {  	_ =	shalt  }
0x5e: {  	_ =	shalt  }
0x5f: {  	_ =	shalt  }
0x60: {  	_ =	shalt  }
0x61: {  	_ =	shalt  }
0x62: {  	_ =	shalt  }
0x63: {  	_ =	shalt  }
0x64: {  	_ =	shalt  }
0x65: {  	_ =	shalt  }
0x66: {  	_ =	shalt  }
0x67: {  	_ =	shalt  }
0x68: {  	_ =	shalt  }
0x69: {  	_ =	shalt  }
0x6a: {  	_ =	shalt  }
0x6b: {  	_ =	shalt  }
0x6c: {  	_ =	shalt  }
0x6d: {  	_ =	shalt  }
0x6e: {  	_ =	shalt  }
0x6f: {  	_ =	shalt  }
0x70: {  	_ =	shalt  }
0x71: {  	_ =	shalt  }
0x72: {  	_ =	shalt  }
0x73: {  	_ =	shalt  }
0x74: {  	_ =	shalt  }
0x75: {  	_ =	shalt  }
0x76: {  	_ =	shalt  }
0x77: {  	_ =	shalt  }
0x78: {  	_ =	shalt  }
0x79: {  	_ =	shalt  }
0x7a: {  	_ =	shalt  }
0x7b: {  	_ =	shalt  }
0x7c: {  	_ =	shalt  }
0x7d: {  	_ =	shalt  }
0x7e: {  	_ =	shalt  }
0x7f: {  	_ =	shalt  }
0x80: {  	_ =	shalt  }
0x81: {  	_ =	shalt  }
0x82: {  	_ =	shalt  }
0x83: {  	_ =	shalt  }
0x84: {  	_ =	shalt  }
0x85: {  	_ =	shalt  }
0x86: {  	_ =	shalt  }
0x87: {  	_ =	shalt  }
.Lfunc_end0:
.L_simem_size_0:
called_computation_lowered:
.L_overlay_start_0:
0x88: {  	s2 =	sld [smem:$0x3FD9]  }
0x89: {  	s3 =	sld [smem:$0x3FFE];
	_ =	sdelay $0x1  }
0x8a: {  	s1 =	srdreg.scid  }
0x8b: {  	s0 =	sand.u32 $0x1, s1  }
0x8c: {  	s16 =	sshll.u32 s0, $0xA;
	s2 =	sadd.s32 s3, s2  }
0x8d: {  	s2 =	sadd.s32 s2, s16  }
0x8e: {  	[smem:$0x3FC2] =	sst s2  }
0x8f: {  	_ = 	snop  }
0x90: {  	(tm) =	ssettm $0x1  }
0x91: {  	s17 =	sld [smem:$0x3FFB];
	_ =	sdelay $0x3  }
0x92: {  	_ =	strace s17  }
0x93: {  	s2 =	sld [smem:$0x3FFC];
	_ =	sdelay $0x3  }
0x94: {  	_ =	strace s2  }
0x95: {  	s2 =	sld [smem:$0x3FFD];
	_ =	sdelay $0x3  }
0x96: {  	_ =	strace s2  }
0x97: {  	_ =	strace $0x8FFFFFFF  }
0x98: {  	s18 =	sld [smem:$0x3FDB];
	_ =	sdelay $0x1  }
0x99: {  	s19 =	simm.s32 $_scs_section_size  }
0x9a: {  	s4 =	simm.s32 $_size__tile_overlayer_lowered;
	s5 =	simm.s32 $_tile_overlayer_lowered  }
0x9b: {  	s22 =	simm.s32 $0x1BFF;
	s21 =	sshll.u32 s5, $0x1;
	s2 =	sadd.s32 s19, s18  }
0x9c: {  	s6 =	simm.s32 $0x0;
	s20 =	sshll.u32 s4, $0x1;
	s4 =	sadd.s32 s21, s2  }
0x9d: {  	[timem:s6], [sflag:s22] =	dma.local [hbm:s4], s20  }
0x9e: {  	_ =	swait.ge [sflag:s22], s20  }
0x9f: {  	s3 =	ssub.s32 $0x0, s20;
	[sflag:s22] =	ssyncset.done $0x0  }
0xa0: {  	[sflag:s22] =	ssyncadd.s32 s3;
	_ =	sdelay $0x1  }
0xa1: {  	s23 =	simm.s32 $0x1B8B  }
0xa2: {  	_ =	swait.ge [sflag:s23], $0x1  }
0xa3: {  	[sflag:s23] =	ssyncset.done $0x0  }
0xa4: {  	s25 =	simm.s32 $0x1B8E;
	s24 =	sld [smem:$0x3FFE];
	[sflag:s23] =	ssyncadd.s32 $0xFFFFFFFF  }
0xa5: {  	s26 =	simm.s32 $execute0_lowered;
	[smem:$0x3FD2] =	sst s25  }
0xa6: {  	s4 =	sshll.u32 s26, $0x1;
	_ =	strace $0x80000046;
	[dreg:$0x1] =	wrdreg $0xFFFFFFFF  }
0xa7: {  	s28 =	simm.s32 $_size_execute0_lowered;
	s2 =	sadd.s32 s2, s4;
	[dreg:$0x0] =	wrdreg $0x0  }
0xa8: {  	s4 =	sshll.u32 s28, $0x1;
	[dreg:$0x2] =	wrdreg s2  }
0xa9: {  	[dreg:$0x3] =	wrdreg s4  }
0xaa: {  	[dreg:$0x4] =	wrdreg $0xC0  }
0xab: {  	_ =	task [dreg:s6], $0x5FFFF  }
0xac: {  	[dreg:$0x1] =	wrdreg $0xFFFFFFFF  }
0xad: {  	[dreg:$0x0] =	wrdreg $0x60  }
0xae: {  	[dreg:$0x2] =	wrdreg s24  }
0xaf: {  	[dreg:$0x3] =	wrdreg $0x54000  }
0xb0: {  	[dreg:$0x4] =	wrdreg $0x9  }
0xb1: {  	_ =	task.clear_ibuf [dreg:s6], $0x5FFFF;
	_ =	strace $0x90000046  }
0xb2: {  	s29 =	simm.s32 $0x9;
	_ =	strace $0x80000048  }
0xb3: {  	_ =	swait.ge [sflag:s29], $0x1  }
0xb4: {  	[sflag:s29] =	ssyncadd.s32 $0xFFFFFFFF  }
0xb5: {  	_ =	strace $0x90000048  }
0xb6: {  	_ =	sfence  }
0xb7: {  	s30 =	sld [smem:$0x0];
	_ =	sdelay $0x2  }
0xb8: {  	s31 =	sshll.u32 s1, $0xD;
	s1 =	sshrl.u32 s1, $0x2  }
0xb9: {  	s3 =	sand.u32 $0x4000, s31;
	s1 =	sadd.s32 s1, s30  }
0xba: {  	s0 =	sor.u32 s3, s0;
	s1 =	sshll.u32 s1, $0x11  }
0xbb: {  	s0 =	sor.u32 s1, s0  }
0xbc: {  	s0 =	sadd.s32 $0x8F2B, s0  }
0xbd: {  	[sflag:s0] =	ssyncadd.remote.s32 $0x1  }
0xbe: {  	_ =	sfence.sel $0xFFFF  }
0xbf: {  	[dreg:$0x0] =	wrdreg $0xFFFFFFFF;
	(pc) =	sbr.abs _section_cstart, $3  }
0xc0: {  	[dreg:$0x1] =	wrdreg $0xFFFFFFFF  }
0xc1: {  	_ =	task.clear_ibuf [dreg:s6], $0x2FFFF;
	_ =	strace $0x9FFFFFFF  }
0xc2: {  	(tm) =	ssettm $0x7FFFFFFF  }
0xc3: {  	_ =	shalt  }
tec
execute0_lowered:
.L_overlay_start_1:
0x0: {  	(tag) =	ssettag $0x1  }
0x1: {  	s0 =	srdreg.scid;
	s1 =	rddreg [dreg:$0x0]  }
0x2: {  	s2 =	rddreg [dreg:$0x1];
	s10 =	stileid.u32  }
0x3: {  	s3 =	simm.s32 $0x0;
	s13 =	simm.s32 $0x80;
	s17 =	simm.s32 $0xC00  }
0x4: {  	s18 =	simm.s32 $0xC80;
	s19 =	simm.s32 $0xD00;
	s20 =	simm.s32 $0xD80  }
0x5: {  	s21 =	simm.s32 $0xE00;
	s22 =	simm.s32 $0xE80;
	s23 =	simm.s32 $0xF00  }
0x6: {  	s28 =	simm.s32 $0x1100;
	s29 =	simm.s32 $0x1180;
	s30 =	simm.s32 $0x1200  }
0x7: {  	s31 =	simm.s32 $0x1280;
	s14 =	simm.s32 $0x1;
	s15 =	simm.s32 $0x0  }
0x8: {  	s0 =	sand.u32 $0x1, s0;
	[smem:$0x7FF] =	sst s3;
	s9 =	smul.u32 $0x4F000, s10  }
0x9: {  	s5 =	sadd.s32 $0x9200, s1;
	s25 =	smul.u32 $0x2780, s10;
	s26 =	sshll.u32 s10, $0x6  }
0xa: {  	s4 =	sshll.u32 s0, $0x4;
	_ =	strace $0x80000047;
	s7 =	ssub.s32 $0x2, s0  }
0xb: {  	p0 =	seq.s32 s0, $0x1;
	s0 =	simm.s32 $0x33200;
	s11 =	sor.u32 $0x1C02, s26  }
0xc: {  	s26 =	simm.s32 $0x1080;
	s4 =	sor.u32 s10, s4;
	s8 =	sshrl.u32 s7, $0x1  }
0xd: {  	s24 =	sshrl.u32 s9, $0x2;
	s0 =	simm.s32 @!p0 $0xBA00;
	s9 =	simm.s32 $0x2  }
0xe: {  	s10 =	simm.s32 $0x1400;
	s4 =	smul.u32 $0x280, s4;
	s7 =	ssub.s32 s7, s8  }
0xf: {  	s12 =	sadd.s32 s24, s2;
	s0 =	sadd.s32 s0, s1;
	s24 =	simm.s32 $0xF80  }
0x10: {  	s7 =	smax.u32 s7, $0x1;
	s8 =	sadd.s32 s0, s25;
	s12 =	sshrl.u32 s12, $0x3  }
0x11: {  	s25 =	simm.s32 $0x1000;
	s0 =	simm.s32 $0x1300;
	s6 =	sadd.s32 s4, s1  }
0x12: {  	s4 =	sadd.s32 $0x8A00, s1;
	s1 =	simm.s32 $0x1380;
	s6 =	sadd.s32 $0x3A00, s6  }
.LBB2_1:
0x13: {  	[tilespmem:s3], [sflag:$0x2] =	stream.linear.gather [hbm4b:s6+s3], $0x1400, $0x38;
	[tilespmem:$0x19000] =	vst v63  }
0x14: {  	_ =	swait.ge [sflag:s9], $0x1400  }
0x15: {  	[sflag:s9] =	ssyncset.done $0x0  }
0x16: {  	[sflag:s9] =	ssyncadd.s32 $0xFFFFEC00  }
0x17: {  	[tilespmem:s10], [sflag:$0x2] =	stream.linear.gather [hbm4b:s4+s3], $0x4000, $0x38;
	[tilespmem:$0x19000] =	vst v63  }
0x18: {  	_ =	swait.ge [sflag:s9], $0x4000  }
0x19: {  	[sflag:s9] =	ssyncset.done $0x0  }
0x1a: {  	[sflag:s9] =	ssyncadd.s32 $0xFFFFC000  }
0x1b: {  	[spmem:s12], [sflag:s11] =	dma.local [hbm:s5], $0x2780  }
0x1c: {  	_ =	swait.ge [sflag:s9], $0x2780  }
0x1d: {  	[sflag:s9] =	ssyncset.done $0x0  }
0x1e: {  	[sflag:s9] =	ssyncadd.s32 $0xFFFFD880  }
0x1f: {  	[bflag:$0x0] =	sbarrier.arrive $0xFFFF  }
0x20: {  	[spmem:s2] =	stream.indirect.scatter.add.f32 [tilespmem:s10], [sflag:$0x1], $0x80, s3, s13, $0xb8;
	[tilespmem:$0x19000] =	vst v63  }
0x21: {  	_ = 	snop  }
0x22: {  	[spmem:s2] =	stream.indirect.scatter.add.f32 [tilespmem:s10], [sflag:$0x1], $0x80, s13, s13, $0xb8;
	[tilespmem:$0x19000] =	vst v63  }
0x23: {  	s16 =	simm.s32 $0x100  }
0x24: {  	[spmem:s2] =	stream.indirect.scatter.add.f32 [tilespmem:s10], [sflag:$0x1], $0x80, s16, s13, $0xb8;
	[tilespmem:$0x19000] =	vst v63  }
0x25: {  	s16 =	simm.s32 $0x180  }
0x26: {  	[spmem:s2] =	stream.indirect.scatter.add.f32 [tilespmem:s10], [sflag:$0x1], $0x80, s16, s13, $0xb8;
	[tilespmem:$0x19000] =	vst v63  }
0x27: {  	s16 =	simm.s32 $0x200  }
0x28: {  	[spmem:s2] =	stream.indirect.scatter.add.f32 [tilespmem:s10], [sflag:$0x1], $0x80, s16, s13, $0xb8;
	[tilespmem:$0x19000] =	vst v63  }
0x29: {  	s16 =	simm.s32 $0x280  }
0x2a: {  	[spmem:s2] =	stream.indirect.scatter.add.f32 [tilespmem:s10], [sflag:$0x1], $0x80, s16, s13, $0xb8;
	[tilespmem:$0x19000] =	vst v63  }
0x2b: {  	s16 =	simm.s32 $0x300  }
0x2c: {  	[spmem:s2] =	stream.indirect.scatter.add.f32 [tilespmem:s10], [sflag:$0x1], $0x80, s16, s13, $0xb8;
	[tilespmem:$0x19000] =	vst v63  }
0x2d: {  	s16 =	simm.s32 $0x380  }
0x2e: {  	[spmem:s2] =	stream.indirect.scatter.add.f32 [tilespmem:s10], [sflag:$0x1], $0x80, s16, s13, $0xb8;
	[tilespmem:$0x19000] =	vst v63  }
0x2f: {  	s16 =	simm.s32 $0x400  }
0x30: {  	[spmem:s2] =	stream.indirect.scatter.add.f32 [tilespmem:s10], [sflag:$0x1], $0x80, s16, s13, $0xb8;
	[tilespmem:$0x19000] =	vst v63  }
0x31: {  	s16 =	simm.s32 $0x480  }
0x32: {  	[spmem:s2] =	stream.indirect.scatter.add.f32 [tilespmem:s10], [sflag:$0x1], $0x80, s16, s13, $0xb8;
	[tilespmem:$0x19000] =	vst v63  }
0x33: {  	s16 =	simm.s32 $0x500  }
0x34: {  	[spmem:s2] =	stream.indirect.scatter.add.f32 [tilespmem:s10], [sflag:$0x1], $0x80, s16, s13, $0xb8;
	[tilespmem:$0x19000] =	vst v63  }
0x35: {  	s16 =	simm.s32 $0x580  }
0x36: {  	[spmem:s2] =	stream.indirect.scatter.add.f32 [tilespmem:s10], [sflag:$0x1], $0x80, s16, s13, $0xb8;
	[tilespmem:$0x19000] =	vst v63  }
0x37: {  	s16 =	simm.s32 $0x600  }
0x38: {  	[spmem:s2] =	stream.indirect.scatter.add.f32 [tilespmem:s10], [sflag:$0x1], $0x80, s16, s13, $0xb8;
	[tilespmem:$0x19000] =	vst v63  }
0x39: {  	s16 =	simm.s32 $0x680  }
0x3a: {  	[spmem:s2] =	stream.indirect.scatter.add.f32 [tilespmem:s10], [sflag:$0x1], $0x80, s16, s13, $0xb8;
	[tilespmem:$0x19000] =	vst v63  }
0x3b: {  	s16 =	simm.s32 $0x700  }
0x3c: {  	[spmem:s2] =	stream.indirect.scatter.add.f32 [tilespmem:s10], [sflag:$0x1], $0x80, s16, s13, $0xb8;
	[tilespmem:$0x19000] =	vst v63  }
0x3d: {  	s16 =	simm.s32 $0x780  }
0x3e: {  	[spmem:s2] =	stream.indirect.scatter.add.f32 [tilespmem:s10], [sflag:$0x1], $0x80, s16, s13, $0xb8;
	[tilespmem:$0x19000] =	vst v63  }
0x3f: {  	s16 =	simm.s32 $0x800  }
0x40: {  	[spmem:s2] =	stream.indirect.scatter.add.f32 [tilespmem:s10], [sflag:$0x1], $0x80, s16, s13, $0xb8;
	[tilespmem:$0x19000] =	vst v63  }
0x41: {  	s16 =	simm.s32 $0x880  }
0x42: {  	[spmem:s2] =	stream.indirect.scatter.add.f32 [tilespmem:s10], [sflag:$0x1], $0x80, s16, s13, $0xb8;
	[tilespmem:$0x19000] =	vst v63  }
0x43: {  	s16 =	simm.s32 $0x900  }
0x44: {  	[spmem:s2] =	stream.indirect.scatter.add.f32 [tilespmem:s10], [sflag:$0x1], $0x80, s16, s13, $0xb8;
	[tilespmem:$0x19000] =	vst v63  }
0x45: {  	s16 =	simm.s32 $0x980  }
0x46: {  	[spmem:s2] =	stream.indirect.scatter.add.f32 [tilespmem:s10], [sflag:$0x1], $0x80, s16, s13, $0xb8;
	[tilespmem:$0x19000] =	vst v63  }
0x47: {  	s16 =	simm.s32 $0xA00  }
0x48: {  	[spmem:s2] =	stream.indirect.scatter.add.f32 [tilespmem:s10], [sflag:$0x1], $0x80, s16, s13, $0xb8;
	[tilespmem:$0x19000] =	vst v63  }
0x49: {  	s16 =	simm.s32 $0xA80  }
0x4a: {  	[spmem:s2] =	stream.indirect.scatter.add.f32 [tilespmem:s10], [sflag:$0x1], $0x80, s16, s13, $0xb8;
	[tilespmem:$0x19000] =	vst v63  }
0x4b: {  	s16 =	simm.s32 $0xB00  }
0x4c: {  	[spmem:s2] =	stream.indirect.scatter.add.f32 [tilespmem:s10], [sflag:$0x1], $0x80, s16, s13, $0xb8;
	[tilespmem:$0x19000] =	vst v63  }
0x4d: {  	s16 =	simm.s32 $0xB80  }
0x4e: {  	[spmem:s2] =	stream.indirect.scatter.add.f32 [tilespmem:s10], [sflag:$0x1], $0x80, s16, s13, $0xb8;
	[tilespmem:$0x19000] =	vst v63  }
0x4f: {  	_ = 	snop  }
0x50: {  	[spmem:s2] =	stream.indirect.scatter.add.f32 [tilespmem:s10], [sflag:$0x1], $0x80, s17, s13, $0xb8;
	[tilespmem:$0x19000] =	vst v63  }
0x51: {  	_ = 	snop  }
0x52: {  	[spmem:s2] =	stream.indirect.scatter.add.f32 [tilespmem:s10], [sflag:$0x1], $0x80, s18, s13, $0xb8;
	[tilespmem:$0x19000] =	vst v63  }
0x53: {  	_ = 	snop  }
0x54: {  	[spmem:s2] =	stream.indirect.scatter.add.f32 [tilespmem:s10], [sflag:$0x1], $0x80, s19, s13, $0xb8;
	[tilespmem:$0x19000] =	vst v63  }
0x55: {  	_ = 	snop  }
0x56: {  	[spmem:s2] =	stream.indirect.scatter.add.f32 [tilespmem:s10], [sflag:$0x1], $0x80, s20, s13, $0xb8;
	[tilespmem:$0x19000] =	vst v63  }
0x57: {  	_ = 	snop  }
0x58: {  	[spmem:s2] =	stream.indirect.scatter.add.f32 [tilespmem:s10], [sflag:$0x1], $0x80, s21, s13, $0xb8;
	[tilespmem:$0x19000] =	vst v63  }
0x59: {  	_ = 	snop  }
0x5a: {  	[spmem:s2] =	stream.indirect.scatter.add.f32 [tilespmem:s10], [sflag:$0x1], $0x80, s22, s13, $0xb8;
	[tilespmem:$0x19000] =	vst v63  }
0x5b: {  	_ = 	snop  }
0x5c: {  	[spmem:s2] =	stream.indirect.scatter.add.f32 [tilespmem:s10], [sflag:$0x1], $0x80, s23, s13, $0xb8;
	[tilespmem:$0x19000] =	vst v63  }
0x5d: {  	_ = 	snop  }
0x5e: {  	[spmem:s2] =	stream.indirect.scatter.add.f32 [tilespmem:s10], [sflag:$0x1], $0x80, s24, s13, $0xb8;
	[tilespmem:$0x19000] =	vst v63  }
0x5f: {  	_ = 	snop  }
0x60: {  	[spmem:s2] =	stream.indirect.scatter.add.f32 [tilespmem:s10], [sflag:$0x1], $0x80, s25, s13, $0xb8;
	[tilespmem:$0x19000] =	vst v63  }
0x61: {  	_ = 	snop  }
0x62: {  	[spmem:s2] =	stream.indirect.scatter.add.f32 [tilespmem:s10], [sflag:$0x1], $0x80, s26, s13, $0xb8;
	[tilespmem:$0x19000] =	vst v63  }
0x63: {  	_ = 	snop  }
0x64: {  	[spmem:s2] =	stream.indirect.scatter.add.f32 [tilespmem:s10], [sflag:$0x1], $0x80, s28, s13, $0xb8;
	[tilespmem:$0x19000] =	vst v63  }
0x65: {  	_ = 	snop  }
0x66: {  	[spmem:s2] =	stream.indirect.scatter.add.f32 [tilespmem:s10], [sflag:$0x1], $0x80, s29, s13, $0xb8;
	[tilespmem:$0x19000] =	vst v63  }
0x67: {  	_ = 	snop  }
0x68: {  	[spmem:s2] =	stream.indirect.scatter.add.f32 [tilespmem:s10], [sflag:$0x1], $0x80, s30, s13, $0xb8;
	[tilespmem:$0x19000] =	vst v63  }
0x69: {  	_ = 	snop  }
0x6a: {  	[spmem:s2] =	stream.indirect.scatter.add.f32 [tilespmem:s10], [sflag:$0x1], $0x80, s31, s13, $0xb8;
	[tilespmem:$0x19000] =	vst v63  }
0x6b: {  	_ = 	snop  }
0x6c: {  	[spmem:s2] =	stream.indirect.scatter.add.f32 [tilespmem:s10], [sflag:$0x1], $0x80, s0, s13, $0xb8;
	[tilespmem:$0x19000] =	vst v63  }
0x6d: {  	_ = 	snop  }
0x6e: {  	[spmem:s2] =	stream.indirect.scatter.add.f32 [tilespmem:s10], [sflag:$0x1], $0x80, s1, s13, $0xb8;
	[tilespmem:$0x19000] =	vst v63  }
0x6f: {  	_ =	swait.ge [sflag:s14], $0x4000  }
0x70: {  	s16 =	simm.s32 $0x27;
	[sflag:s14] =	ssyncset.done $0x0  }
.LBB2_2:
0x71: {  	p0 =	sne.s32 s16, $0x1;
	s16 =	sadd.s32 $0xFFFFFFFF, s16;
	[sflag:s14] =	ssyncadd.s32 $0xFFFFC000  }
.Ltmp0:
0x72: {  	(pc) =	sbr.rel @p0 .LBB2_2-.Ltmp0, $3  }
0x73: {  	_ =	sdelay $0x1  }
0x74: {  	_ =	swait.ge [sflag:s14], $0x4000  }
0x75: {  	[sflag:s14] =	ssyncset.done $0x0  }
0x76: {  	s15 =	sadd.s32 $0x1, s15  }
0x77: {  	[sflag:s14] =	ssyncadd.s32 $0xFFFFC000;
	p0 =	sne.s32 s15, s7  }
.Ltmp1:
0x78: {  	[bflag:$0x0] =	sbarrier.arrive $0xFFFF;
	(pc) =	sbr.rel @p0 .LBB2_1-.Ltmp1, $4  }
0x79: {  	[hbm:s8], [sflag:s11] =	dma.local [spmem:s12], $0x2780  }
0x7a: {  	_ =	swait.ge [sflag:s9], $0x2780  }
0x7b: {  	[sflag:s9] =	ssyncset.done $0x0  }
0x7c: {  	[sflag:s9] =	ssyncadd.s32 $0xFFFFD880  }
0x7d: {  	_ =	sfence.sel $0x180000  }
0x7e: {  	[bflag:$0x0] =	sbarrier.arrive $0xFFFF  }
0x7f: {  	_ =	strace $0x90000047  }
0x80: {  	s0 =	stileid.u32;
	[bflag:$0x2] =	sbarrier.arrive $0xFFFF  }
0x81: {  	p0 =	sne.s32 s0, $0x0;
	s0 =	rddreg [dreg:$0x2]  }
0x82: {  	s0 =	sadd.s32 @!p0 $0x100000, s0  }
0x83: {  	[sflag:s0] =	ssyncadd.tile.s32 @!p0 $0x1;
	_ =	shalt  }
.Lfunc_end2:
_tile_overlayer_lowered:
.L_overlay_start_2:
0x84: {  	(tag) =	ssettag $0x2  }
0x85: {  	s0 =	rddreg [dreg:$0x0];
	s2 =	stileid.u32  }
0x86: {  	s1 =	rddreg [dreg:$0x1];
	p0 =	sne.s32 s2, $0x0  }
0x87: {  	s3 =	rddreg [dreg:$0x2];
	[bflag:$0x3] =	sbarrier.arrive $0xFFFF;
	s2 =	simm.s32 @!p0 $0x1C02  }
0x88: {  	[timem:s3], [sflag:s2] =	dma.local @!p0 [hbm:s0], s1  }
0x89: {  	s0 =	simm.s32 @!p0 $0x2  }
0x8a: {  	_ =	swait.ge @!p0 [sflag:s0], s1  }
0x8b: {  	s1 =	ssub.s32 @!p0 $0x0, s1;
	[sflag:s0] =	ssyncset.done @!p0 $0x0  }
0x8c: {  	[sflag:s0] =	ssyncadd.s32 @!p0 s1  }
0x8d: {  	[bflag:$0x3] =	sbarrier.arrive $0xFFFF  }
0x8e: {  	_ =	shalt  }

// kernel: kernel.13.cloned.1.call-start
scs
__scs_entry_jumppad:
0x0: {  	(pc) =	sbr.rel $0x88, $3  }
0x1: {  	(tag) =	ssettag $0x0;
	lr =	simm.s32 $0x1  }
0x2: {  	[smem:$0x3F9B] =	sst lr;
	_ =	strace $0xD0000000  }
0x3: {  	_ = 	snop  }
0x4: {  	_ = 	snop  }
0x5: {  	_ = 	snop  }
0x6: {  	_ = 	snop  }
0x7: {  	_ = 	snop  }
__scs_overlays_trampoline_lowered:
0x8: {  	[smem:$0x3FAA] =	sst s0  }
0x9: {  	[smem:$0x3FAB] =	sst s1  }
0xa: {  	[smem:$0x3FAC] =	sst s2  }
0xb: {  	[smem:$0x3FAD] =	sst s3  }
0xc: {  	[smem:$0x3FAE] =	sst s4  }
0xd: {  	[smem:$0x3FAF] =	sst s5  }
0xe: {  	[smem:$0x3FB0] =	sst s6  }
0xf: {  	[smem:$0x3FB1] =	sst s7  }
0x10: {  	[smem:$0x3FB2] =	sst s8  }
0x11: {  	[smem:$0x3FB3] =	sst s9;
	s0 =	simm.s32 @!p0 $0x0  }
0x12: {  	s1 =	sld [smem:$0x3F99];
	s0 =	simm.s32 @p0 $0x1  }
0x13: {  	[smem:$0x3FB4] =	sst s0;
	s0 =	simm.s32 @!p1 $0x0  }
0x14: {  	s2 =	sld [smem:$0x3F98];
	s0 =	simm.s32 @p1 $0x1  }
0x15: {  	[smem:$0x3FB5] =	sst s0;
	s0 =	simm.s32 @!p2 $0x0  }
0x16: {  	s3 =	sld [smem:$0x3FDB];
	s0 =	simm.s32 @p2 $0x1  }
0x17: {  	s4 =	simm.s32 $0x1BF5;
	[smem:$0x3FB7] =	sst s0  }
0x18: {  	s0 =	sld [smem:$0x3F9A];
	_ =	swait.ge [sflag:s4], $0x0  }
0x19: {  	s7 =	sld [smem:$0x3F9B]  }
0x1a: {  	s8 =	sadd.s32 $0xFFFFE003, lr  }
0x1b: {  	s9 =	sadd.s32 $0xFFFFFEF7, lr;
	s5 =	simm.s32 $0xFFFFFFFF;
	p2 =	slt.u32 s8, $0xFFFFF086  }
0x1c: {  	p1 =	slt.u32 s9, $0xF7A;
	s5 =	simm.s32 @!p2 $0x0  }
0x1d: {  	s5 =	simm.s32 @p1 $0x1;
	p0 =	seq.s32 s7, s2  }
0x1e: {  	s7 =	smul.u32 @!p0 $0xF7A, s2;
	p2 =	seq.s32 @!p0 s5, $0x0  }
0x1f: {  	s9 =	smul.u32 $0xF7A, s1;
	s8 =	simm.s32 @!p0 $0x1BF5;
	p2 =	por !p2, p0  }
0x20: {  	[sflag:s8] =	ssyncset.s32 @!p0 $0xFFFFF086;
	s6 =	sadd.s32 @!p0 s3, s7;
	s7 =	simm.s32 @!p0 $0x108  }
0x21: {  	s3 =	sadd.s32 s3, s9;
	s6 =	sadd.s32 @!p0 $0x88, s6;
	s7 =	simm.s32 @p2 $0x1082  }
0x22: {  	[simem:s7], [sflag:s8] =	dma.local @!p0 [hbm:s6], $0xF7A  }
0x23: {  	s9 =	sor.u32 $0xD0000000, s2;
	s6 =	simm.s32 $0x108;
	_ =	swait.ge @!p0 [sflag:s8], $0x0  }
0x24: {  	s3 =	sadd.s32 $0x88, s3;
	s6 =	simm.s32 @!p1 $0x1082;
	[sflag:s4] =	ssyncset.s32 $0xFFFFF086  }
0x25: {  	[simem:s6], [sflag:s4] =	dma.local [hbm:s3], $0xF7A  }
0x26: {  	[smem:$0x3F9B] =	sst s1;
	(tag) =	ssettag s2;
	_ =	strace s9  }
0x27: {  	s1 =	sld [smem:$0x3FAB]  }
0x28: {  	s2 =	sld [smem:$0x3FAC]  }
0x29: {  	s4 =	sld [smem:$0x3FAE]  }
0x2a: {  	p0 =	seq.s32 s5, $0x0;
	s5 =	sld [smem:$0x3FAF]  }
0x2b: {  	s6 =	sld [smem:$0x3FB0]  }
0x2c: {  	s7 =	sld [smem:$0x3FB1]  }
0x2d: {  	s3 =	simm.s32 $0x108;
	s8 =	sld [smem:$0x3FB2]  }
0x2e: {  	s3 =	simm.s32 @!p0 $0x1082;
	s9 =	sld [smem:$0x3FB3]  }
0x2f: {  	lr =	sadd.s32 s0, s3;
	s0 =	sld [smem:$0x3FAA]  }
0x30: {  	s3 =	sld [smem:$0x3FAD]  }
0x31: {  	[smem:$0x3FB6] =	sst s10  }
0x32: {  	s10 =	sld [smem:$0x3FB4];
	_ =	sdelay $0x3  }
0x33: {  	p0 =	seq.s32 s10, $0x1;
	s10 =	sld [smem:$0x3FB6];
	_ =	sdelay $0x3  }
0x34: {  	[smem:$0x3FB6] =	sst s10  }
0x35: {  	s10 =	sld [smem:$0x3FB5];
	_ =	sdelay $0x3  }
0x36: {  	p1 =	seq.s32 s10, $0x1;
	s10 =	sld [smem:$0x3FB6];
	_ =	sdelay $0x3  }
0x37: {  	[smem:$0x3FB6] =	sst s10  }
0x38: {  	s10 =	sld [smem:$0x3FB7]  }
0x39: {  	_ = 	snop;
	(pc) =	sbr.ind lr, $3  }
0x3a: {  	_ = 	snop  }
0x3b: {  	_ = 	snop  }
0x3c: {  	p2 =	seq.s32 s10, $0x1;
	s10 =	sld [smem:$0x3FB6]  }
0x3d: {  	_ =	shalt  }
0x3e: {  	_ =	shalt  }
0x3f: {  	_ =	shalt  }
0x40: {  	_ =	shalt  }
0x41: {  	_ =	shalt  }
0x42: {  	_ =	shalt  }
0x43: {  	_ =	shalt  }
0x44: {  	_ =	shalt  }
0x45: {  	_ =	shalt  }
0x46: {  	_ =	shalt  }
0x47: {  	_ =	shalt  }
0x48: {  	_ =	shalt  }
0x49: {  	_ =	shalt  }
0x4a: {  	_ =	shalt  }
0x4b: {  	_ =	shalt  }
0x4c: {  	_ =	shalt  }
0x4d: {  	_ =	shalt  }
0x4e: {  	_ =	shalt  }
0x4f: {  	_ =	shalt  }
0x50: {  	_ =	shalt  }
0x51: {  	_ =	shalt  }
0x52: {  	_ =	shalt  }
0x53: {  	_ =	shalt  }
0x54: {  	_ =	shalt  }
0x55: {  	_ =	shalt  }
0x56: {  	_ =	shalt  }
0x57: {  	_ =	shalt  }
0x58: {  	_ =	shalt  }
0x59: {  	_ =	shalt  }
0x5a: {  	_ =	shalt  }
0x5b: {  	_ =	shalt  }
0x5c: {  	_ =	shalt  }
0x5d: {  	_ =	shalt  }
0x5e: {  	_ =	shalt  }
0x5f: {  	_ =	shalt  }
0x60: {  	_ =	shalt  }
0x61: {  	_ =	shalt  }
0x62: {  	_ =	shalt  }
0x63: {  	_ =	shalt  }
0x64: {  	_ =	shalt  }
0x65: {  	_ =	shalt  }
0x66: {  	_ =	shalt  }
0x67: {  	_ =	shalt  }
0x68: {  	_ =	shalt  }
0x69: {  	_ =	shalt  }
0x6a: {  	_ =	shalt  }
0x6b: {  	_ =	shalt  }
0x6c: {  	_ =	shalt  }
0x6d: {  	_ =	shalt  }
0x6e: {  	_ =	shalt  }
0x6f: {  	_ =	shalt  }
0x70: {  	_ =	shalt  }
0x71: {  	_ =	shalt  }
0x72: {  	_ =	shalt  }
0x73: {  	_ =	shalt  }
0x74: {  	_ =	shalt  }
0x75: {  	_ =	shalt  }
0x76: {  	_ =	shalt  }
0x77: {  	_ =	shalt  }
0x78: {  	_ =	shalt  }
0x79: {  	_ =	shalt  }
0x7a: {  	_ =	shalt  }
0x7b: {  	_ =	shalt  }
0x7c: {  	_ =	shalt  }
0x7d: {  	_ =	shalt  }
0x7e: {  	_ =	shalt  }
0x7f: {  	_ =	shalt  }
0x80: {  	_ =	shalt  }
0x81: {  	_ =	shalt  }
0x82: {  	_ =	shalt  }
0x83: {  	_ =	shalt  }
0x84: {  	_ =	shalt  }
0x85: {  	_ =	shalt  }
0x86: {  	_ =	shalt  }
0x87: {  	_ =	shalt  }
.Lfunc_end0:
.L_simem_size_0:
called_computation.1_lowered:
.L_overlay_start_0:
0x88: {  	s2 =	sld [smem:$0x3FD9]  }
0x89: {  	s3 =	sld [smem:$0x3FFE];
	_ =	sdelay $0x1  }
0x8a: {  	s1 =	srdreg.scid  }
0x8b: {  	s0 =	sand.u32 $0x1, s1  }
0x8c: {  	s16 =	sshll.u32 s0, $0xA;
	s2 =	sadd.s32 s3, s2  }
0x8d: {  	s2 =	sadd.s32 s2, s16  }
0x8e: {  	[smem:$0x3FC2] =	sst s2  }
0x8f: {  	_ = 	snop  }
0x90: {  	(tm) =	ssettm $0x1  }
0x91: {  	s17 =	sld [smem:$0x3FFB];
	_ =	sdelay $0x3  }
0x92: {  	_ =	strace s17  }
0x93: {  	s2 =	sld [smem:$0x3FFC];
	_ =	sdelay $0x3  }
0x94: {  	_ =	strace s2  }
0x95: {  	s2 =	sld [smem:$0x3FFD];
	_ =	sdelay $0x3  }
0x96: {  	_ =	strace s2  }
0x97: {  	_ =	strace $0x8FFFFFFF  }
0x98: {  	s18 =	sld [smem:$0x3FDB];
	_ =	sdelay $0x1  }
0x99: {  	s19 =	simm.s32 $_scs_section_size  }
0x9a: {  	s4 =	simm.s32 $_size__tile_overlayer_lowered;
	s5 =	simm.s32 $_tile_overlayer_lowered  }
0x9b: {  	s22 =	simm.s32 $0x1BFF;
	s21 =	sshll.u32 s5, $0x1;
	s2 =	sadd.s32 s19, s18  }
0x9c: {  	s6 =	simm.s32 $0x0;
	s20 =	sshll.u32 s4, $0x1;
	s4 =	sadd.s32 s21, s2  }
0x9d: {  	[timem:s6], [sflag:s22] =	dma.local [hbm:s4], s20  }
0x9e: {  	_ =	swait.ge [sflag:s22], s20  }
0x9f: {  	s3 =	ssub.s32 $0x0, s20;
	[sflag:s22] =	ssyncset.done $0x0  }
0xa0: {  	[sflag:s22] =	ssyncadd.s32 s3;
	_ =	sdelay $0x1  }
0xa1: {  	s23 =	simm.s32 $0x1B8B  }
0xa2: {  	_ =	swait.ge [sflag:s23], $0x1  }
0xa3: {  	[sflag:s23] =	ssyncset.done $0x0  }
0xa4: {  	s25 =	simm.s32 $0x1B8E;
	s24 =	sld [smem:$0x3FFE];
	[sflag:s23] =	ssyncadd.s32 $0xFFFFFFFF  }
0xa5: {  	s26 =	simm.s32 $execute0_lowered;
	[smem:$0x3FD2] =	sst s25  }
0xa6: {  	s4 =	sshll.u32 s26, $0x1;
	_ =	strace $0x80000049;
	[dreg:$0x1] =	wrdreg $0xFFFFFFFF  }
0xa7: {  	s28 =	simm.s32 $_size_execute0_lowered;
	s2 =	sadd.s32 s2, s4;
	[dreg:$0x0] =	wrdreg $0x0  }
0xa8: {  	s4 =	sshll.u32 s28, $0x1;
	[dreg:$0x2] =	wrdreg s2  }
0xa9: {  	[dreg:$0x3] =	wrdreg s4  }
0xaa: {  	[dreg:$0x4] =	wrdreg $0xC0  }
0xab: {  	_ =	task [dreg:s6], $0x5FFFF  }
0xac: {  	[dreg:$0x1] =	wrdreg $0xFFFFFFFF  }
0xad: {  	[dreg:$0x0] =	wrdreg $0x60  }
0xae: {  	[dreg:$0x2] =	wrdreg s24  }
0xaf: {  	[dreg:$0x3] =	wrdreg $0xA8000  }
0xb0: {  	[dreg:$0x4] =	wrdreg $0x9  }
0xb1: {  	_ =	task.clear_ibuf [dreg:s6], $0x5FFFF;
	_ =	strace $0x90000049  }
0xb2: {  	s29 =	simm.s32 $0x9;
	_ =	strace $0x8000004B  }
0xb3: {  	_ =	swait.ge [sflag:s29], $0x1  }
0xb4: {  	[sflag:s29] =	ssyncadd.s32 $0xFFFFFFFF  }
0xb5: {  	_ =	strace $0x9000004B  }
0xb6: {  	_ =	sfence  }
0xb7: {  	s30 =	sld [smem:$0x0];
	_ =	sdelay $0x2  }
0xb8: {  	s31 =	sshll.u32 s1, $0xD;
	s1 =	sshrl.u32 s1, $0x2  }
0xb9: {  	s3 =	sand.u32 $0x4000, s31;
	s1 =	sadd.s32 s1, s30  }
0xba: {  	s0 =	sor.u32 s3, s0;
	s1 =	sshll.u32 s1, $0x11  }
0xbb: {  	s0 =	sor.u32 s1, s0  }
0xbc: {  	s0 =	sadd.s32 $0x8F2B, s0  }
0xbd: {  	[sflag:s0] =	ssyncadd.remote.s32 $0x1  }
0xbe: {  	_ =	sfence.sel $0xFFFF  }
0xbf: {  	[dreg:$0x0] =	wrdreg $0xFFFFFFFF;
	(pc) =	sbr.abs _section_cstart, $3  }
0xc0: {  	[dreg:$0x1] =	wrdreg $0xFFFFFFFF  }
0xc1: {  	_ =	task.clear_ibuf [dreg:s6], $0x2FFFF;
	_ =	strace $0x9FFFFFFF  }
0xc2: {  	(tm) =	ssettm $0x7FFFFFFF  }
0xc3: {  	_ =	shalt  }
tec
execute0_lowered:
.L_overlay_start_1:
0x0: {  	(tag) =	ssettag $0x1  }
0x1: {  	s8 =	rddreg [dreg:$0x0]  }
0x2: {  	s1 =	rddreg [dreg:$0x1]  }
0x3: {  	s2 =	simm.s32 $0x0;
	s4 =	srdreg.scid;
	s19 =	simm.s32 $0x80  }
0x4: {  	s20 =	simm.s32 $0x2800;
	s21 =	simm.s32 $0x6800;
	s22 =	simm.s32 $0x1  }
0x5: {  	s23 =	simm.s32 $0x2;
	s24 =	simm.s32 $0x1380;
	s25 =	simm.s32 $0x2700  }
0x6: {  	s26 =	simm.s32 $0x2780;
	[smem:$0x7FF] =	sst s2;
	s3 =	sadd.s32 $0x33200, s8  }
0x7: {  	s5 =	sadd.s32 $0x5FA00, s8;
	s14 =	sadd.s32 $0x5AA00, s8;
	s16 =	sand.u32 $0x1, s4  }
0x8: {  	s15 =	sadd.s32 $0x3A00, s8;
	s4 =	stileid.u32;
	s6 =	sadd.s32 $0x9200, s8  }
0x9: {  	s7 =	sadd.s32 $0x86C00, s8;
	s8 =	sadd.s32 $0xAE400, s8;
	_ =	strace $0x8000004A  }
0xa: {  	s9 =	ssub.s32 $0x2, s16;
	s11 =	smul.u32 $0x4F000, s4;
	s31 =	sshll.u32 s4, $0x6  }
0xb: {  	s13 =	smul.u32 $0x500, s4;
	p0 =	sne.s32 s16, $0x0;
	s10 =	sshrl.u32 s9, $0x1  }
.Ltmp0:
0xc: {  	s12 =	ssub.s32 s9, s10;
	s30 =	sshrl.u32 s11, $0x2;
	(pc) =	sbr.rel .LBB2_1-.Ltmp0, $4  }
0xd: {  	s9 =	sor.u32 $0x1C03, s31;
	s10 =	smul.u32 $0x2780, s4;
	s18 =	sadd.s32 $0x280, s13  }
0xe: {  	s17 =	sadd.s32 s30, s1;
	s11 =	smax.u32 s12, $0x1;
	s12 =	sadd.s32 s14, s13  }
0xf: {  	s13 =	sadd.s32 s15, s13;
	s14 =	sadd.s32 s14, s18;
	s15 =	sadd.s32 s15, s18  }
0x10: {  	s18 =	simm.s32 $0x1400;
	s16 =	sshrl.u32 s17, $0x3;
	s17 =	simm.s32 $0x3  }
.LBB2_11:
0x11: {  	s0 =	sadd.s32 $0x80, s28;
	[sflag:s17] =	ssyncadd.s32 $0xFFFFC000  }
0x12: {  	[tilespmem:s21], [sflag:$0x2] =	stream.indirect.gather [hbm4b:s5+s19], $0x80, s0, s19, $0xb8;
	[tilespmem:$0x1E400] =	vst v63  }
0x13: {  	_ =	swait.ge [sflag:s22], $0x4000  }
0x14: {  	[sflag:s22] =	ssyncset.done $0x0  }
0x15: {  	s29 =	sadd.s32 $0x1400, s28;
	[sflag:s22] =	ssyncadd.s32 $0xFFFFC000  }
0x16: {  	[spmem:s1] =	stream.indirect.scatter.add.f32 [tilespmem:s20], [sflag:$0x3], $0x80, s29, s19, $0xb8;
	[tilespmem:$0x1E400] =	vst v63  }
0x17: {  	_ =	swait.ge [sflag:s17], $0x4000  }
0x18: {  	[sflag:s17] =	ssyncset.done $0x0  }
0x19: {  	s30 =	sadd.s32 $0x100, s28;
	[sflag:s17] =	ssyncadd.s32 $0xFFFFC000  }
0x1a: {  	[tilespmem:s20], [sflag:$0x1] =	stream.indirect.gather [hbm4b:s5+s19], $0x80, s30, s19, $0xb8;
	[tilespmem:$0x1E400] =	vst v63  }
0x1b: {  	_ =	swait.ge [sflag:s23], $0x4000  }
0x1c: {  	[sflag:s23] =	ssyncset.done $0x0  }
0x1d: {  	s31 =	sadd.s32 $0x1480, s28;
	[sflag:s23] =	ssyncadd.s32 $0xFFFFC000  }
0x1e: {  	[spmem:s1] =	stream.indirect.scatter.add.f32 [tilespmem:s21], [sflag:$0x3], $0x80, s31, s19, $0xb8;
	[tilespmem:$0x1E400] =	vst v63  }
0x1f: {  	_ =	swait.ge [sflag:s17], $0x4000  }
0x20: {  	[sflag:s17] =	ssyncset.done $0x0  }
0x21: {  	[sflag:s17] =	ssyncadd.s32 $0xFFFFC000  }
0x22: {  	[tilespmem:s21], [sflag:$0x2] =	stream.indirect.gather [hbm4b:s5+s19], $0x80, s24, s19, $0xb8;
	[tilespmem:$0x1E400] =	vst v63  }
0x23: {  	_ =	swait.ge [sflag:s22], $0x4000  }
0x24: {  	[sflag:s22] =	ssyncset.done $0x0  }
0x25: {  	[sflag:s22] =	ssyncadd.s32 $0xFFFFC000  }
0x26: {  	[spmem:s1] =	stream.indirect.scatter.add.f32 [tilespmem:s20], [sflag:$0x3], $0x80, s25, s19, $0xb8;
	[tilespmem:$0x1E400] =	vst v63  }
0x27: {  	_ =	swait.ge [sflag:s17], $0x4000  }
0x28: {  	[sflag:s17] =	ssyncset.done $0x0  }
0x29: {  	[sflag:s17] =	ssyncadd.s32 $0xFFFFC000  }
0x2a: {  	_ =	swait.ge [sflag:s23], $0x4000  }
0x2b: {  	[sflag:s23] =	ssyncset.done $0x0  }
0x2c: {  	[sflag:s23] =	ssyncadd.s32 $0xFFFFC000  }
0x2d: {  	[spmem:s1] =	stream.indirect.scatter.add.f32 [tilespmem:s21], [sflag:$0x3], $0x80, s26, s19, $0xb8;
	[tilespmem:$0x1E400] =	vst v63  }
0x2e: {  	_ =	swait.ge [sflag:s17], $0x4000  }
0x2f: {  	[sflag:s17] =	ssyncset.done $0x0  }
0x30: {  	s28 =	smov.u32 s8;
	[sflag:s17] =	ssyncadd.s32 $0xFFFFC000  }
.LBB2_12:
0x31: {  	s2 =	sadd.s32 $0x1, s2  }
0x32: {  	p1 =	sne.s32 s2, s11  }
.Ltmp1:
0x33: {  	s0 =	sadd.s32 s28, s10;
	[bflag:$0x0] =	sbarrier.arrive $0xFFFF;
	(pc) =	sbr.rel @!p1 .LBB2_13-.Ltmp1, $4  }
0x34: {  	[hbm:s0], [sflag:s9] =	dma.local [spmem:s16], $0x2780  }
0x35: {  	_ =	swait.ge [sflag:s17], $0x2780  }
0x36: {  	[sflag:s17] =	ssyncset.done $0x0  }
0x37: {  	[sflag:s17] =	ssyncadd.s32 $0xFFFFD880  }
.LBB2_1:
0x38: {  	[spmem:s16], [sflag:s9] =	dma.local [hbm:s6], $0x2780  }
.Ltmp2:
0x39: {  	_ =	swait.ge [sflag:s17], $0x2780;
	(pc) =	sbr.rel @p0 .LBB2_7-.Ltmp2, $3  }
0x3a: {  	[sflag:s17] =	ssyncset.done $0x0  }
0x3b: {  	[sflag:s17] =	ssyncadd.s32 $0xFFFFD880  }
0x3c: {  	[bflag:$0x0] =	sbarrier.arrive $0xFFFF;
	_ =	sdelay $0x1  }
0x3d: {  	s28 =	simm.s32 $0x0  }
0x3e: {  	[tilespmem:s28], [sflag:$0x3] =	stream.linear.gather [hbm4b:s12+s28], $0x1400, $0x38;
	[tilespmem:$0x1E400] =	vst v63  }
0x3f: {  	_ =	swait.ge [sflag:s17], $0x1400  }
0x40: {  	[sflag:s17] =	ssyncset.done $0x0  }
0x41: {  	[sflag:s17] =	ssyncadd.s32 $0xFFFFEC00  }
0x42: {  	[tilespmem:s18], [sflag:$0x3] =	stream.linear.gather [hbm4b:s13+s28], $0x1400, $0x38;
	[tilespmem:$0x1E400] =	vst v63  }
0x43: {  	_ =	swait.ge [sflag:s17], $0x1400  }
0x44: {  	[sflag:s17] =	ssyncset.done $0x0  }
0x45: {  	[sflag:s17] =	ssyncadd.s32 $0xFFFFEC00  }
0x46: {  	[tilespmem:s20], [sflag:$0x1] =	stream.indirect.gather [hbm4b:s3+s19], $0x80, s28, s19, $0xb8;
	[tilespmem:$0x1E400] =	vst v63  }
0x47: {  	s28 =	simm.s32 $0x80  }
0x48: {  	[tilespmem:s21], [sflag:$0x2] =	stream.indirect.gather [hbm4b:s3+s19], $0x80, s28, s19, $0xb8;
	[tilespmem:$0x1E400] =	vst v63  }
0x49: {  	_ =	swait.ge [sflag:s22], $0x4000  }
0x4a: {  	[sflag:s22] =	ssyncset.done $0x0  }
0x4b: {  	s28 =	simm.s32 $0x1400;
	[sflag:s22] =	ssyncadd.s32 $0xFFFFC000  }
0x4c: {  	[spmem:s1] =	stream.indirect.scatter.add.f32 [tilespmem:s20], [sflag:$0x3], $0x80, s28, s19, $0xb8;
	[tilespmem:$0x1E400] =	vst v63  }
0x4d: {  	_ =	swait.ge [sflag:s17], $0x4000  }
0x4e: {  	[sflag:s17] =	ssyncset.done $0x0  }
0x4f: {  	s28 =	simm.s32 $0x100;
	[sflag:s17] =	ssyncadd.s32 $0xFFFFC000  }
0x50: {  	[tilespmem:s20], [sflag:$0x1] =	stream.indirect.gather [hbm4b:s3+s19], $0x80, s28, s19, $0xb8;
	[tilespmem:$0x1E400] =	vst v63  }
0x51: {  	_ =	swait.ge [sflag:s23], $0x4000  }
0x52: {  	[sflag:s23] =	ssyncset.done $0x0  }
0x53: {  	s28 =	simm.s32 $0x1480;
	[sflag:s23] =	ssyncadd.s32 $0xFFFFC000  }
0x54: {  	[spmem:s1] =	stream.indirect.scatter.add.f32 [tilespmem:s21], [sflag:$0x3], $0x80, s28, s19, $0xb8;
	[tilespmem:$0x1E400] =	vst v63  }
0x55: {  	_ =	swait.ge [sflag:s17], $0x4000  }
0x56: {  	s29 =	simm.s32 $0x800;
	s28 =	simm.s32 $0x100;
	[sflag:s17] =	ssyncset.done $0x0  }
.LBB2_3:
0x57: {  	s30 =	sadd.s32 $0x80, s28  }
0x58: {  	[sflag:s17] =	ssyncadd.s32 $0xFFFFC000;
	s31 =	smov.u32 s29;
	s0 =	sadd.s32 $0x400, s29  }
0x59: {  	[tilespmem:s21], [sflag:$0x2] =	stream.indirect.gather [hbm4b:s3+s19], $0x80, s30, s19, $0xb8;
	[tilespmem:$0x1E400] =	vst v63  }
0x5a: {  	p1 =	sne.s32 s29, $0x4800;
	_ =	swait.ge [sflag:s22], $0x4000  }
0x5b: {  	[sflag:s22] =	ssyncset.done $0x0  }
0x5c: {  	s29 =	sadd.s32 $0x1400, s28;
	[sflag:s22] =	ssyncadd.s32 $0xFFFFC000  }
0x5d: {  	[spmem:s1] =	stream.indirect.scatter.add.f32 [tilespmem:s20], [sflag:$0x3], $0x80, s29, s19, $0xb8;
	[tilespmem:$0x1E400] =	vst v63  }
0x5e: {  	_ =	swait.ge [sflag:s17], $0x4000  }
0x5f: {  	[sflag:s17] =	ssyncset.done $0x0  }
0x60: {  	s29 =	sadd.s32 $0x100, s28;
	[sflag:s17] =	ssyncadd.s32 $0xFFFFC000  }
0x61: {  	[tilespmem:s20], [sflag:$0x1] =	stream.indirect.gather [hbm4b:s3+s19], $0x80, s29, s19, $0xb8;
	[tilespmem:$0x1E400] =	vst v63  }
0x62: {  	_ =	swait.ge [sflag:s23], $0x4000  }
.Ltmp3:
0x63: {  	[sflag:s23] =	ssyncset.done $0x0;
	(pc) =	sbr.rel @p1 .LBB2_3-.Ltmp3, $4  }
0x64: {  	s28 =	sadd.s32 $0x1480, s28;
	[sflag:s23] =	ssyncadd.s32 $0xFFFFC000  }
0x65: {  	[spmem:s1] =	stream.indirect.scatter.add.f32 [tilespmem:s21], [sflag:$0x3], $0x80, s28, s19, $0xb8;
	[tilespmem:$0x1E400] =	vst v63  }
0x66: {  	_ =	swait.ge [sflag:s17], $0x4000  }
0x67: {  	s29 =	smov.u32 s0;
	s28 =	sshra.s32 s31, $0x2;
	[sflag:s17] =	ssyncset.done $0x0  }
0x68: {  	s0 =	sadd.s32 $0x80, s28;
	[sflag:s17] =	ssyncadd.s32 $0xFFFFC000  }
0x69: {  	[tilespmem:s21], [sflag:$0x2] =	stream.indirect.gather [hbm4b:s3+s19], $0x80, s0, s19, $0xb8;
	[tilespmem:$0x1E400] =	vst v63  }
0x6a: {  	_ =	swait.ge [sflag:s22], $0x4000  }
0x6b: {  	[sflag:s22] =	ssyncset.done $0x0  }
0x6c: {  	s30 =	sadd.s32 $0x1400, s28;
	[sflag:s22] =	ssyncadd.s32 $0xFFFFC000  }
0x6d: {  	[spmem:s1] =	stream.indirect.scatter.add.f32 [tilespmem:s20], [sflag:$0x3], $0x80, s30, s19, $0xb8;
	[tilespmem:$0x1E400] =	vst v63  }
0x6e: {  	_ =	swait.ge [sflag:s17], $0x4000  }
0x6f: {  	[sflag:s17] =	ssyncset.done $0x0  }
0x70: {  	s31 =	sadd.s32 $0x100, s28;
	[sflag:s17] =	ssyncadd.s32 $0xFFFFC000  }
0x71: {  	[tilespmem:s20], [sflag:$0x1] =	stream.indirect.gather [hbm4b:s3+s19], $0x80, s31, s19, $0xb8;
	[tilespmem:$0x1E400] =	vst v63  }
0x72: {  	_ =	swait.ge [sflag:s23], $0x4000  }
0x73: {  	[sflag:s23] =	ssyncset.done $0x0  }
0x74: {  	s30 =	sadd.s32 $0x1480, s28;
	[sflag:s23] =	ssyncadd.s32 $0xFFFFC000  }
0x75: {  	[spmem:s1] =	stream.indirect.scatter.add.f32 [tilespmem:s21], [sflag:$0x3], $0x80, s30, s19, $0xb8;
	[tilespmem:$0x1E400] =	vst v63  }
0x76: {  	_ =	swait.ge [sflag:s17], $0x4000  }
0x77: {  	[sflag:s17] =	ssyncset.done $0x0  }
0x78: {  	[sflag:s17] =	ssyncadd.s32 $0xFFFFC000  }
0x79: {  	[tilespmem:s21], [sflag:$0x2] =	stream.indirect.gather [hbm4b:s3+s19], $0x80, s24, s19, $0xb8;
	[tilespmem:$0x1E400] =	vst v63  }
0x7a: {  	_ =	swait.ge [sflag:s22], $0x4000  }
0x7b: {  	[sflag:s22] =	ssyncset.done $0x0  }
0x7c: {  	[sflag:s22] =	ssyncadd.s32 $0xFFFFC000  }
0x7d: {  	[spmem:s1] =	stream.indirect.scatter.add.f32 [tilespmem:s20], [sflag:$0x3], $0x80, s25, s19, $0xb8;
	[tilespmem:$0x1E400] =	vst v63  }
0x7e: {  	_ =	swait.ge [sflag:s17], $0x4000  }
0x7f: {  	[sflag:s17] =	ssyncset.done $0x0  }
0x80: {  	[sflag:s17] =	ssyncadd.s32 $0xFFFFC000  }
0x81: {  	_ =	swait.ge [sflag:s23], $0x4000  }
0x82: {  	[sflag:s23] =	ssyncset.done $0x0  }
0x83: {  	[sflag:s23] =	ssyncadd.s32 $0xFFFFC000  }
0x84: {  	[spmem:s1] =	stream.indirect.scatter.add.f32 [tilespmem:s21], [sflag:$0x3], $0x80, s26, s19, $0xb8;
	[tilespmem:$0x1E400] =	vst v63  }
0x85: {  	_ =	swait.ge [sflag:s17], $0x4000  }
0x86: {  	[sflag:s17] =	ssyncset.done $0x0  }
0x87: {  	s31 =	simm.s32 $0x0;
	[sflag:s17] =	ssyncadd.s32 $0xFFFFC000  }
0x88: {  	[tilespmem:s31], [sflag:$0x3] =	stream.linear.gather [hbm4b:s14+s31], $0x1400, $0x38;
	[tilespmem:$0x1E400] =	vst v63  }
0x89: {  	_ =	swait.ge [sflag:s17], $0x1400  }
0x8a: {  	[sflag:s17] =	ssyncset.done $0x0  }
0x8b: {  	[sflag:s17] =	ssyncadd.s32 $0xFFFFEC00  }
0x8c: {  	[tilespmem:s18], [sflag:$0x3] =	stream.linear.gather [hbm4b:s15+s31], $0x1400, $0x38;
	[tilespmem:$0x1E400] =	vst v63  }
0x8d: {  	_ =	swait.ge [sflag:s17], $0x1400  }
0x8e: {  	[sflag:s17] =	ssyncset.done $0x0  }
0x8f: {  	[sflag:s17] =	ssyncadd.s32 $0xFFFFEC00  }
0x90: {  	[tilespmem:s20], [sflag:$0x1] =	stream.indirect.gather [hbm4b:s3+s19], $0x80, s31, s19, $0xb8;
	[tilespmem:$0x1E400] =	vst v63  }
0x91: {  	s30 =	simm.s32 $0x80  }
0x92: {  	[tilespmem:s21], [sflag:$0x2] =	stream.indirect.gather [hbm4b:s3+s19], $0x80, s30, s19, $0xb8;
	[tilespmem:$0x1E400] =	vst v63  }
0x93: {  	_ =	swait.ge [sflag:s22], $0x4000  }
0x94: {  	[sflag:s22] =	ssyncset.done $0x0  }
0x95: {  	s31 =	simm.s32 $0x1400;
	[sflag:s22] =	ssyncadd.s32 $0xFFFFC000  }
0x96: {  	[spmem:s1] =	stream.indirect.scatter.add.f32 [tilespmem:s20], [sflag:$0x3], $0x80, s31, s19, $0xb8;
	[tilespmem:$0x1E400] =	vst v63  }
0x97: {  	_ =	swait.ge [sflag:s17], $0x4000  }
0x98: {  	[sflag:s17] =	ssyncset.done $0x0  }
0x99: {  	s30 =	simm.s32 $0x100;
	[sflag:s17] =	ssyncadd.s32 $0xFFFFC000  }
0x9a: {  	[tilespmem:s20], [sflag:$0x1] =	stream.indirect.gather [hbm4b:s3+s19], $0x80, s30, s19, $0xb8;
	[tilespmem:$0x1E400] =	vst v63  }
0x9b: {  	_ =	swait.ge [sflag:s23], $0x4000  }
0x9c: {  	[sflag:s23] =	ssyncset.done $0x0  }
0x9d: {  	s31 =	simm.s32 $0x1480;
	[sflag:s23] =	ssyncadd.s32 $0xFFFFC000  }
0x9e: {  	[spmem:s1] =	stream.indirect.scatter.add.f32 [tilespmem:s21], [sflag:$0x3], $0x80, s31, s19, $0xb8;
	[tilespmem:$0x1E400] =	vst v63  }
0x9f: {  	_ =	swait.ge [sflag:s17], $0x4000  }
0xa0: {  	s29 =	simm.s32 $0x800;
	s28 =	simm.s32 $0x100;
	[sflag:s17] =	ssyncset.done $0x0  }
.LBB2_5:
0xa1: {  	s0 =	sadd.s32 $0x80, s28  }
0xa2: {  	[sflag:s17] =	ssyncadd.s32 $0xFFFFC000;
	s30 =	smov.u32 s29;
	s31 =	sadd.s32 $0x400, s29  }
0xa3: {  	[tilespmem:s21], [sflag:$0x2] =	stream.indirect.gather [hbm4b:s3+s19], $0x80, s0, s19, $0xb8;
	[tilespmem:$0x1E400] =	vst v63  }
0xa4: {  	p1 =	sne.s32 s29, $0x4800;
	_ =	swait.ge [sflag:s22], $0x4000  }
0xa5: {  	[sflag:s22] =	ssyncset.done $0x0  }
0xa6: {  	s0 =	sadd.s32 $0x1400, s28;
	[sflag:s22] =	ssyncadd.s32 $0xFFFFC000  }
0xa7: {  	[spmem:s1] =	stream.indirect.scatter.add.f32 [tilespmem:s20], [sflag:$0x3], $0x80, s0, s19, $0xb8;
	[tilespmem:$0x1E400] =	vst v63  }
0xa8: {  	_ =	swait.ge [sflag:s17], $0x4000  }
0xa9: {  	[sflag:s17] =	ssyncset.done $0x0  }
0xaa: {  	s0 =	sadd.s32 $0x100, s28;
	[sflag:s17] =	ssyncadd.s32 $0xFFFFC000  }
0xab: {  	[tilespmem:s20], [sflag:$0x1] =	stream.indirect.gather [hbm4b:s3+s19], $0x80, s0, s19, $0xb8;
	[tilespmem:$0x1E400] =	vst v63  }
0xac: {  	_ =	swait.ge [sflag:s23], $0x4000  }
.Ltmp4:
0xad: {  	[sflag:s23] =	ssyncset.done $0x0;
	(pc) =	sbr.rel @p1 .LBB2_5-.Ltmp4, $4  }
0xae: {  	s0 =	sadd.s32 $0x1480, s28;
	[sflag:s23] =	ssyncadd.s32 $0xFFFFC000  }
0xaf: {  	[spmem:s1] =	stream.indirect.scatter.add.f32 [tilespmem:s21], [sflag:$0x3], $0x80, s0, s19, $0xb8;
	[tilespmem:$0x1E400] =	vst v63  }
0xb0: {  	_ =	swait.ge [sflag:s17], $0x4000  }
0xb1: {  	s29 =	smov.u32 s31;
	s28 =	sshra.s32 s30, $0x2;
	[sflag:s17] =	ssyncset.done $0x0  }
0xb2: {  	s0 =	sadd.s32 $0x80, s28;
	[sflag:s17] =	ssyncadd.s32 $0xFFFFC000  }
0xb3: {  	[tilespmem:s21], [sflag:$0x2] =	stream.indirect.gather [hbm4b:s3+s19], $0x80, s0, s19, $0xb8;
	[tilespmem:$0x1E400] =	vst v63  }
0xb4: {  	_ =	swait.ge [sflag:s22], $0x4000  }
0xb5: {  	[sflag:s22] =	ssyncset.done $0x0  }
0xb6: {  	s29 =	sadd.s32 $0x1400, s28;
	[sflag:s22] =	ssyncadd.s32 $0xFFFFC000  }
0xb7: {  	[spmem:s1] =	stream.indirect.scatter.add.f32 [tilespmem:s20], [sflag:$0x3], $0x80, s29, s19, $0xb8;
	[tilespmem:$0x1E400] =	vst v63  }
0xb8: {  	_ =	swait.ge [sflag:s17], $0x4000  }
0xb9: {  	[sflag:s17] =	ssyncset.done $0x0  }
0xba: {  	s30 =	sadd.s32 $0x100, s28;
	[sflag:s17] =	ssyncadd.s32 $0xFFFFC000  }
0xbb: {  	[tilespmem:s20], [sflag:$0x1] =	stream.indirect.gather [hbm4b:s3+s19], $0x80, s30, s19, $0xb8;
	[tilespmem:$0x1E400] =	vst v63  }
0xbc: {  	_ =	swait.ge [sflag:s23], $0x4000  }
0xbd: {  	[sflag:s23] =	ssyncset.done $0x0  }
0xbe: {  	s31 =	sadd.s32 $0x1480, s28;
	[sflag:s23] =	ssyncadd.s32 $0xFFFFC000  }
0xbf: {  	[spmem:s1] =	stream.indirect.scatter.add.f32 [tilespmem:s21], [sflag:$0x3], $0x80, s31, s19, $0xb8;
	[tilespmem:$0x1E400] =	vst v63  }
0xc0: {  	_ =	swait.ge [sflag:s17], $0x4000  }
0xc1: {  	[sflag:s17] =	ssyncset.done $0x0  }
0xc2: {  	[sflag:s17] =	ssyncadd.s32 $0xFFFFC000  }
0xc3: {  	[tilespmem:s21], [sflag:$0x2] =	stream.indirect.gather [hbm4b:s3+s19], $0x80, s24, s19, $0xb8;
	[tilespmem:$0x1E400] =	vst v63  }
0xc4: {  	_ =	swait.ge [sflag:s22], $0x4000  }
0xc5: {  	[sflag:s22] =	ssyncset.done $0x0  }
0xc6: {  	[sflag:s22] =	ssyncadd.s32 $0xFFFFC000  }
0xc7: {  	[spmem:s1] =	stream.indirect.scatter.add.f32 [tilespmem:s20], [sflag:$0x3], $0x80, s25, s19, $0xb8;
	[tilespmem:$0x1E400] =	vst v63  }
0xc8: {  	_ =	swait.ge [sflag:s17], $0x4000  }
0xc9: {  	[sflag:s17] =	ssyncset.done $0x0  }
0xca: {  	[sflag:s17] =	ssyncadd.s32 $0xFFFFC000  }
0xcb: {  	_ =	swait.ge [sflag:s23], $0x4000  }
0xcc: {  	[sflag:s23] =	ssyncset.done $0x0  }
.Ltmp5:
0xcd: {  	[sflag:s23] =	ssyncadd.s32 $0xFFFFC000;
	(pc) =	sbr.rel .LBB2_12-.Ltmp5, $4  }
0xce: {  	[spmem:s1] =	stream.indirect.scatter.add.f32 [tilespmem:s21], [sflag:$0x3], $0x80, s26, s19, $0xb8;
	[tilespmem:$0x1E400] =	vst v63  }
0xcf: {  	_ =	swait.ge [sflag:s17], $0x4000  }
0xd0: {  	[sflag:s17] =	ssyncset.done $0x0  }
0xd1: {  	s28 =	smov.u32 s7;
	[sflag:s17] =	ssyncadd.s32 $0xFFFFC000  }
.LBB2_7:
0xd2: {  	s0 =	simm.s32 $0x0  }
0xd3: {  	[tilespmem:s0], [sflag:$0x3] =	stream.linear.gather [hbm4b:s12+s0], $0x1400, $0x38;
	[tilespmem:$0x1E400] =	vst v63  }
0xd4: {  	_ =	swait.ge [sflag:s17], $0x1400  }
0xd5: {  	[sflag:s17] =	ssyncset.done $0x0  }
0xd6: {  	[sflag:s17] =	ssyncadd.s32 $0xFFFFEC00  }
0xd7: {  	[tilespmem:s18], [sflag:$0x3] =	stream.linear.gather [hbm4b:s13+s0], $0x1400, $0x38;
	[tilespmem:$0x1E400] =	vst v63  }
0xd8: {  	_ =	swait.ge [sflag:s17], $0x1400  }
0xd9: {  	[sflag:s17] =	ssyncset.done $0x0  }
0xda: {  	[sflag:s17] =	ssyncadd.s32 $0xFFFFEC00  }
0xdb: {  	[tilespmem:s20], [sflag:$0x1] =	stream.indirect.gather [hbm4b:s5+s19], $0x80, s0, s19, $0xb8;
	[tilespmem:$0x1E400] =	vst v63  }
0xdc: {  	s30 =	simm.s32 $0x80  }
0xdd: {  	[tilespmem:s21], [sflag:$0x2] =	stream.indirect.gather [hbm4b:s5+s19], $0x80, s30, s19, $0xb8;
	[tilespmem:$0x1E400] =	vst v63  }
0xde: {  	_ =	swait.ge [sflag:s22], $0x4000  }
0xdf: {  	[sflag:s22] =	ssyncset.done $0x0  }
0xe0: {  	s31 =	simm.s32 $0x1400;
	[sflag:s22] =	ssyncadd.s32 $0xFFFFC000  }
0xe1: {  	[spmem:s1] =	stream.indirect.scatter.add.f32 [tilespmem:s20], [sflag:$0x3], $0x80, s31, s19, $0xb8;
	[tilespmem:$0x1E400] =	vst v63  }
0xe2: {  	_ =	swait.ge [sflag:s17], $0x4000  }
0xe3: {  	[sflag:s17] =	ssyncset.done $0x0  }
0xe4: {  	s30 =	simm.s32 $0x100;
	[sflag:s17] =	ssyncadd.s32 $0xFFFFC000  }
0xe5: {  	[tilespmem:s20], [sflag:$0x1] =	stream.indirect.gather [hbm4b:s5+s19], $0x80, s30, s19, $0xb8;
	[tilespmem:$0x1E400] =	vst v63  }
0xe6: {  	_ =	swait.ge [sflag:s23], $0x4000  }
0xe7: {  	[sflag:s23] =	ssyncset.done $0x0  }
0xe8: {  	s31 =	simm.s32 $0x1480;
	[sflag:s23] =	ssyncadd.s32 $0xFFFFC000  }
0xe9: {  	[spmem:s1] =	stream.indirect.scatter.add.f32 [tilespmem:s21], [sflag:$0x3], $0x80, s31, s19, $0xb8;
	[tilespmem:$0x1E400] =	vst v63  }
0xea: {  	_ =	swait.ge [sflag:s17], $0x4000  }
0xeb: {  	s29 =	simm.s32 $0x800;
	s28 =	simm.s32 $0x100;
	[sflag:s17] =	ssyncset.done $0x0  }
.LBB2_8:
0xec: {  	s0 =	sadd.s32 $0x80, s28  }
0xed: {  	[sflag:s17] =	ssyncadd.s32 $0xFFFFC000;
	s30 =	smov.u32 s29;
	s31 =	sadd.s32 $0x400, s29  }
0xee: {  	[tilespmem:s21], [sflag:$0x2] =	stream.indirect.gather [hbm4b:s5+s19], $0x80, s0, s19, $0xb8;
	[tilespmem:$0x1E400] =	vst v63  }
0xef: {  	p1 =	sne.s32 s29, $0x4800;
	_ =	swait.ge [sflag:s22], $0x4000  }
0xf0: {  	[sflag:s22] =	ssyncset.done $0x0  }
0xf1: {  	s0 =	sadd.s32 $0x1400, s28;
	[sflag:s22] =	ssyncadd.s32 $0xFFFFC000  }
0xf2: {  	[spmem:s1] =	stream.indirect.scatter.add.f32 [tilespmem:s20], [sflag:$0x3], $0x80, s0, s19, $0xb8;
	[tilespmem:$0x1E400] =	vst v63  }
0xf3: {  	_ =	swait.ge [sflag:s17], $0x4000  }
0xf4: {  	[sflag:s17] =	ssyncset.done $0x0  }
0xf5: {  	s0 =	sadd.s32 $0x100, s28;
	[sflag:s17] =	ssyncadd.s32 $0xFFFFC000  }
0xf6: {  	[tilespmem:s20], [sflag:$0x1] =	stream.indirect.gather [hbm4b:s5+s19], $0x80, s0, s19, $0xb8;
	[tilespmem:$0x1E400] =	vst v63  }
0xf7: {  	_ =	swait.ge [sflag:s23], $0x4000  }
.Ltmp6:
0xf8: {  	[sflag:s23] =	ssyncset.done $0x0;
	(pc) =	sbr.rel @p1 .LBB2_8-.Ltmp6, $4  }
0xf9: {  	s0 =	sadd.s32 $0x1480, s28;
	[sflag:s23] =	ssyncadd.s32 $0xFFFFC000  }
0xfa: {  	[spmem:s1] =	stream.indirect.scatter.add.f32 [tilespmem:s21], [sflag:$0x3], $0x80, s0, s19, $0xb8;
	[tilespmem:$0x1E400] =	vst v63  }
0xfb: {  	_ =	swait.ge [sflag:s17], $0x4000  }
0xfc: {  	s29 =	smov.u32 s31;
	s28 =	sshra.s32 s30, $0x2;
	[sflag:s17] =	ssyncset.done $0x0  }
0xfd: {  	s0 =	sadd.s32 $0x80, s28;
	[sflag:s17] =	ssyncadd.s32 $0xFFFFC000  }
0xfe: {  	[tilespmem:s21], [sflag:$0x2] =	stream.indirect.gather [hbm4b:s5+s19], $0x80, s0, s19, $0xb8;
	[tilespmem:$0x1E400] =	vst v63  }
0xff: {  	_ =	swait.ge [sflag:s22], $0x4000  }
0x100: {  	[sflag:s22] =	ssyncset.done $0x0  }
0x101: {  	s30 =	sadd.s32 $0x1400, s28;
	[sflag:s22] =	ssyncadd.s32 $0xFFFFC000  }
0x102: {  	[spmem:s1] =	stream.indirect.scatter.add.f32 [tilespmem:s20], [sflag:$0x3], $0x80, s30, s19, $0xb8;
	[tilespmem:$0x1E400] =	vst v63  }
0x103: {  	_ =	swait.ge [sflag:s17], $0x4000  }
0x104: {  	[sflag:s17] =	ssyncset.done $0x0  }
0x105: {  	s31 =	sadd.s32 $0x100, s28;
	[sflag:s17] =	ssyncadd.s32 $0xFFFFC000  }
0x106: {  	[tilespmem:s20], [sflag:$0x1] =	stream.indirect.gather [hbm4b:s5+s19], $0x80, s31, s19, $0xb8;
	[tilespmem:$0x1E400] =	vst v63  }
0x107: {  	_ =	swait.ge [sflag:s23], $0x4000  }
0x108: {  	[sflag:s23] =	ssyncset.done $0x0  }
0x109: {  	s30 =	sadd.s32 $0x1480, s28;
	[sflag:s23] =	ssyncadd.s32 $0xFFFFC000  }
0x10a: {  	[spmem:s1] =	stream.indirect.scatter.add.f32 [tilespmem:s21], [sflag:$0x3], $0x80, s30, s19, $0xb8;
	[tilespmem:$0x1E400] =	vst v63  }
0x10b: {  	_ =	swait.ge [sflag:s17], $0x4000  }
0x10c: {  	[sflag:s17] =	ssyncset.done $0x0  }
0x10d: {  	[sflag:s17] =	ssyncadd.s32 $0xFFFFC000  }
0x10e: {  	[tilespmem:s21], [sflag:$0x2] =	stream.indirect.gather [hbm4b:s5+s19], $0x80, s24, s19, $0xb8;
	[tilespmem:$0x1E400] =	vst v63  }
0x10f: {  	_ =	swait.ge [sflag:s22], $0x4000  }
0x110: {  	[sflag:s22] =	ssyncset.done $0x0  }
0x111: {  	[sflag:s22] =	ssyncadd.s32 $0xFFFFC000  }
0x112: {  	[spmem:s1] =	stream.indirect.scatter.add.f32 [tilespmem:s20], [sflag:$0x3], $0x80, s25, s19, $0xb8;
	[tilespmem:$0x1E400] =	vst v63  }
0x113: {  	_ =	swait.ge [sflag:s17], $0x4000  }
0x114: {  	[sflag:s17] =	ssyncset.done $0x0  }
0x115: {  	[sflag:s17] =	ssyncadd.s32 $0xFFFFC000  }
0x116: {  	_ =	swait.ge [sflag:s23], $0x4000  }
0x117: {  	[sflag:s23] =	ssyncset.done $0x0  }
0x118: {  	[sflag:s23] =	ssyncadd.s32 $0xFFFFC000  }
0x119: {  	[spmem:s1] =	stream.indirect.scatter.add.f32 [tilespmem:s21], [sflag:$0x3], $0x80, s26, s19, $0xb8;
	[tilespmem:$0x1E400] =	vst v63  }
0x11a: {  	_ =	swait.ge [sflag:s17], $0x4000  }
0x11b: {  	[sflag:s17] =	ssyncset.done $0x0  }
0x11c: {  	s31 =	simm.s32 $0x0;
	[sflag:s17] =	ssyncadd.s32 $0xFFFFC000  }
0x11d: {  	[tilespmem:s31], [sflag:$0x3] =	stream.linear.gather [hbm4b:s14+s31], $0x1400, $0x38;
	[tilespmem:$0x1E400] =	vst v63  }
0x11e: {  	_ =	swait.ge [sflag:s17], $0x1400  }
0x11f: {  	[sflag:s17] =	ssyncset.done $0x0  }
0x120: {  	[sflag:s17] =	ssyncadd.s32 $0xFFFFEC00  }
0x121: {  	[tilespmem:s18], [sflag:$0x3] =	stream.linear.gather [hbm4b:s15+s31], $0x1400, $0x38;
	[tilespmem:$0x1E400] =	vst v63  }
0x122: {  	_ =	swait.ge [sflag:s17], $0x1400  }
0x123: {  	[sflag:s17] =	ssyncset.done $0x0  }
0x124: {  	[sflag:s17] =	ssyncadd.s32 $0xFFFFEC00  }
0x125: {  	[tilespmem:s20], [sflag:$0x1] =	stream.indirect.gather [hbm4b:s5+s19], $0x80, s31, s19, $0xb8;
	[tilespmem:$0x1E400] =	vst v63  }
0x126: {  	s30 =	simm.s32 $0x80  }
0x127: {  	[tilespmem:s21], [sflag:$0x2] =	stream.indirect.gather [hbm4b:s5+s19], $0x80, s30, s19, $0xb8;
	[tilespmem:$0x1E400] =	vst v63  }
0x128: {  	_ =	swait.ge [sflag:s22], $0x4000  }
0x129: {  	[sflag:s22] =	ssyncset.done $0x0  }
0x12a: {  	s31 =	simm.s32 $0x1400;
	[sflag:s22] =	ssyncadd.s32 $0xFFFFC000  }
0x12b: {  	[spmem:s1] =	stream.indirect.scatter.add.f32 [tilespmem:s20], [sflag:$0x3], $0x80, s31, s19, $0xb8;
	[tilespmem:$0x1E400] =	vst v63  }
0x12c: {  	_ =	swait.ge [sflag:s17], $0x4000  }
0x12d: {  	[sflag:s17] =	ssyncset.done $0x0  }
0x12e: {  	s30 =	simm.s32 $0x100;
	[sflag:s17] =	ssyncadd.s32 $0xFFFFC000  }
0x12f: {  	[tilespmem:s20], [sflag:$0x1] =	stream.indirect.gather [hbm4b:s5+s19], $0x80, s30, s19, $0xb8;
	[tilespmem:$0x1E400] =	vst v63  }
0x130: {  	_ =	swait.ge [sflag:s23], $0x4000  }
0x131: {  	[sflag:s23] =	ssyncset.done $0x0  }
0x132: {  	s31 =	simm.s32 $0x1480;
	[sflag:s23] =	ssyncadd.s32 $0xFFFFC000  }
0x133: {  	[spmem:s1] =	stream.indirect.scatter.add.f32 [tilespmem:s21], [sflag:$0x3], $0x80, s31, s19, $0xb8;
	[tilespmem:$0x1E400] =	vst v63  }
0x134: {  	_ =	swait.ge [sflag:s17], $0x4000  }
0x135: {  	s29 =	simm.s32 $0x800;
	s28 =	simm.s32 $0x100;
	[sflag:s17] =	ssyncset.done $0x0  }
.LBB2_10:
0x136: {  	s0 =	sadd.s32 $0x80, s28  }
0x137: {  	[sflag:s17] =	ssyncadd.s32 $0xFFFFC000;
	s30 =	smov.u32 s29;
	s31 =	sadd.s32 $0x400, s29  }
0x138: {  	[tilespmem:s21], [sflag:$0x2] =	stream.indirect.gather [hbm4b:s5+s19], $0x80, s0, s19, $0xb8;
	[tilespmem:$0x1E400] =	vst v63  }
0x139: {  	p1 =	sne.s32 s29, $0x4800;
	_ =	swait.ge [sflag:s22], $0x4000  }
0x13a: {  	[sflag:s22] =	ssyncset.done $0x0  }
0x13b: {  	s0 =	sadd.s32 $0x1400, s28;
	[sflag:s22] =	ssyncadd.s32 $0xFFFFC000  }
0x13c: {  	[spmem:s1] =	stream.indirect.scatter.add.f32 [tilespmem:s20], [sflag:$0x3], $0x80, s0, s19, $0xb8;
	[tilespmem:$0x1E400] =	vst v63  }
0x13d: {  	_ =	swait.ge [sflag:s17], $0x4000  }
0x13e: {  	[sflag:s17] =	ssyncset.done $0x0  }
0x13f: {  	s0 =	sadd.s32 $0x100, s28;
	[sflag:s17] =	ssyncadd.s32 $0xFFFFC000  }
0x140: {  	[tilespmem:s20], [sflag:$0x1] =	stream.indirect.gather [hbm4b:s5+s19], $0x80, s0, s19, $0xb8;
	[tilespmem:$0x1E400] =	vst v63  }
0x141: {  	_ =	swait.ge [sflag:s23], $0x4000  }
.Ltmp7:
0x142: {  	[sflag:s23] =	ssyncset.done $0x0;
	(pc) =	sbr.rel @p1 .LBB2_10-.Ltmp7, $4  }
0x143: {  	s0 =	sadd.s32 $0x1480, s28;
	[sflag:s23] =	ssyncadd.s32 $0xFFFFC000  }
0x144: {  	[spmem:s1] =	stream.indirect.scatter.add.f32 [tilespmem:s21], [sflag:$0x3], $0x80, s0, s19, $0xb8;
	[tilespmem:$0x1E400] =	vst v63  }
0x145: {  	_ =	swait.ge [sflag:s17], $0x4000  }
0x146: {  	s29 =	smov.u32 s31;
	s28 =	sshra.s32 s30, $0x2;
	[sflag:s17] =	ssyncset.done $0x0  }
.Ltmp8:
0x147: {  	_ = 	snop;
	(pc) =	sbr.rel .LBB2_11-.Ltmp8, $1  }
0x148: {  	_ =	sdelay $0x3  }
.LBB2_13:
0x149: {  	_ =	sfence.sel $0x180000  }
0x14a: {  	[bflag:$0x0] =	sbarrier.arrive $0xFFFF  }
0x14b: {  	_ =	strace $0x9000004A  }
0x14c: {  	[bflag:$0x2] =	sbarrier.arrive $0xFFFF  }
0x14d: {  	p0 =	sne.s32 s4, $0x0;
	s0 =	rddreg [dreg:$0x2]  }
0x14e: {  	s0 =	sadd.s32 @!p0 $0x100000, s0  }
0x14f: {  	[sflag:s0] =	ssyncadd.tile.s32 @!p0 $0x1;
	_ =	shalt  }
.Lfunc_end2:
_tile_overlayer_lowered:
.L_overlay_start_2:
0x150: {  	(tag) =	ssettag $0x2  }
0x151: {  	s0 =	rddreg [dreg:$0x0];
	s2 =	stileid.u32  }
0x152: {  	s1 =	rddreg [dreg:$0x1];
	p0 =	sne.s32 s2, $0x0  }
0x153: {  	s3 =	rddreg [dreg:$0x2];
	[bflag:$0x3] =	sbarrier.arrive $0xFFFF;
	s2 =	simm.s32 @!p0 $0x1C03  }
0x154: {  	[timem:s3], [sflag:s2] =	dma.local @!p0 [hbm:s0], s1  }
0x155: {  	s0 =	simm.s32 @!p0 $0x3  }
0x156: {  	_ =	swait.ge @!p0 [sflag:s0], s1  }
0x157: {  	s1 =	ssub.s32 @!p0 $0x0, s1;
	[sflag:s0] =	ssyncset.done @!p0 $0x0  }
0x158: {  	[sflag:s0] =	ssyncadd.s32 @!p0 s1  }
0x159: {  	[bflag:$0x3] =	sbarrier.arrive $0xFFFF  }
0x15a: {  	_ =	shalt  }

// kernel: kernel.16.cloned.1.call-start
scs
__scs_entry_jumppad:
0x0: {  	(pc) =	sbr.rel $0x88, $3  }
0x1: {  	(tag) =	ssettag $0x0;
	lr =	simm.s32 $0x1  }
0x2: {  	[smem:$0x3F9B] =	sst lr;
	_ =	strace $0xD0000000  }
0x3: {  	_ = 	snop  }
0x4: {  	_ = 	snop  }
0x5: {  	_ = 	snop  }
0x6: {  	_ = 	snop  }
0x7: {  	_ = 	snop  }
__scs_overlays_trampoline_lowered:
0x8: {  	[smem:$0x3FAA] =	sst s0  }
0x9: {  	[smem:$0x3FAB] =	sst s1  }
0xa: {  	[smem:$0x3FAC] =	sst s2  }
0xb: {  	[smem:$0x3FAD] =	sst s3  }
0xc: {  	[smem:$0x3FAE] =	sst s4  }
0xd: {  	[smem:$0x3FAF] =	sst s5  }
0xe: {  	[smem:$0x3FB0] =	sst s6  }
0xf: {  	[smem:$0x3FB1] =	sst s7  }
0x10: {  	[smem:$0x3FB2] =	sst s8  }
0x11: {  	[smem:$0x3FB3] =	sst s9;
	s0 =	simm.s32 @!p0 $0x0  }
0x12: {  	s1 =	sld [smem:$0x3F99];
	s0 =	simm.s32 @p0 $0x1  }
0x13: {  	[smem:$0x3FB4] =	sst s0;
	s0 =	simm.s32 @!p1 $0x0  }
0x14: {  	s2 =	sld [smem:$0x3F98];
	s0 =	simm.s32 @p1 $0x1  }
0x15: {  	[smem:$0x3FB5] =	sst s0;
	s0 =	simm.s32 @!p2 $0x0  }
0x16: {  	s3 =	sld [smem:$0x3FDB];
	s0 =	simm.s32 @p2 $0x1  }
0x17: {  	s4 =	simm.s32 $0x1BF5;
	[smem:$0x3FB7] =	sst s0  }
0x18: {  	s0 =	sld [smem:$0x3F9A];
	_ =	swait.ge [sflag:s4], $0x0  }
0x19: {  	s7 =	sld [smem:$0x3F9B]  }
0x1a: {  	s8 =	sadd.s32 $0xFFFFE003, lr  }
0x1b: {  	s9 =	sadd.s32 $0xFFFFFEF7, lr;
	s5 =	simm.s32 $0xFFFFFFFF;
	p2 =	slt.u32 s8, $0xFFFFF086  }
0x1c: {  	p1 =	slt.u32 s9, $0xF7A;
	s5 =	simm.s32 @!p2 $0x0  }
0x1d: {  	s5 =	simm.s32 @p1 $0x1;
	p0 =	seq.s32 s7, s2  }
0x1e: {  	s7 =	smul.u32 @!p0 $0xF7A, s2;
	p2 =	seq.s32 @!p0 s5, $0x0  }
0x1f: {  	s9 =	smul.u32 $0xF7A, s1;
	s8 =	simm.s32 @!p0 $0x1BF5;
	p2 =	por !p2, p0  }
0x20: {  	[sflag:s8] =	ssyncset.s32 @!p0 $0xFFFFF086;
	s6 =	sadd.s32 @!p0 s3, s7;
	s7 =	simm.s32 @!p0 $0x108  }
0x21: {  	s3 =	sadd.s32 s3, s9;
	s6 =	sadd.s32 @!p0 $0x88, s6;
	s7 =	simm.s32 @p2 $0x1082  }
0x22: {  	[simem:s7], [sflag:s8] =	dma.local @!p0 [hbm:s6], $0xF7A  }
0x23: {  	s9 =	sor.u32 $0xD0000000, s2;
	s6 =	simm.s32 $0x108;
	_ =	swait.ge @!p0 [sflag:s8], $0x0  }
0x24: {  	s3 =	sadd.s32 $0x88, s3;
	s6 =	simm.s32 @!p1 $0x1082;
	[sflag:s4] =	ssyncset.s32 $0xFFFFF086  }
0x25: {  	[simem:s6], [sflag:s4] =	dma.local [hbm:s3], $0xF7A  }
0x26: {  	[smem:$0x3F9B] =	sst s1;
	(tag) =	ssettag s2;
	_ =	strace s9  }
0x27: {  	s1 =	sld [smem:$0x3FAB]  }
0x28: {  	s2 =	sld [smem:$0x3FAC]  }
0x29: {  	s4 =	sld [smem:$0x3FAE]  }
0x2a: {  	p0 =	seq.s32 s5, $0x0;
	s5 =	sld [smem:$0x3FAF]  }
0x2b: {  	s6 =	sld [smem:$0x3FB0]  }
0x2c: {  	s7 =	sld [smem:$0x3FB1]  }
0x2d: {  	s3 =	simm.s32 $0x108;
	s8 =	sld [smem:$0x3FB2]  }
0x2e: {  	s3 =	simm.s32 @!p0 $0x1082;
	s9 =	sld [smem:$0x3FB3]  }
0x2f: {  	lr =	sadd.s32 s0, s3;
	s0 =	sld [smem:$0x3FAA]  }
0x30: {  	s3 =	sld [smem:$0x3FAD]  }
0x31: {  	[smem:$0x3FB6] =	sst s10  }
0x32: {  	s10 =	sld [smem:$0x3FB4];
	_ =	sdelay $0x3  }
0x33: {  	p0 =	seq.s32 s10, $0x1;
	s10 =	sld [smem:$0x3FB6];
	_ =	sdelay $0x3  }
0x34: {  	[smem:$0x3FB6] =	sst s10  }
0x35: {  	s10 =	sld [smem:$0x3FB5];
	_ =	sdelay $0x3  }
0x36: {  	p1 =	seq.s32 s10, $0x1;
	s10 =	sld [smem:$0x3FB6];
	_ =	sdelay $0x3  }
0x37: {  	[smem:$0x3FB6] =	sst s10  }
0x38: {  	s10 =	sld [smem:$0x3FB7]  }
0x39: {  	_ = 	snop;
	(pc) =	sbr.ind lr, $3  }
0x3a: {  	_ = 	snop  }
0x3b: {  	_ = 	snop  }
0x3c: {  	p2 =	seq.s32 s10, $0x1;
	s10 =	sld [smem:$0x3FB6]  }
0x3d: {  	_ =	shalt  }
0x3e: {  	_ =	shalt  }
0x3f: {  	_ =	shalt  }
0x40: {  	_ =	shalt  }
0x41: {  	_ =	shalt  }
0x42: {  	_ =	shalt  }
0x43: {  	_ =	shalt  }
0x44: {  	_ =	shalt  }
0x45: {  	_ =	shalt  }
0x46: {  	_ =	shalt  }
0x47: {  	_ =	shalt  }
0x48: {  	_ =	shalt  }
0x49: {  	_ =	shalt  }
0x4a: {  	_ =	shalt  }
0x4b: {  	_ =	shalt  }
0x4c: {  	_ =	shalt  }
0x4d: {  	_ =	shalt  }
0x4e: {  	_ =	shalt  }
0x4f: {  	_ =	shalt  }
0x50: {  	_ =	shalt  }
0x51: {  	_ =	shalt  }
0x52: {  	_ =	shalt  }
0x53: {  	_ =	shalt  }
0x54: {  	_ =	shalt  }
0x55: {  	_ =	shalt  }
0x56: {  	_ =	shalt  }
0x57: {  	_ =	shalt  }
0x58: {  	_ =	shalt  }
0x59: {  	_ =	shalt  }
0x5a: {  	_ =	shalt  }
0x5b: {  	_ =	shalt  }
0x5c: {  	_ =	shalt  }
0x5d: {  	_ =	shalt  }
0x5e: {  	_ =	shalt  }
0x5f: {  	_ =	shalt  }
0x60: {  	_ =	shalt  }
0x61: {  	_ =	shalt  }
0x62: {  	_ =	shalt  }
0x63: {  	_ =	shalt  }
0x64: {  	_ =	shalt  }
0x65: {  	_ =	shalt  }
0x66: {  	_ =	shalt  }
0x67: {  	_ =	shalt  }
0x68: {  	_ =	shalt  }
0x69: {  	_ =	shalt  }
0x6a: {  	_ =	shalt  }
0x6b: {  	_ =	shalt  }
0x6c: {  	_ =	shalt  }
0x6d: {  	_ =	shalt  }
0x6e: {  	_ =	shalt  }
0x6f: {  	_ =	shalt  }
0x70: {  	_ =	shalt  }
0x71: {  	_ =	shalt  }
0x72: {  	_ =	shalt  }
0x73: {  	_ =	shalt  }
0x74: {  	_ =	shalt  }
0x75: {  	_ =	shalt  }
0x76: {  	_ =	shalt  }
0x77: {  	_ =	shalt  }
0x78: {  	_ =	shalt  }
0x79: {  	_ =	shalt  }
0x7a: {  	_ =	shalt  }
0x7b: {  	_ =	shalt  }
0x7c: {  	_ =	shalt  }
0x7d: {  	_ =	shalt  }
0x7e: {  	_ =	shalt  }
0x7f: {  	_ =	shalt  }
0x80: {  	_ =	shalt  }
0x81: {  	_ =	shalt  }
0x82: {  	_ =	shalt  }
0x83: {  	_ =	shalt  }
0x84: {  	_ =	shalt  }
0x85: {  	_ =	shalt  }
0x86: {  	_ =	shalt  }
0x87: {  	_ =	shalt  }
.Lfunc_end0:
.L_simem_size_0:
called_computation.2_lowered:
.L_overlay_start_0:
0x88: {  	s2 =	sld [smem:$0x3FD9]  }
0x89: {  	s3 =	sld [smem:$0x3FFE];
	_ =	sdelay $0x1  }
0x8a: {  	s1 =	srdreg.scid  }
0x8b: {  	s0 =	sand.u32 $0x1, s1  }
0x8c: {  	s16 =	sshll.u32 s0, $0xA;
	s2 =	sadd.s32 s3, s2  }
0x8d: {  	s2 =	sadd.s32 s2, s16  }
0x8e: {  	[smem:$0x3FC2] =	sst s2  }
0x8f: {  	_ = 	snop  }
0x90: {  	(tm) =	ssettm $0x1  }
0x91: {  	s17 =	sld [smem:$0x3FFB];
	_ =	sdelay $0x3  }
0x92: {  	_ =	strace s17  }
0x93: {  	s2 =	sld [smem:$0x3FFC];
	_ =	sdelay $0x3  }
0x94: {  	_ =	strace s2  }
0x95: {  	s2 =	sld [smem:$0x3FFD];
	_ =	sdelay $0x3  }
0x96: {  	_ =	strace s2  }
0x97: {  	_ =	strace $0x8FFFFFFF  }
0x98: {  	s18 =	sld [smem:$0x3FDB];
	_ =	sdelay $0x1  }
0x99: {  	s19 =	simm.s32 $_scs_section_size  }
0x9a: {  	s4 =	simm.s32 $_size__tile_overlayer_lowered;
	s5 =	simm.s32 $_tile_overlayer_lowered  }
0x9b: {  	s22 =	simm.s32 $0x1BFF;
	s21 =	sshll.u32 s5, $0x1;
	s2 =	sadd.s32 s19, s18  }
0x9c: {  	s6 =	simm.s32 $0x0;
	s20 =	sshll.u32 s4, $0x1;
	s4 =	sadd.s32 s21, s2  }
0x9d: {  	[timem:s6], [sflag:s22] =	dma.local [hbm:s4], s20  }
0x9e: {  	_ =	swait.ge [sflag:s22], s20  }
0x9f: {  	s3 =	ssub.s32 $0x0, s20;
	[sflag:s22] =	ssyncset.done $0x0  }
0xa0: {  	[sflag:s22] =	ssyncadd.s32 s3;
	_ =	sdelay $0x1  }
0xa1: {  	s23 =	simm.s32 $0x1B8B  }
0xa2: {  	_ =	swait.ge [sflag:s23], $0x1  }
0xa3: {  	[sflag:s23] =	ssyncset.done $0x0  }
0xa4: {  	s25 =	simm.s32 $0x1B8E;
	s24 =	sld [smem:$0x3FFE];
	[sflag:s23] =	ssyncadd.s32 $0xFFFFFFFF  }
0xa5: {  	s26 =	simm.s32 $execute0_lowered;
	[smem:$0x3FD2] =	sst s25  }
0xa6: {  	s4 =	sshll.u32 s26, $0x1;
	_ =	strace $0x8000004C;
	[dreg:$0x1] =	wrdreg $0xFFFFFFFF  }
0xa7: {  	s28 =	simm.s32 $_size_execute0_lowered;
	s2 =	sadd.s32 s2, s4;
	[dreg:$0x0] =	wrdreg $0x0  }
0xa8: {  	s4 =	sshll.u32 s28, $0x1;
	[dreg:$0x2] =	wrdreg s2  }
0xa9: {  	[dreg:$0x3] =	wrdreg s4  }
0xaa: {  	[dreg:$0x4] =	wrdreg $0xC0  }
0xab: {  	_ =	task [dreg:s6], $0x5FFFF  }
0xac: {  	[dreg:$0x1] =	wrdreg $0xFFFFFFFF  }
0xad: {  	[dreg:$0x0] =	wrdreg $0x60  }
0xae: {  	[dreg:$0x2] =	wrdreg s24  }
0xaf: {  	[dreg:$0x3] =	wrdreg $0xA8000  }
0xb0: {  	[dreg:$0x4] =	wrdreg $0x9  }
0xb1: {  	_ =	task.clear_ibuf [dreg:s6], $0x5FFFF;
	_ =	strace $0x9000004C  }
0xb2: {  	s29 =	simm.s32 $0x9;
	_ =	strace $0x8000004E  }
0xb3: {  	_ =	swait.ge [sflag:s29], $0x1  }
0xb4: {  	[sflag:s29] =	ssyncadd.s32 $0xFFFFFFFF  }
0xb5: {  	_ =	strace $0x9000004E  }
0xb6: {  	_ =	sfence  }
0xb7: {  	s30 =	sld [smem:$0x0];
	_ =	sdelay $0x2  }
0xb8: {  	s31 =	sshll.u32 s1, $0xD;
	s1 =	sshrl.u32 s1, $0x2  }
0xb9: {  	s3 =	sand.u32 $0x4000, s31;
	s1 =	sadd.s32 s1, s30  }
0xba: {  	s0 =	sor.u32 s3, s0;
	s1 =	sshll.u32 s1, $0x11  }
0xbb: {  	s0 =	sor.u32 s1, s0  }
0xbc: {  	s0 =	sadd.s32 $0x8F2B, s0  }
0xbd: {  	[sflag:s0] =	ssyncadd.remote.s32 $0x1  }
0xbe: {  	_ =	sfence.sel $0xFFFF  }
0xbf: {  	[dreg:$0x0] =	wrdreg $0xFFFFFFFF;
	(pc) =	sbr.abs _section_cstart, $3  }
0xc0: {  	[dreg:$0x1] =	wrdreg $0xFFFFFFFF  }
0xc1: {  	_ =	task.clear_ibuf [dreg:s6], $0x2FFFF;
	_ =	strace $0x9FFFFFFF  }
0xc2: {  	(tm) =	ssettm $0x7FFFFFFF  }
0xc3: {  	_ =	shalt  }
tec
execute0_lowered:
.L_overlay_start_1:
0x0: {  	(tag) =	ssettag $0x1  }
0x1: {  	s8 =	rddreg [dreg:$0x0]  }
0x2: {  	s1 =	rddreg [dreg:$0x1]  }
0x3: {  	s2 =	simm.s32 $0x0;
	s4 =	srdreg.scid;
	s19 =	simm.s32 $0x80  }
0x4: {  	s20 =	simm.s32 $0x2800;
	s21 =	simm.s32 $0x6800;
	s22 =	simm.s32 $0x1  }
0x5: {  	s23 =	simm.s32 $0x2;
	s24 =	simm.s32 $0x1380;
	s25 =	simm.s32 $0x2700  }
0x6: {  	s26 =	simm.s32 $0x2780;
	[smem:$0x7FF] =	sst s2;
	s3 =	sadd.s32 $0x33200, s8  }
0x7: {  	s5 =	sadd.s32 $0x5FA00, s8;
	s14 =	sadd.s32 $0x5AA00, s8;
	s16 =	sand.u32 $0x1, s4  }
0x8: {  	s15 =	sadd.s32 $0x3A00, s8;
	s4 =	stileid.u32;
	s6 =	sadd.s32 $0x9200, s8  }
0x9: {  	s7 =	sadd.s32 $0x86C00, s8;
	s8 =	sadd.s32 $0xAE400, s8;
	_ =	strace $0x8000004D  }
0xa: {  	s9 =	ssub.s32 $0x2, s16;
	s11 =	smul.u32 $0x4F000, s4;
	s31 =	sshll.u32 s4, $0x6  }
0xb: {  	s13 =	smul.u32 $0x500, s4;
	p0 =	sne.s32 s16, $0x0;
	s10 =	sshrl.u32 s9, $0x1  }
.Ltmp0:
0xc: {  	s12 =	ssub.s32 s9, s10;
	s30 =	sshrl.u32 s11, $0x2;
	(pc) =	sbr.rel .LBB2_1-.Ltmp0, $4  }
0xd: {  	s9 =	sor.u32 $0x1C03, s31;
	s10 =	smul.u32 $0x2780, s4;
	s18 =	sadd.s32 $0x280, s13  }
0xe: {  	s17 =	sadd.s32 s30, s1;
	s11 =	smax.u32 s12, $0x1;
	s12 =	sadd.s32 s14, s13  }
0xf: {  	s13 =	sadd.s32 s15, s13;
	s14 =	sadd.s32 s14, s18;
	s15 =	sadd.s32 s15, s18  }
0x10: {  	s18 =	simm.s32 $0x1400;
	s16 =	sshrl.u32 s17, $0x3;
	s17 =	simm.s32 $0x3  }
.LBB2_11:
0x11: {  	s0 =	sadd.s32 $0x80, s28;
	[sflag:s17] =	ssyncadd.s32 $0xFFFFC000  }
0x12: {  	[tilespmem:s21], [sflag:$0x2] =	stream.indirect.gather [hbm4b:s5+s19], $0x80, s0, s19, $0xb8;
	[tilespmem:$0x1E400] =	vst v63  }
0x13: {  	_ =	swait.ge [sflag:s22], $0x4000  }
0x14: {  	[sflag:s22] =	ssyncset.done $0x0  }
0x15: {  	s29 =	sadd.s32 $0x1400, s28;
	[sflag:s22] =	ssyncadd.s32 $0xFFFFC000  }
0x16: {  	[spmem:s1] =	stream.indirect.scatter.add.f32 [tilespmem:s20], [sflag:$0x3], $0x80, s29, s19, $0xb8;
	[tilespmem:$0x1E400] =	vst v63  }
0x17: {  	_ =	swait.ge [sflag:s17], $0x4000  }
0x18: {  	[sflag:s17] =	ssyncset.done $0x0  }
0x19: {  	s30 =	sadd.s32 $0x100, s28;
	[sflag:s17] =	ssyncadd.s32 $0xFFFFC000  }
0x1a: {  	[tilespmem:s20], [sflag:$0x1] =	stream.indirect.gather [hbm4b:s5+s19], $0x80, s30, s19, $0xb8;
	[tilespmem:$0x1E400] =	vst v63  }
0x1b: {  	_ =	swait.ge [sflag:s23], $0x4000  }
0x1c: {  	[sflag:s23] =	ssyncset.done $0x0  }
0x1d: {  	s31 =	sadd.s32 $0x1480, s28;
	[sflag:s23] =	ssyncadd.s32 $0xFFFFC000  }
0x1e: {  	[spmem:s1] =	stream.indirect.scatter.add.f32 [tilespmem:s21], [sflag:$0x3], $0x80, s31, s19, $0xb8;
	[tilespmem:$0x1E400] =	vst v63  }
0x1f: {  	_ =	swait.ge [sflag:s17], $0x4000  }
0x20: {  	[sflag:s17] =	ssyncset.done $0x0  }
0x21: {  	[sflag:s17] =	ssyncadd.s32 $0xFFFFC000  }
0x22: {  	[tilespmem:s21], [sflag:$0x2] =	stream.indirect.gather [hbm4b:s5+s19], $0x80, s24, s19, $0xb8;
	[tilespmem:$0x1E400] =	vst v63  }
0x23: {  	_ =	swait.ge [sflag:s22], $0x4000  }
0x24: {  	[sflag:s22] =	ssyncset.done $0x0  }
0x25: {  	[sflag:s22] =	ssyncadd.s32 $0xFFFFC000  }
0x26: {  	[spmem:s1] =	stream.indirect.scatter.add.f32 [tilespmem:s20], [sflag:$0x3], $0x80, s25, s19, $0xb8;
	[tilespmem:$0x1E400] =	vst v63  }
0x27: {  	_ =	swait.ge [sflag:s17], $0x4000  }
0x28: {  	[sflag:s17] =	ssyncset.done $0x0  }
0x29: {  	[sflag:s17] =	ssyncadd.s32 $0xFFFFC000  }
0x2a: {  	_ =	swait.ge [sflag:s23], $0x4000  }
0x2b: {  	[sflag:s23] =	ssyncset.done $0x0  }
0x2c: {  	[sflag:s23] =	ssyncadd.s32 $0xFFFFC000  }
0x2d: {  	[spmem:s1] =	stream.indirect.scatter.add.f32 [tilespmem:s21], [sflag:$0x3], $0x80, s26, s19, $0xb8;
	[tilespmem:$0x1E400] =	vst v63  }
0x2e: {  	_ =	swait.ge [sflag:s17], $0x4000  }
0x2f: {  	[sflag:s17] =	ssyncset.done $0x0  }
0x30: {  	s28 =	smov.u32 s8;
	[sflag:s17] =	ssyncadd.s32 $0xFFFFC000  }
.LBB2_12:
0x31: {  	s2 =	sadd.s32 $0x1, s2  }
0x32: {  	p1 =	sne.s32 s2, s11  }
.Ltmp1:
0x33: {  	s0 =	sadd.s32 s28, s10;
	[bflag:$0x0] =	sbarrier.arrive $0xFFFF;
	(pc) =	sbr.rel @!p1 .LBB2_13-.Ltmp1, $4  }
0x34: {  	[hbm:s0], [sflag:s9] =	dma.local [spmem:s16], $0x2780  }
0x35: {  	_ =	swait.ge [sflag:s17], $0x2780  }
0x36: {  	[sflag:s17] =	ssyncset.done $0x0  }
0x37: {  	[sflag:s17] =	ssyncadd.s32 $0xFFFFD880  }
.LBB2_1:
0x38: {  	[spmem:s16], [sflag:s9] =	dma.local [hbm:s6], $0x2780  }
.Ltmp2:
0x39: {  	_ =	swait.ge [sflag:s17], $0x2780;
	(pc) =	sbr.rel @p0 .LBB2_7-.Ltmp2, $3  }
0x3a: {  	[sflag:s17] =	ssyncset.done $0x0  }
0x3b: {  	[sflag:s17] =	ssyncadd.s32 $0xFFFFD880  }
0x3c: {  	[bflag:$0x0] =	sbarrier.arrive $0xFFFF;
	_ =	sdelay $0x1  }
0x3d: {  	s28 =	simm.s32 $0x0  }
0x3e: {  	[tilespmem:s28], [sflag:$0x3] =	stream.linear.gather [hbm4b:s12+s28], $0x1400, $0x38;
	[tilespmem:$0x1E400] =	vst v63  }
0x3f: {  	_ =	swait.ge [sflag:s17], $0x1400  }
0x40: {  	[sflag:s17] =	ssyncset.done $0x0  }
0x41: {  	[sflag:s17] =	ssyncadd.s32 $0xFFFFEC00  }
0x42: {  	[tilespmem:s18], [sflag:$0x3] =	stream.linear.gather [hbm4b:s13+s28], $0x1400, $0x38;
	[tilespmem:$0x1E400] =	vst v63  }
0x43: {  	_ =	swait.ge [sflag:s17], $0x1400  }
0x44: {  	[sflag:s17] =	ssyncset.done $0x0  }
0x45: {  	[sflag:s17] =	ssyncadd.s32 $0xFFFFEC00  }
0x46: {  	[tilespmem:s20], [sflag:$0x1] =	stream.indirect.gather [hbm4b:s3+s19], $0x80, s28, s19, $0xb8;
	[tilespmem:$0x1E400] =	vst v63  }
0x47: {  	s28 =	simm.s32 $0x80  }
0x48: {  	[tilespmem:s21], [sflag:$0x2] =	stream.indirect.gather [hbm4b:s3+s19], $0x80, s28, s19, $0xb8;
	[tilespmem:$0x1E400] =	vst v63  }
0x49: {  	_ =	swait.ge [sflag:s22], $0x4000  }
0x4a: {  	[sflag:s22] =	ssyncset.done $0x0  }
0x4b: {  	s28 =	simm.s32 $0x1400;
	[sflag:s22] =	ssyncadd.s32 $0xFFFFC000  }
0x4c: {  	[spmem:s1] =	stream.indirect.scatter.add.f32 [tilespmem:s20], [sflag:$0x3], $0x80, s28, s19, $0xb8;
	[tilespmem:$0x1E400] =	vst v63  }
0x4d: {  	_ =	swait.ge [sflag:s17], $0x4000  }
0x4e: {  	[sflag:s17] =	ssyncset.done $0x0  }
0x4f: {  	s28 =	simm.s32 $0x100;
	[sflag:s17] =	ssyncadd.s32 $0xFFFFC000  }
0x50: {  	[tilespmem:s20], [sflag:$0x1] =	stream.indirect.gather [hbm4b:s3+s19], $0x80, s28, s19, $0xb8;
	[tilespmem:$0x1E400] =	vst v63  }
0x51: {  	_ =	swait.ge [sflag:s23], $0x4000  }
0x52: {  	[sflag:s23] =	ssyncset.done $0x0  }
0x53: {  	s28 =	simm.s32 $0x1480;
	[sflag:s23] =	ssyncadd.s32 $0xFFFFC000  }
0x54: {  	[spmem:s1] =	stream.indirect.scatter.add.f32 [tilespmem:s21], [sflag:$0x3], $0x80, s28, s19, $0xb8;
	[tilespmem:$0x1E400] =	vst v63  }
0x55: {  	_ =	swait.ge [sflag:s17], $0x4000  }
0x56: {  	s29 =	simm.s32 $0x800;
	s28 =	simm.s32 $0x100;
	[sflag:s17] =	ssyncset.done $0x0  }
.LBB2_3:
0x57: {  	s30 =	sadd.s32 $0x80, s28  }
0x58: {  	[sflag:s17] =	ssyncadd.s32 $0xFFFFC000;
	s31 =	smov.u32 s29;
	s0 =	sadd.s32 $0x400, s29  }
0x59: {  	[tilespmem:s21], [sflag:$0x2] =	stream.indirect.gather [hbm4b:s3+s19], $0x80, s30, s19, $0xb8;
	[tilespmem:$0x1E400] =	vst v63  }
0x5a: {  	p1 =	sne.s32 s29, $0x4800;
	_ =	swait.ge [sflag:s22], $0x4000  }
0x5b: {  	[sflag:s22] =	ssyncset.done $0x0  }
0x5c: {  	s29 =	sadd.s32 $0x1400, s28;
	[sflag:s22] =	ssyncadd.s32 $0xFFFFC000  }
0x5d: {  	[spmem:s1] =	stream.indirect.scatter.add.f32 [tilespmem:s20], [sflag:$0x3], $0x80, s29, s19, $0xb8;
	[tilespmem:$0x1E400] =	vst v63  }
0x5e: {  	_ =	swait.ge [sflag:s17], $0x4000  }
0x5f: {  	[sflag:s17] =	ssyncset.done $0x0  }
0x60: {  	s29 =	sadd.s32 $0x100, s28;
	[sflag:s17] =	ssyncadd.s32 $0xFFFFC000  }
0x61: {  	[tilespmem:s20], [sflag:$0x1] =	stream.indirect.gather [hbm4b:s3+s19], $0x80, s29, s19, $0xb8;
	[tilespmem:$0x1E400] =	vst v63  }
0x62: {  	_ =	swait.ge [sflag:s23], $0x4000  }
.Ltmp3:
0x63: {  	[sflag:s23] =	ssyncset.done $0x0;
	(pc) =	sbr.rel @p1 .LBB2_3-.Ltmp3, $4  }
0x64: {  	s28 =	sadd.s32 $0x1480, s28;
	[sflag:s23] =	ssyncadd.s32 $0xFFFFC000  }
0x65: {  	[spmem:s1] =	stream.indirect.scatter.add.f32 [tilespmem:s21], [sflag:$0x3], $0x80, s28, s19, $0xb8;
	[tilespmem:$0x1E400] =	vst v63  }
0x66: {  	_ =	swait.ge [sflag:s17], $0x4000  }
0x67: {  	s29 =	smov.u32 s0;
	s28 =	sshra.s32 s31, $0x2;
	[sflag:s17] =	ssyncset.done $0x0  }
0x68: {  	s0 =	sadd.s32 $0x80, s28;
	[sflag:s17] =	ssyncadd.s32 $0xFFFFC000  }
0x69: {  	[tilespmem:s21], [sflag:$0x2] =	stream.indirect.gather [hbm4b:s3+s19], $0x80, s0, s19, $0xb8;
	[tilespmem:$0x1E400] =	vst v63  }
0x6a: {  	_ =	swait.ge [sflag:s22], $0x4000  }
0x6b: {  	[sflag:s22] =	ssyncset.done $0x0  }
0x6c: {  	s30 =	sadd.s32 $0x1400, s28;
	[sflag:s22] =	ssyncadd.s32 $0xFFFFC000  }
0x6d: {  	[spmem:s1] =	stream.indirect.scatter.add.f32 [tilespmem:s20], [sflag:$0x3], $0x80, s30, s19, $0xb8;
	[tilespmem:$0x1E400] =	vst v63  }
0x6e: {  	_ =	swait.ge [sflag:s17], $0x4000  }
0x6f: {  	[sflag:s17] =	ssyncset.done $0x0  }
0x70: {  	s31 =	sadd.s32 $0x100, s28;
	[sflag:s17] =	ssyncadd.s32 $0xFFFFC000  }
0x71: {  	[tilespmem:s20], [sflag:$0x1] =	stream.indirect.gather [hbm4b:s3+s19], $0x80, s31, s19, $0xb8;
	[tilespmem:$0x1E400] =	vst v63  }
0x72: {  	_ =	swait.ge [sflag:s23], $0x4000  }
0x73: {  	[sflag:s23] =	ssyncset.done $0x0  }
0x74: {  	s30 =	sadd.s32 $0x1480, s28;
	[sflag:s23] =	ssyncadd.s32 $0xFFFFC000  }
0x75: {  	[spmem:s1] =	stream.indirect.scatter.add.f32 [tilespmem:s21], [sflag:$0x3], $0x80, s30, s19, $0xb8;
	[tilespmem:$0x1E400] =	vst v63  }
0x76: {  	_ =	swait.ge [sflag:s17], $0x4000  }
0x77: {  	[sflag:s17] =	ssyncset.done $0x0  }
0x78: {  	[sflag:s17] =	ssyncadd.s32 $0xFFFFC000  }
0x79: {  	[tilespmem:s21], [sflag:$0x2] =	stream.indirect.gather [hbm4b:s3+s19], $0x80, s24, s19, $0xb8;
	[tilespmem:$0x1E400] =	vst v63  }
0x7a: {  	_ =	swait.ge [sflag:s22], $0x4000  }
0x7b: {  	[sflag:s22] =	ssyncset.done $0x0  }
0x7c: {  	[sflag:s22] =	ssyncadd.s32 $0xFFFFC000  }
0x7d: {  	[spmem:s1] =	stream.indirect.scatter.add.f32 [tilespmem:s20], [sflag:$0x3], $0x80, s25, s19, $0xb8;
	[tilespmem:$0x1E400] =	vst v63  }
0x7e: {  	_ =	swait.ge [sflag:s17], $0x4000  }
0x7f: {  	[sflag:s17] =	ssyncset.done $0x0  }
0x80: {  	[sflag:s17] =	ssyncadd.s32 $0xFFFFC000  }
0x81: {  	_ =	swait.ge [sflag:s23], $0x4000  }
0x82: {  	[sflag:s23] =	ssyncset.done $0x0  }
0x83: {  	[sflag:s23] =	ssyncadd.s32 $0xFFFFC000  }
0x84: {  	[spmem:s1] =	stream.indirect.scatter.add.f32 [tilespmem:s21], [sflag:$0x3], $0x80, s26, s19, $0xb8;
	[tilespmem:$0x1E400] =	vst v63  }
0x85: {  	_ =	swait.ge [sflag:s17], $0x4000  }
0x86: {  	[sflag:s17] =	ssyncset.done $0x0  }
0x87: {  	s31 =	simm.s32 $0x0;
	[sflag:s17] =	ssyncadd.s32 $0xFFFFC000  }
0x88: {  	[tilespmem:s31], [sflag:$0x3] =	stream.linear.gather [hbm4b:s14+s31], $0x1400, $0x38;
	[tilespmem:$0x1E400] =	vst v63  }
0x89: {  	_ =	swait.ge [sflag:s17], $0x1400  }
0x8a: {  	[sflag:s17] =	ssyncset.done $0x0  }
0x8b: {  	[sflag:s17] =	ssyncadd.s32 $0xFFFFEC00  }
0x8c: {  	[tilespmem:s18], [sflag:$0x3] =	stream.linear.gather [hbm4b:s15+s31], $0x1400, $0x38;
	[tilespmem:$0x1E400] =	vst v63  }
0x8d: {  	_ =	swait.ge [sflag:s17], $0x1400  }
0x8e: {  	[sflag:s17] =	ssyncset.done $0x0  }
0x8f: {  	[sflag:s17] =	ssyncadd.s32 $0xFFFFEC00  }
0x90: {  	[tilespmem:s20], [sflag:$0x1] =	stream.indirect.gather [hbm4b:s3+s19], $0x80, s31, s19, $0xb8;
	[tilespmem:$0x1E400] =	vst v63  }
0x91: {  	s30 =	simm.s32 $0x80  }
0x92: {  	[tilespmem:s21], [sflag:$0x2] =	stream.indirect.gather [hbm4b:s3+s19], $0x80, s30, s19, $0xb8;
	[tilespmem:$0x1E400] =	vst v63  }
0x93: {  	_ =	swait.ge [sflag:s22], $0x4000  }
0x94: {  	[sflag:s22] =	ssyncset.done $0x0  }
0x95: {  	s31 =	simm.s32 $0x1400;
	[sflag:s22] =	ssyncadd.s32 $0xFFFFC000  }
0x96: {  	[spmem:s1] =	stream.indirect.scatter.add.f32 [tilespmem:s20], [sflag:$0x3], $0x80, s31, s19, $0xb8;
	[tilespmem:$0x1E400] =	vst v63  }
0x97: {  	_ =	swait.ge [sflag:s17], $0x4000  }
0x98: {  	[sflag:s17] =	ssyncset.done $0x0  }
0x99: {  	s30 =	simm.s32 $0x100;
	[sflag:s17] =	ssyncadd.s32 $0xFFFFC000  }
0x9a: {  	[tilespmem:s20], [sflag:$0x1] =	stream.indirect.gather [hbm4b:s3+s19], $0x80, s30, s19, $0xb8;
	[tilespmem:$0x1E400] =	vst v63  }
0x9b: {  	_ =	swait.ge [sflag:s23], $0x4000  }
0x9c: {  	[sflag:s23] =	ssyncset.done $0x0  }
0x9d: {  	s31 =	simm.s32 $0x1480;
	[sflag:s23] =	ssyncadd.s32 $0xFFFFC000  }
0x9e: {  	[spmem:s1] =	stream.indirect.scatter.add.f32 [tilespmem:s21], [sflag:$0x3], $0x80, s31, s19, $0xb8;
	[tilespmem:$0x1E400] =	vst v63  }
0x9f: {  	_ =	swait.ge [sflag:s17], $0x4000  }
0xa0: {  	s29 =	simm.s32 $0x800;
	s28 =	simm.s32 $0x100;
	[sflag:s17] =	ssyncset.done $0x0  }
.LBB2_5:
0xa1: {  	s0 =	sadd.s32 $0x80, s28  }
0xa2: {  	[sflag:s17] =	ssyncadd.s32 $0xFFFFC000;
	s30 =	smov.u32 s29;
	s31 =	sadd.s32 $0x400, s29  }
0xa3: {  	[tilespmem:s21], [sflag:$0x2] =	stream.indirect.gather [hbm4b:s3+s19], $0x80, s0, s19, $0xb8;
	[tilespmem:$0x1E400] =	vst v63  }
0xa4: {  	p1 =	sne.s32 s29, $0x4800;
	_ =	swait.ge [sflag:s22], $0x4000  }
0xa5: {  	[sflag:s22] =	ssyncset.done $0x0  }
0xa6: {  	s0 =	sadd.s32 $0x1400, s28;
	[sflag:s22] =	ssyncadd.s32 $0xFFFFC000  }
0xa7: {  	[spmem:s1] =	stream.indirect.scatter.add.f32 [tilespmem:s20], [sflag:$0x3], $0x80, s0, s19, $0xb8;
	[tilespmem:$0x1E400] =	vst v63  }
0xa8: {  	_ =	swait.ge [sflag:s17], $0x4000  }
0xa9: {  	[sflag:s17] =	ssyncset.done $0x0  }
0xaa: {  	s0 =	sadd.s32 $0x100, s28;
	[sflag:s17] =	ssyncadd.s32 $0xFFFFC000  }
0xab: {  	[tilespmem:s20], [sflag:$0x1] =	stream.indirect.gather [hbm4b:s3+s19], $0x80, s0, s19, $0xb8;
	[tilespmem:$0x1E400] =	vst v63  }
0xac: {  	_ =	swait.ge [sflag:s23], $0x4000  }
.Ltmp4:
0xad: {  	[sflag:s23] =	ssyncset.done $0x0;
	(pc) =	sbr.rel @p1 .LBB2_5-.Ltmp4, $4  }
0xae: {  	s0 =	sadd.s32 $0x1480, s28;
	[sflag:s23] =	ssyncadd.s32 $0xFFFFC000  }
0xaf: {  	[spmem:s1] =	stream.indirect.scatter.add.f32 [tilespmem:s21], [sflag:$0x3], $0x80, s0, s19, $0xb8;
	[tilespmem:$0x1E400] =	vst v63  }
0xb0: {  	_ =	swait.ge [sflag:s17], $0x4000  }
0xb1: {  	s29 =	smov.u32 s31;
	s28 =	sshra.s32 s30, $0x2;
	[sflag:s17] =	ssyncset.done $0x0  }
0xb2: {  	s0 =	sadd.s32 $0x80, s28;
	[sflag:s17] =	ssyncadd.s32 $0xFFFFC000  }
0xb3: {  	[tilespmem:s21], [sflag:$0x2] =	stream.indirect.gather [hbm4b:s3+s19], $0x80, s0, s19, $0xb8;
	[tilespmem:$0x1E400] =	vst v63  }
0xb4: {  	_ =	swait.ge [sflag:s22], $0x4000  }
0xb5: {  	[sflag:s22] =	ssyncset.done $0x0  }
0xb6: {  	s29 =	sadd.s32 $0x1400, s28;
	[sflag:s22] =	ssyncadd.s32 $0xFFFFC000  }
0xb7: {  	[spmem:s1] =	stream.indirect.scatter.add.f32 [tilespmem:s20], [sflag:$0x3], $0x80, s29, s19, $0xb8;
	[tilespmem:$0x1E400] =	vst v63  }
0xb8: {  	_ =	swait.ge [sflag:s17], $0x4000  }
0xb9: {  	[sflag:s17] =	ssyncset.done $0x0  }
0xba: {  	s30 =	sadd.s32 $0x100, s28;
	[sflag:s17] =	ssyncadd.s32 $0xFFFFC000  }
0xbb: {  	[tilespmem:s20], [sflag:$0x1] =	stream.indirect.gather [hbm4b:s3+s19], $0x80, s30, s19, $0xb8;
	[tilespmem:$0x1E400] =	vst v63  }
0xbc: {  	_ =	swait.ge [sflag:s23], $0x4000  }
0xbd: {  	[sflag:s23] =	ssyncset.done $0x0  }
0xbe: {  	s31 =	sadd.s32 $0x1480, s28;
	[sflag:s23] =	ssyncadd.s32 $0xFFFFC000  }
0xbf: {  	[spmem:s1] =	stream.indirect.scatter.add.f32 [tilespmem:s21], [sflag:$0x3], $0x80, s31, s19, $0xb8;
	[tilespmem:$0x1E400] =	vst v63  }
0xc0: {  	_ =	swait.ge [sflag:s17], $0x4000  }
0xc1: {  	[sflag:s17] =	ssyncset.done $0x0  }
0xc2: {  	[sflag:s17] =	ssyncadd.s32 $0xFFFFC000  }
0xc3: {  	[tilespmem:s21], [sflag:$0x2] =	stream.indirect.gather [hbm4b:s3+s19], $0x80, s24, s19, $0xb8;
	[tilespmem:$0x1E400] =	vst v63  }
0xc4: {  	_ =	swait.ge [sflag:s22], $0x4000  }
0xc5: {  	[sflag:s22] =	ssyncset.done $0x0  }
0xc6: {  	[sflag:s22] =	ssyncadd.s32 $0xFFFFC000  }
0xc7: {  	[spmem:s1] =	stream.indirect.scatter.add.f32 [tilespmem:s20], [sflag:$0x3], $0x80, s25, s19, $0xb8;
	[tilespmem:$0x1E400] =	vst v63  }
0xc8: {  	_ =	swait.ge [sflag:s17], $0x4000  }
0xc9: {  	[sflag:s17] =	ssyncset.done $0x0  }
0xca: {  	[sflag:s17] =	ssyncadd.s32 $0xFFFFC000  }
0xcb: {  	_ =	swait.ge [sflag:s23], $0x4000  }
0xcc: {  	[sflag:s23] =	ssyncset.done $0x0  }
.Ltmp5:
0xcd: {  	[sflag:s23] =	ssyncadd.s32 $0xFFFFC000;
	(pc) =	sbr.rel .LBB2_12-.Ltmp5, $4  }
0xce: {  	[spmem:s1] =	stream.indirect.scatter.add.f32 [tilespmem:s21], [sflag:$0x3], $0x80, s26, s19, $0xb8;
	[tilespmem:$0x1E400] =	vst v63  }
0xcf: {  	_ =	swait.ge [sflag:s17], $0x4000  }
0xd0: {  	[sflag:s17] =	ssyncset.done $0x0  }
0xd1: {  	s28 =	smov.u32 s7;
	[sflag:s17] =	ssyncadd.s32 $0xFFFFC000  }
.LBB2_7:
0xd2: {  	s0 =	simm.s32 $0x0  }
0xd3: {  	[tilespmem:s0], [sflag:$0x3] =	stream.linear.gather [hbm4b:s12+s0], $0x1400, $0x38;
	[tilespmem:$0x1E400] =	vst v63  }
0xd4: {  	_ =	swait.ge [sflag:s17], $0x1400  }
0xd5: {  	[sflag:s17] =	ssyncset.done $0x0  }
0xd6: {  	[sflag:s17] =	ssyncadd.s32 $0xFFFFEC00  }
0xd7: {  	[tilespmem:s18], [sflag:$0x3] =	stream.linear.gather [hbm4b:s13+s0], $0x1400, $0x38;
	[tilespmem:$0x1E400] =	vst v63  }
0xd8: {  	_ =	swait.ge [sflag:s17], $0x1400  }
0xd9: {  	[sflag:s17] =	ssyncset.done $0x0  }
0xda: {  	[sflag:s17] =	ssyncadd.s32 $0xFFFFEC00  }
0xdb: {  	[tilespmem:s20], [sflag:$0x1] =	stream.indirect.gather [hbm4b:s5+s19], $0x80, s0, s19, $0xb8;
	[tilespmem:$0x1E400] =	vst v63  }
0xdc: {  	s30 =	simm.s32 $0x80  }
0xdd: {  	[tilespmem:s21], [sflag:$0x2] =	stream.indirect.gather [hbm4b:s5+s19], $0x80, s30, s19, $0xb8;
	[tilespmem:$0x1E400] =	vst v63  }
0xde: {  	_ =	swait.ge [sflag:s22], $0x4000  }
0xdf: {  	[sflag:s22] =	ssyncset.done $0x0  }
0xe0: {  	s31 =	simm.s32 $0x1400;
	[sflag:s22] =	ssyncadd.s32 $0xFFFFC000  }
0xe1: {  	[spmem:s1] =	stream.indirect.scatter.add.f32 [tilespmem:s20], [sflag:$0x3], $0x80, s31, s19, $0xb8;
	[tilespmem:$0x1E400] =	vst v63  }
0xe2: {  	_ =	swait.ge [sflag:s17], $0x4000  }
0xe3: {  	[sflag:s17] =	ssyncset.done $0x0  }
0xe4: {  	s30 =	simm.s32 $0x100;
	[sflag:s17] =	ssyncadd.s32 $0xFFFFC000  }
0xe5: {  	[tilespmem:s20], [sflag:$0x1] =	stream.indirect.gather [hbm4b:s5+s19], $0x80, s30, s19, $0xb8;
	[tilespmem:$0x1E400] =	vst v63  }
0xe6: {  	_ =	swait.ge [sflag:s23], $0x4000  }
0xe7: {  	[sflag:s23] =	ssyncset.done $0x0  }
0xe8: {  	s31 =	simm.s32 $0x1480;
	[sflag:s23] =	ssyncadd.s32 $0xFFFFC000  }
0xe9: {  	[spmem:s1] =	stream.indirect.scatter.add.f32 [tilespmem:s21], [sflag:$0x3], $0x80, s31, s19, $0xb8;
	[tilespmem:$0x1E400] =	vst v63  }
0xea: {  	_ =	swait.ge [sflag:s17], $0x4000  }
0xeb: {  	s29 =	simm.s32 $0x800;
	s28 =	simm.s32 $0x100;
	[sflag:s17] =	ssyncset.done $0x0  }
.LBB2_8:
0xec: {  	s0 =	sadd.s32 $0x80, s28  }
0xed: {  	[sflag:s17] =	ssyncadd.s32 $0xFFFFC000;
	s30 =	smov.u32 s29;
	s31 =	sadd.s32 $0x400, s29  }
0xee: {  	[tilespmem:s21], [sflag:$0x2] =	stream.indirect.gather [hbm4b:s5+s19], $0x80, s0, s19, $0xb8;
	[tilespmem:$0x1E400] =	vst v63  }
0xef: {  	p1 =	sne.s32 s29, $0x4800;
	_ =	swait.ge [sflag:s22], $0x4000  }
0xf0: {  	[sflag:s22] =	ssyncset.done $0x0  }
0xf1: {  	s0 =	sadd.s32 $0x1400, s28;
	[sflag:s22] =	ssyncadd.s32 $0xFFFFC000  }
0xf2: {  	[spmem:s1] =	stream.indirect.scatter.add.f32 [tilespmem:s20], [sflag:$0x3], $0x80, s0, s19, $0xb8;
	[tilespmem:$0x1E400] =	vst v63  }
0xf3: {  	_ =	swait.ge [sflag:s17], $0x4000  }
0xf4: {  	[sflag:s17] =	ssyncset.done $0x0  }
0xf5: {  	s0 =	sadd.s32 $0x100, s28;
	[sflag:s17] =	ssyncadd.s32 $0xFFFFC000  }
0xf6: {  	[tilespmem:s20], [sflag:$0x1] =	stream.indirect.gather [hbm4b:s5+s19], $0x80, s0, s19, $0xb8;
	[tilespmem:$0x1E400] =	vst v63  }
0xf7: {  	_ =	swait.ge [sflag:s23], $0x4000  }
.Ltmp6:
0xf8: {  	[sflag:s23] =	ssyncset.done $0x0;
	(pc) =	sbr.rel @p1 .LBB2_8-.Ltmp6, $4  }
0xf9: {  	s0 =	sadd.s32 $0x1480, s28;
	[sflag:s23] =	ssyncadd.s32 $0xFFFFC000  }
0xfa: {  	[spmem:s1] =	stream.indirect.scatter.add.f32 [tilespmem:s21], [sflag:$0x3], $0x80, s0, s19, $0xb8;
	[tilespmem:$0x1E400] =	vst v63  }
0xfb: {  	_ =	swait.ge [sflag:s17], $0x4000  }
0xfc: {  	s29 =	smov.u32 s31;
	s28 =	sshra.s32 s30, $0x2;
	[sflag:s17] =	ssyncset.done $0x0  }
0xfd: {  	s0 =	sadd.s32 $0x80, s28;
	[sflag:s17] =	ssyncadd.s32 $0xFFFFC000  }
0xfe: {  	[tilespmem:s21], [sflag:$0x2] =	stream.indirect.gather [hbm4b:s5+s19], $0x80, s0, s19, $0xb8;
	[tilespmem:$0x1E400] =	vst v63  }
0xff: {  	_ =	swait.ge [sflag:s22], $0x4000  }
0x100: {  	[sflag:s22] =	ssyncset.done $0x0  }
0x101: {  	s30 =	sadd.s32 $0x1400, s28;
	[sflag:s22] =	ssyncadd.s32 $0xFFFFC000  }
0x102: {  	[spmem:s1] =	stream.indirect.scatter.add.f32 [tilespmem:s20], [sflag:$0x3], $0x80, s30, s19, $0xb8;
	[tilespmem:$0x1E400] =	vst v63  }
0x103: {  	_ =	swait.ge [sflag:s17], $0x4000  }
0x104: {  	[sflag:s17] =	ssyncset.done $0x0  }
0x105: {  	s31 =	sadd.s32 $0x100, s28;
	[sflag:s17] =	ssyncadd.s32 $0xFFFFC000  }
0x106: {  	[tilespmem:s20], [sflag:$0x1] =	stream.indirect.gather [hbm4b:s5+s19], $0x80, s31, s19, $0xb8;
	[tilespmem:$0x1E400] =	vst v63  }
0x107: {  	_ =	swait.ge [sflag:s23], $0x4000  }
0x108: {  	[sflag:s23] =	ssyncset.done $0x0  }
0x109: {  	s30 =	sadd.s32 $0x1480, s28;
	[sflag:s23] =	ssyncadd.s32 $0xFFFFC000  }
0x10a: {  	[spmem:s1] =	stream.indirect.scatter.add.f32 [tilespmem:s21], [sflag:$0x3], $0x80, s30, s19, $0xb8;
	[tilespmem:$0x1E400] =	vst v63  }
0x10b: {  	_ =	swait.ge [sflag:s17], $0x4000  }
0x10c: {  	[sflag:s17] =	ssyncset.done $0x0  }
0x10d: {  	[sflag:s17] =	ssyncadd.s32 $0xFFFFC000  }
0x10e: {  	[tilespmem:s21], [sflag:$0x2] =	stream.indirect.gather [hbm4b:s5+s19], $0x80, s24, s19, $0xb8;
	[tilespmem:$0x1E400] =	vst v63  }
0x10f: {  	_ =	swait.ge [sflag:s22], $0x4000  }
0x110: {  	[sflag:s22] =	ssyncset.done $0x0  }
0x111: {  	[sflag:s22] =	ssyncadd.s32 $0xFFFFC000  }
0x112: {  	[spmem:s1] =	stream.indirect.scatter.add.f32 [tilespmem:s20], [sflag:$0x3], $0x80, s25, s19, $0xb8;
	[tilespmem:$0x1E400] =	vst v63  }
0x113: {  	_ =	swait.ge [sflag:s17], $0x4000  }
0x114: {  	[sflag:s17] =	ssyncset.done $0x0  }
0x115: {  	[sflag:s17] =	ssyncadd.s32 $0xFFFFC000  }
0x116: {  	_ =	swait.ge [sflag:s23], $0x4000  }
0x117: {  	[sflag:s23] =	ssyncset.done $0x0  }
0x118: {  	[sflag:s23] =	ssyncadd.s32 $0xFFFFC000  }
0x119: {  	[spmem:s1] =	stream.indirect.scatter.add.f32 [tilespmem:s21], [sflag:$0x3], $0x80, s26, s19, $0xb8;
	[tilespmem:$0x1E400] =	vst v63  }
0x11a: {  	_ =	swait.ge [sflag:s17], $0x4000  }
0x11b: {  	[sflag:s17] =	ssyncset.done $0x0  }
0x11c: {  	s31 =	simm.s32 $0x0;
	[sflag:s17] =	ssyncadd.s32 $0xFFFFC000  }
0x11d: {  	[tilespmem:s31], [sflag:$0x3] =	stream.linear.gather [hbm4b:s14+s31], $0x1400, $0x38;
	[tilespmem:$0x1E400] =	vst v63  }
0x11e: {  	_ =	swait.ge [sflag:s17], $0x1400  }
0x11f: {  	[sflag:s17] =	ssyncset.done $0x0  }
0x120: {  	[sflag:s17] =	ssyncadd.s32 $0xFFFFEC00  }
0x121: {  	[tilespmem:s18], [sflag:$0x3] =	stream.linear.gather [hbm4b:s15+s31], $0x1400, $0x38;
	[tilespmem:$0x1E400] =	vst v63  }
0x122: {  	_ =	swait.ge [sflag:s17], $0x1400  }
0x123: {  	[sflag:s17] =	ssyncset.done $0x0  }
0x124: {  	[sflag:s17] =	ssyncadd.s32 $0xFFFFEC00  }
0x125: {  	[tilespmem:s20], [sflag:$0x1] =	stream.indirect.gather [hbm4b:s5+s19], $0x80, s31, s19, $0xb8;
	[tilespmem:$0x1E400] =	vst v63  }
0x126: {  	s30 =	simm.s32 $0x80  }
0x127: {  	[tilespmem:s21], [sflag:$0x2] =	stream.indirect.gather [hbm4b:s5+s19], $0x80, s30, s19, $0xb8;
	[tilespmem:$0x1E400] =	vst v63  }
0x128: {  	_ =	swait.ge [sflag:s22], $0x4000  }
0x129: {  	[sflag:s22] =	ssyncset.done $0x0  }
0x12a: {  	s31 =	simm.s32 $0x1400;
	[sflag:s22] =	ssyncadd.s32 $0xFFFFC000  }
0x12b: {  	[spmem:s1] =	stream.indirect.scatter.add.f32 [tilespmem:s20], [sflag:$0x3], $0x80, s31, s19, $0xb8;
	[tilespmem:$0x1E400] =	vst v63  }
0x12c: {  	_ =	swait.ge [sflag:s17], $0x4000  }
0x12d: {  	[sflag:s17] =	ssyncset.done $0x0  }
0x12e: {  	s30 =	simm.s32 $0x100;
	[sflag:s17] =	ssyncadd.s32 $0xFFFFC000  }
0x12f: {  	[tilespmem:s20], [sflag:$0x1] =	stream.indirect.gather [hbm4b:s5+s19], $0x80, s30, s19, $0xb8;
	[tilespmem:$0x1E400] =	vst v63  }
0x130: {  	_ =	swait.ge [sflag:s23], $0x4000  }
0x131: {  	[sflag:s23] =	ssyncset.done $0x0  }
0x132: {  	s31 =	simm.s32 $0x1480;
	[sflag:s23] =	ssyncadd.s32 $0xFFFFC000  }
0x133: {  	[spmem:s1] =	stream.indirect.scatter.add.f32 [tilespmem:s21], [sflag:$0x3], $0x80, s31, s19, $0xb8;
	[tilespmem:$0x1E400] =	vst v63  }
0x134: {  	_ =	swait.ge [sflag:s17], $0x4000  }
0x135: {  	s29 =	simm.s32 $0x800;
	s28 =	simm.s32 $0x100;
	[sflag:s17] =	ssyncset.done $0x0  }
.LBB2_10:
0x136: {  	s0 =	sadd.s32 $0x80, s28  }
0x137: {  	[sflag:s17] =	ssyncadd.s32 $0xFFFFC000;
	s30 =	smov.u32 s29;
	s31 =	sadd.s32 $0x400, s29  }
0x138: {  	[tilespmem:s21], [sflag:$0x2] =	stream.indirect.gather [hbm4b:s5+s19], $0x80, s0, s19, $0xb8;
	[tilespmem:$0x1E400] =	vst v63  }
0x139: {  	p1 =	sne.s32 s29, $0x4800;
	_ =	swait.ge [sflag:s22], $0x4000  }
0x13a: {  	[sflag:s22] =	ssyncset.done $0x0  }
0x13b: {  	s0 =	sadd.s32 $0x1400, s28;
	[sflag:s22] =	ssyncadd.s32 $0xFFFFC000  }
0x13c: {  	[spmem:s1] =	stream.indirect.scatter.add.f32 [tilespmem:s20], [sflag:$0x3], $0x80, s0, s19, $0xb8;
	[tilespmem:$0x1E400] =	vst v63  }
0x13d: {  	_ =	swait.ge [sflag:s17], $0x4000  }
0x13e: {  	[sflag:s17] =	ssyncset.done $0x0  }
0x13f: {  	s0 =	sadd.s32 $0x100, s28;
	[sflag:s17] =	ssyncadd.s32 $0xFFFFC000  }
0x140: {  	[tilespmem:s20], [sflag:$0x1] =	stream.indirect.gather [hbm4b:s5+s19], $0x80, s0, s19, $0xb8;
	[tilespmem:$0x1E400] =	vst v63  }
0x141: {  	_ =	swait.ge [sflag:s23], $0x4000  }
.Ltmp7:
0x142: {  	[sflag:s23] =	ssyncset.done $0x0;
	(pc) =	sbr.rel @p1 .LBB2_10-.Ltmp7, $4  }
0x143: {  	s0 =	sadd.s32 $0x1480, s28;
	[sflag:s23] =	ssyncadd.s32 $0xFFFFC000  }
0x144: {  	[spmem:s1] =	stream.indirect.scatter.add.f32 [tilespmem:s21], [sflag:$0x3], $0x80, s0, s19, $0xb8;
	[tilespmem:$0x1E400] =	vst v63  }
0x145: {  	_ =	swait.ge [sflag:s17], $0x4000  }
0x146: {  	s29 =	smov.u32 s31;
	s28 =	sshra.s32 s30, $0x2;
	[sflag:s17] =	ssyncset.done $0x0  }
.Ltmp8:
0x147: {  	_ = 	snop;
	(pc) =	sbr.rel .LBB2_11-.Ltmp8, $1  }
0x148: {  	_ =	sdelay $0x3  }
.LBB2_13:
0x149: {  	_ =	sfence.sel $0x180000  }
0x14a: {  	[bflag:$0x0] =	sbarrier.arrive $0xFFFF  }
0x14b: {  	_ =	strace $0x9000004D  }
0x14c: {  	[bflag:$0x2] =	sbarrier.arrive $0xFFFF  }
0x14d: {  	p0 =	sne.s32 s4, $0x0;
	s0 =	rddreg [dreg:$0x2]  }
0x14e: {  	s0 =	sadd.s32 @!p0 $0x100000, s0  }
0x14f: {  	[sflag:s0] =	ssyncadd.tile.s32 @!p0 $0x1;
	_ =	shalt  }
.Lfunc_end2:
_tile_overlayer_lowered:
.L_overlay_start_2:
0x150: {  	(tag) =	ssettag $0x2  }
0x151: {  	s0 =	rddreg [dreg:$0x0];
	s2 =	stileid.u32  }
0x152: {  	s1 =	rddreg [dreg:$0x1];
	p0 =	sne.s32 s2, $0x0  }
0x153: {  	s3 =	rddreg [dreg:$0x2];
	[bflag:$0x3] =	sbarrier.arrive $0xFFFF;
	s2 =	simm.s32 @!p0 $0x1C03  }
0x154: {  	[timem:s3], [sflag:s2] =	dma.local @!p0 [hbm:s0], s1  }
0x155: {  	s0 =	simm.s32 @!p0 $0x3  }
0x156: {  	_ =	swait.ge @!p0 [sflag:s0], s1  }
0x157: {  	s1 =	ssub.s32 @!p0 $0x0, s1;
	[sflag:s0] =	ssyncset.done @!p0 $0x0  }
0x158: {  	[sflag:s0] =	ssyncadd.s32 @!p0 s1  }
0x159: {  	[bflag:$0x3] =	sbarrier.arrive $0xFFFF  }
0x15a: {  	_ =	shalt  }

</sc_bundles>
